<compile_context>
chip_gen: v7x
topology: tpu7x:2x2x1
jax: 0.10.2.dev20260603
libtpu: 0.0.44.dev20260713+nightly
codegen_flags: <defaults>
</compile_context>

<pallas_src>
import functools

import jax
import jax.numpy as jnp
from jax import lax
from jax.experimental import pallas as pl
from jax.experimental.pallas import tpu as pltpu
from jax.experimental.pallas import tpu_sc as plsc

B = 16384
V = 1000000
DIM = 32
NC = 2
NS = 16
NW = NC * NS
BPW = B // NW
CH = 128
NCH = BPW // CH
L = 16
GE = 8

_params = pltpu.CompilerParams(
    needs_layout_passes=False, use_tc_tiling_on_sc=True)
_mesh = plsc.VectorSubcoreMesh(core_axis_name="c", subcore_axis_name="s")


def _dot_body(user_h, item_h, ut_h, it_h, out_h,
              uidx, iidx, uwin, iwin, outv, sem, gsem):
    cid = lax.axis_index("c")
    sid = lax.axis_index("s")
    wid = sid * NC + cid
    base = wid * BPW

    cps = [
        pltpu.async_copy(user_h.at[pl.ds(base, BPW)], uidx, sem),
        pltpu.async_copy(item_h.at[pl.ds(base, BPW)], iidx, sem),
    ]
    for c in cps:
        c.wait()

    eslot = lax.iota(jnp.int32, L) & (GE - 1)
    lanehalf = lax.iota(jnp.int32, L) < GE

    def group(g, carry):
        r0 = g * L
        u16 = uidx[pl.ds(r0, L)]
        i16 = iidx[pl.ds(r0, L)]
        ustart = (u16 // 128) * 128
        istart = (i16 // 128) * 128
        ulane = u16 - ustart
        ilane = i16 - istart

        def fetch(e0):
            dcs = []
            for e in range(GE):
                su = pl.multiple_of(ustart[e0 + e], 128)
                si = pl.multiple_of(istart[e0 + e], 128)
                dcs.append(pltpu.async_copy(
                    ut_h.at[:, pl.ds(su, 128)], uwin.at[e], gsem))
                dcs.append(pltpu.async_copy(
                    it_h.at[:, pl.ds(si, 128)], iwin.at[e], gsem))
            for c in dcs:
                c.wait()

        def extract():
            acc = jnp.zeros((L,), jnp.float32)
            for d in range(DIM):
                dv = jnp.full((L,), d, jnp.int32)
                uv = plsc.load_gather(uwin, [eslot, dv, ulane])
                iv = plsc.load_gather(iwin, [eslot, dv, ilane])
                acc = acc + uv * iv
            return acc

        fetch(0)
        acc_a = extract()
        fetch(GE)
        acc_b = extract()
        outv[pl.ds(r0, L)] = jnp.where(lanehalf, acc_a, acc_b)
        return carry

    lax.fori_loop(0, BPW // L, group, 0)
    pltpu.sync_copy(outv, out_h.at[pl.ds(base, BPW)])


def _bias_body(user_h, item_h, but_h, bit_h, out_h,
               uidx, iidx, bu, bi, outv, sem):
    cid = lax.axis_index("c")
    sid = lax.axis_index("s")
    wid = sid * NC + cid
    base = wid * BPW

    cps = [
        pltpu.async_copy(user_h.at[pl.ds(base, BPW)], uidx, sem),
        pltpu.async_copy(item_h.at[pl.ds(base, BPW)], iidx, sem),
    ]
    for c in cps:
        c.wait()
    gs = []
    for j in range(NCH):
        gs.append(pltpu.async_copy(
            but_h.at[uidx.at[pl.ds(j * CH, CH)]], bu.at[pl.ds(j * CH, CH)],
            sem))
        gs.append(pltpu.async_copy(
            bit_h.at[iidx.at[pl.ds(j * CH, CH)]], bi.at[pl.ds(j * CH, CH)],
            sem))
    for g in gs:
        g.wait()

    def group(g, carry):
        r0 = g * L
        outv[pl.ds(r0, L)] = bu[pl.ds(r0, L)] + bi[pl.ds(r0, L)]
        return carry

    lax.fori_loop(0, BPW // L, group, 0)
    pltpu.sync_copy(outv, out_h.at[pl.ds(base, BPW)])


_dot_sc = functools.partial(
    pl.kernel,
    mesh=_mesh,
    compiler_params=_params,
    out_type=jax.ShapeDtypeStruct((B,), jnp.float32),
    scratch_types=[
        pltpu.VMEM((BPW,), jnp.int32),
        pltpu.VMEM((BPW,), jnp.int32),
        pltpu.VMEM((GE, DIM, 128), jnp.float32),
        pltpu.VMEM((GE, DIM, 128), jnp.float32),
        pltpu.VMEM((BPW,), jnp.float32),
        pltpu.SemaphoreType.DMA,
        pltpu.SemaphoreType.DMA,
    ],
)(_dot_body)

_bias_sc = functools.partial(
    pl.kernel,
    mesh=_mesh,
    compiler_params=_params,
    out_type=jax.ShapeDtypeStruct((B,), jnp.float32),
    scratch_types=[
        pltpu.VMEM((BPW,), jnp.int32),
        pltpu.VMEM((BPW,), jnp.int32),
        pltpu.VMEM((BPW,), jnp.float32),
        pltpu.VMEM((BPW,), jnp.float32),
        pltpu.VMEM((BPW,), jnp.float32),
        pltpu.SemaphoreType.DMA,
    ],
)(_bias_body)


@jax.jit
def kernel(user, item, user_table, item_table, bias_user_table,
           bias_item_table, global_bias):
    user = user.astype(jnp.int32)
    item = item.astype(jnp.int32)
    dot = _dot_sc(user, item, user_table.T, item_table.T)
    bsum = _bias_sc(user, item, bias_user_table.reshape(-1),
                    bias_item_table.reshape(-1))
    out = jnp.clip(dot + global_bias + bsum, 1.0, 5.0)
    return out.reshape(1, B)

# --- scband reference (transcript-rebuilt; emitter-appended) ---
"""Pipeline reference for scband-svdmodel-36249523978372 (READ-ONLY COPY).

The authoritative reference and input builder live on the scoring server;
editing this copy changes nothing except your own understanding.
"""

import jax, jax.numpy as jnp
import numpy as np

USER_NUM = 1000000
ITEM_NUM = 1000000
DIM = 32
B = 16384


def setup_inputs(seed: int = 0) -> dict:
    key = jax.random.key(seed)
    ks = jax.random.split(key, 6)
    user = jax.random.randint(ks[0], (B,), 0, USER_NUM)
    item = jax.random.randint(ks[1], (B,), 0, ITEM_NUM)
    # learned parameters (scaled so predictions land inside the [1, 5] clip range)
    user_table = jax.random.normal(ks[2], (USER_NUM, DIM), dtype=jnp.float32) * 0.3
    item_table = jax.random.normal(ks[3], (ITEM_NUM, DIM), dtype=jnp.float32) * 0.3
    bias_user_table = jax.random.normal(ks[4], (USER_NUM, 1), dtype=jnp.float32) * 0.1
    bias_item_table = jax.random.normal(ks[5], (ITEM_NUM, 1), dtype=jnp.float32) * 0.1
    global_bias = jnp.float32(3.0)
    return {
        "user": user,
        "item": item,
        "user_table": user_table,
        "item_table": item_table,
        "bias_user_table": bias_user_table,
        "bias_item_table": bias_item_table,
        "global_bias": global_bias,
    }


def reference(user, item, user_table, item_table, bias_user_table, bias_item_table, global_bias):
    # embedding lookups (gather)
    user_emb = jnp.take(user_table, user, axis=0)          # [B, DIM]
    item_emb = jnp.take(item_table, item, axis=0)          # [B, DIM]
    dot = jnp.sum(user_emb * item_emb, axis=1)             # [B]
    bias_user = jnp.take(bias_user_table, user, axis=0)    # [B, 1]
    bias_item = jnp.take(bias_item_table, item, axis=0)    # [B, 1]
    # faithful to TF: dot [B] + transpose(bias) [1, B] broadcasts to [1, B]
    output = dot + global_bias + jnp.transpose(bias_user) + jnp.transpose(bias_item)
    output_star = jnp.clip(output, 1.0, 5.0)
    return output_star

if __name__ == "__main__":
    import jax
    _d = setup_inputs()
    print(jax.jit(kernel)(*tuple(_d.values())))

</pallas_src>

<mosaic_0001>
#map = affine_map<(d0, d1) -> (0)>
module attributes {stable_mosaic.version = 14 : i64} {
  func.func @_bias_body(%arg0: i32, %arg1: i32, %arg2: memref<16384xi32, #tpu.memory_space<hbm>>, %arg3: memref<16384xi32, #tpu.memory_space<hbm>>, %arg4: memref<1000000xf32, #tpu.memory_space<hbm>>, %arg5: memref<1000000xf32, #tpu.memory_space<hbm>>, %arg6: memref<16384xf32, #tpu.memory_space<hbm>>, %arg7: memref<512xi32, #tpu.memory_space<vmem>>, %arg8: memref<512xi32, #tpu.memory_space<vmem>>, %arg9: memref<512xf32, #tpu.memory_space<vmem>>, %arg10: memref<512xf32, #tpu.memory_space<vmem>>, %arg11: memref<512xf32, #tpu.memory_space<vmem>>, %arg12: memref<!tpu.dma_semaphore, #tpu.memory_space<semaphore_mem>>) attributes {dimension_semantics = [#tpu.dimension_semantics<core_parallel>, #tpu.dimension_semantics<subcore_parallel>], iteration_bounds = array<i64: 2, 16>, scalar_prefetch = 0 : i64, scratch_operands = 6 : i64, tpu.core_type = #tpu.core_type<sc_vector_subcore>, window_params = [{transform_indices = #map}, {transform_indices = #map}, {transform_indices = #map}, {transform_indices = #map}, {transform_indices = #map}]} {
    %mul3A = arith.constant 2 : i32
    %mul3A_0 = arith.muli %arg1, %mul3A : i32
    %add3A = arith.addi %mul3A_0, %arg0 : i32
    %mul3A_1 = arith.constant 512 : i32
    %mul3A_2 = arith.muli %add3A, %mul3A_1 : i32
    %dma_start3A = tpu.memref_slice %arg2[%mul3A_2] : memref<16384xi32, #tpu.memory_space<hbm>> -> memref<512xi32, #tpu.memory_space<hbm>>
    %dma_start3A_3 = tpu.memref_slice %arg2[%mul3A_2] : memref<16384xi32, #tpu.memory_space<hbm>> -> memref<512xi32, #tpu.memory_space<hbm>>
    tpu.enqueue_dma source(%dma_start3A_3 : memref<512xi32, #tpu.memory_space<hbm>>) target(%arg7 : memref<512xi32, #tpu.memory_space<vmem>>) target_semaphore(%arg12 : memref<!tpu.dma_semaphore, #tpu.memory_space<semaphore_mem>>)
    %dma_start3A_4 = tpu.memref_slice %arg3[%mul3A_2] : memref<16384xi32, #tpu.memory_space<hbm>> -> memref<512xi32, #tpu.memory_space<hbm>>
    %dma_start3A_5 = tpu.memref_slice %arg3[%mul3A_2] : memref<16384xi32, #tpu.memory_space<hbm>> -> memref<512xi32, #tpu.memory_space<hbm>>
    tpu.enqueue_dma source(%dma_start3A_5 : memref<512xi32, #tpu.memory_space<hbm>>) target(%arg8 : memref<512xi32, #tpu.memory_space<vmem>>) target_semaphore(%arg12 : memref<!tpu.dma_semaphore, #tpu.memory_space<semaphore_mem>>)
    %dma_wait3A = tpu.memref_slice %arg2[%mul3A_2] : memref<16384xi32, #tpu.memory_space<hbm>> -> memref<512xi32, #tpu.memory_space<hbm>>
    %dma_wait3A_6 = tpu.memref_slice %arg2[%mul3A_2] : memref<16384xi32, #tpu.memory_space<hbm>> -> memref<512xi32, #tpu.memory_space<hbm>>
    tpu.wait_dma2 semaphore(%arg12 : memref<!tpu.dma_semaphore, #tpu.memory_space<semaphore_mem>>) src(%dma_wait3A_6 : memref<512xi32, #tpu.memory_space<hbm>>) dst(%arg7 : memref<512xi32, #tpu.memory_space<vmem>>)
    %dma_wait3A_7 = tpu.memref_slice %arg3[%mul3A_2] : memref<16384xi32, #tpu.memory_space<hbm>> -> memref<512xi32, #tpu.memory_space<hbm>>
    %dma_wait3A_8 = tpu.memref_slice %arg3[%mul3A_2] : memref<16384xi32, #tpu.memory_space<hbm>> -> memref<512xi32, #tpu.memory_space<hbm>>
    tpu.wait_dma2 semaphore(%arg12 : memref<!tpu.dma_semaphore, #tpu.memory_space<semaphore_mem>>) src(%dma_wait3A_8 : memref<512xi32, #tpu.memory_space<hbm>>) dst(%arg8 : memref<512xi32, #tpu.memory_space<vmem>>)
    %dma_start3A_9 = arith.constant 0 : i32
    %dma_start3A_10 = tpu.memref_slice %arg9[%dma_start3A_9] : memref<512xf32, #tpu.memory_space<vmem>> -> memref<128xf32, #tpu.memory_space<vmem>>
    %dma_start3A_11 = arith.constant 0 : i32
    %dma_start3A_12 = tpu.memref_slice %arg7[%dma_start3A_11] : memref<512xi32, #tpu.memory_space<vmem>> -> memref<128xi32, #tpu.memory_space<vmem>>
    %dma_start3A_13 = arith.constant 0 : i32
    %dma_start3A_14 = tpu.memref_slice %arg4[%dma_start3A_13] : memref<1000000xf32, #tpu.memory_space<hbm>> -> memref<1000000xf32, #tpu.memory_space<hbm>>
    tpu.enqueue_indirect_dma source(%dma_start3A_14 : memref<1000000xf32, #tpu.memory_space<hbm>>) target(%dma_start3A_10 : memref<128xf32, #tpu.memory_space<vmem>>) offsets(%dma_start3A_12 : memref<128xi32, #tpu.memory_space<vmem>>) semaphore(%arg12 : memref<!tpu.dma_semaphore, #tpu.memory_space<semaphore_mem>>)
    %dma_start3A_15 = arith.constant 0 : i32
    %dma_start3A_16 = tpu.memref_slice %arg10[%dma_start3A_15] : memref<512xf32, #tpu.memory_space<vmem>> -> memref<128xf32, #tpu.memory_space<vmem>>
    %dma_start3A_17 = arith.constant 0 : i32
    %dma_start3A_18 = tpu.memref_slice %arg8[%dma_start3A_17] : memref<512xi32, #tpu.memory_space<vmem>> -> memref<128xi32, #tpu.memory_space<vmem>>
    %dma_start3A_19 = arith.constant 0 : i32
    %dma_start3A_20 = tpu.memref_slice %arg5[%dma_start3A_19] : memref<1000000xf32, #tpu.memory_space<hbm>> -> memref<1000000xf32, #tpu.memory_space<hbm>>
    tpu.enqueue_indirect_dma source(%dma_start3A_20 : memref<1000000xf32, #tpu.memory_space<hbm>>) target(%dma_start3A_16 : memref<128xf32, #tpu.memory_space<vmem>>) offsets(%dma_start3A_18 : memref<128xi32, #tpu.memory_space<vmem>>) semaphore(%arg12 : memref<!tpu.dma_semaphore, #tpu.memory_space<semaphore_mem>>)
    %dma_start3A_21 = arith.constant 128 : i32
    %dma_start3A_22 = tpu.memref_slice %arg9[%dma_start3A_21] : memref<512xf32, #tpu.memory_space<vmem>> -> memref<128xf32, #tpu.memory_space<vmem>>
    %dma_start3A_23 = arith.constant 128 : i32
    %dma_start3A_24 = tpu.memref_slice %arg7[%dma_start3A_23] : memref<512xi32, #tpu.memory_space<vmem>> -> memref<128xi32, #tpu.memory_space<vmem>>
    %dma_start3A_25 = arith.constant 0 : i32
    %dma_start3A_26 = tpu.memref_slice %arg4[%dma_start3A_25] : memref<1000000xf32, #tpu.memory_space<hbm>> -> memref<1000000xf32, #tpu.memory_space<hbm>>
    tpu.enqueue_indirect_dma source(%dma_start3A_26 : memref<1000000xf32, #tpu.memory_space<hbm>>) target(%dma_start3A_22 : memref<128xf32, #tpu.memory_space<vmem>>) offsets(%dma_start3A_24 : memref<128xi32, #tpu.memory_space<vmem>>) semaphore(%arg12 : memref<!tpu.dma_semaphore, #tpu.memory_space<semaphore_mem>>)
    %dma_start3A_27 = arith.constant 128 : i32
    %dma_start3A_28 = tpu.memref_slice %arg10[%dma_start3A_27] : memref<512xf32, #tpu.memory_space<vmem>> -> memref<128xf32, #tpu.memory_space<vmem>>
    %dma_start3A_29 = arith.constant 128 : i32
    %dma_start3A_30 = tpu.memref_slice %arg8[%dma_start3A_29] : memref<512xi32, #tpu.memory_space<vmem>> -> memref<128xi32, #tpu.memory_space<vmem>>
    %dma_start3A_31 = arith.constant 0 : i32
    %dma_start3A_32 = tpu.memref_slice %arg5[%dma_start3A_31] : memref<1000000xf32, #tpu.memory_space<hbm>> -> memref<1000000xf32, #tpu.memory_space<hbm>>
    tpu.enqueue_indirect_dma source(%dma_start3A_32 : memref<1000000xf32, #tpu.memory_space<hbm>>) target(%dma_start3A_28 : memref<128xf32, #tpu.memory_space<vmem>>) offsets(%dma_start3A_30 : memref<128xi32, #tpu.memory_space<vmem>>) semaphore(%arg12 : memref<!tpu.dma_semaphore, #tpu.memory_space<semaphore_mem>>)
    %dma_start3A_33 = arith.constant 256 : i32
    %dma_start3A_34 = tpu.memref_slice %arg9[%dma_start3A_33] : memref<512xf32, #tpu.memory_space<vmem>> -> memref<128xf32, #tpu.memory_space<vmem>>
    %dma_start3A_35 = arith.constant 256 : i32
    %dma_start3A_36 = tpu.memref_slice %arg7[%dma_start3A_35] : memref<512xi32, #tpu.memory_space<vmem>> -> memref<128xi32, #tpu.memory_space<vmem>>
    %dma_start3A_37 = arith.constant 0 : i32
    %dma_start3A_38 = tpu.memref_slice %arg4[%dma_start3A_37] : memref<1000000xf32, #tpu.memory_space<hbm>> -> memref<1000000xf32, #tpu.memory_space<hbm>>
    tpu.enqueue_indirect_dma source(%dma_start3A_38 : memref<1000000xf32, #tpu.memory_space<hbm>>) target(%dma_start3A_34 : memref<128xf32, #tpu.memory_space<vmem>>) offsets(%dma_start3A_36 : memref<128xi32, #tpu.memory_space<vmem>>) semaphore(%arg12 : memref<!tpu.dma_semaphore, #tpu.memory_space<semaphore_mem>>)
    %dma_start3A_39 = arith.constant 256 : i32
    %dma_start3A_40 = tpu.memref_slice %arg10[%dma_start3A_39] : memref<512xf32, #tpu.memory_space<vmem>> -> memref<128xf32, #tpu.memory_space<vmem>>
    %dma_start3A_41 = arith.constant 256 : i32
    %dma_start3A_42 = tpu.memref_slice %arg8[%dma_start3A_41] : memref<512xi32, #tpu.memory_space<vmem>> -> memref<128xi32, #tpu.memory_space<vmem>>
    %dma_start3A_43 = arith.constant 0 : i32
    %dma_start3A_44 = tpu.memref_slice %arg5[%dma_start3A_43] : memref<1000000xf32, #tpu.memory_space<hbm>> -> memref<1000000xf32, #tpu.memory_space<hbm>>
    tpu.enqueue_indirect_dma source(%dma_start3A_44 : memref<1000000xf32, #tpu.memory_space<hbm>>) target(%dma_start3A_40 : memref<128xf32, #tpu.memory_space<vmem>>) offsets(%dma_start3A_42 : memref<128xi32, #tpu.memory_space<vmem>>) semaphore(%arg12 : memref<!tpu.dma_semaphore, #tpu.memory_space<semaphore_mem>>)
    %dma_start3A_45 = arith.constant 384 : i32
    %dma_start3A_46 = tpu.memref_slice %arg9[%dma_start3A_45] : memref<512xf32, #tpu.memory_space<vmem>> -> memref<128xf32, #tpu.memory_space<vmem>>
    %dma_start3A_47 = arith.constant 384 : i32
    %dma_start3A_48 = tpu.memref_slice %arg7[%dma_start3A_47] : memref<512xi32, #tpu.memory_space<vmem>> -> memref<128xi32, #tpu.memory_space<vmem>>
    %dma_start3A_49 = arith.constant 0 : i32
    %dma_start3A_50 = tpu.memref_slice %arg4[%dma_start3A_49] : memref<1000000xf32, #tpu.memory_space<hbm>> -> memref<1000000xf32, #tpu.memory_space<hbm>>
    tpu.enqueue_indirect_dma source(%dma_start3A_50 : memref<1000000xf32, #tpu.memory_space<hbm>>) target(%dma_start3A_46 : memref<128xf32, #tpu.memory_space<vmem>>) offsets(%dma_start3A_48 : memref<128xi32, #tpu.memory_space<vmem>>) semaphore(%arg12 : memref<!tpu.dma_semaphore, #tpu.memory_space<semaphore_mem>>)
    %dma_start3A_51 = arith.constant 384 : i32
    %dma_start3A_52 = tpu.memref_slice %arg10[%dma_start3A_51] : memref<512xf32, #tpu.memory_space<vmem>> -> memref<128xf32, #tpu.memory_space<vmem>>
    %dma_start3A_53 = arith.constant 384 : i32
    %dma_start3A_54 = tpu.memref_slice %arg8[%dma_start3A_53] : memref<512xi32, #tpu.memory_space<vmem>> -> memref<128xi32, #tpu.memory_space<vmem>>
    %dma_start3A_55 = arith.constant 0 : i32
    %dma_start3A_56 = tpu.memref_slice %arg5[%dma_start3A_55] : memref<1000000xf32, #tpu.memory_space<hbm>> -> memref<1000000xf32, #tpu.memory_space<hbm>>
    tpu.enqueue_indirect_dma source(%dma_start3A_56 : memref<1000000xf32, #tpu.memory_space<hbm>>) target(%dma_start3A_52 : memref<128xf32, #tpu.memory_space<vmem>>) offsets(%dma_start3A_54 : memref<128xi32, #tpu.memory_space<vmem>>) semaphore(%arg12 : memref<!tpu.dma_semaphore, #tpu.memory_space<semaphore_mem>>)
    %dma_wait3A_57 = arith.constant 0 : i32
    %dma_wait3A_58 = tpu.memref_slice %arg9[%dma_wait3A_57] : memref<512xf32, #tpu.memory_space<vmem>> -> memref<128xf32, #tpu.memory_space<vmem>>
    %dma_wait3A_59 = arith.constant 0 : i32
    %dma_wait3A_60 = tpu.memref_slice %arg7[%dma_wait3A_59] : memref<512xi32, #tpu.memory_space<vmem>> -> memref<128xi32, #tpu.memory_space<vmem>>
    %dma_wait3A_61 = arith.constant 0 : i32
    %dma_wait3A_62 = tpu.memref_slice %arg4[%dma_wait3A_61] : memref<1000000xf32, #tpu.memory_space<hbm>> -> memref<1000000xf32, #tpu.memory_space<hbm>>
    tpu.wait_indirect_dma semaphore(%arg12 : memref<!tpu.dma_semaphore, #tpu.memory_space<semaphore_mem>>) src(%dma_wait3A_62 : memref<1000000xf32, #tpu.memory_space<hbm>>) dst(%dma_wait3A_58 : memref<128xf32, #tpu.memory_space<vmem>>)
    %dma_wait3A_63 = arith.constant 0 : i32
    %dma_wait3A_64 = tpu.memref_slice %arg10[%dma_wait3A_63] : memref<512xf32, #tpu.memory_space<vmem>> -> memref<128xf32, #tpu.memory_space<vmem>>
    %dma_wait3A_65 = arith.constant 0 : i32
    %dma_wait3A_66 = tpu.memref_slice %arg8[%dma_wait3A_65] : memref<512xi32, #tpu.memory_space<vmem>> -> memref<128xi32, #tpu.memory_space<vmem>>
    %dma_wait3A_67 = arith.constant 0 : i32
    %dma_wait3A_68 = tpu.memref_slice %arg5[%dma_wait3A_67] : memref<1000000xf32, #tpu.memory_space<hbm>> -> memref<1000000xf32, #tpu.memory_space<hbm>>
    tpu.wait_indirect_dma semaphore(%arg12 : memref<!tpu.dma_semaphore, #tpu.memory_space<semaphore_mem>>) src(%dma_wait3A_68 : memref<1000000xf32, #tpu.memory_space<hbm>>) dst(%dma_wait3A_64 : memref<128xf32, #tpu.memory_space<vmem>>)
    %dma_wait3A_69 = arith.constant 128 : i32
    %dma_wait3A_70 = tpu.memref_slice %arg9[%dma_wait3A_69] : memref<512xf32, #tpu.memory_space<vmem>> -> memref<128xf32, #tpu.memory_space<vmem>>
    %dma_wait3A_71 = arith.constant 128 : i32
    %dma_wait3A_72 = tpu.memref_slice %arg7[%dma_wait3A_71] : memref<512xi32, #tpu.memory_space<vmem>> -> memref<128xi32, #tpu.memory_space<vmem>>
    %dma_wait3A_73 = arith.constant 0 : i32
    %dma_wait3A_74 = tpu.memref_slice %arg4[%dma_wait3A_73] : memref<1000000xf32, #tpu.memory_space<hbm>> -> memref<1000000xf32, #tpu.memory_space<hbm>>
    tpu.wait_indirect_dma semaphore(%arg12 : memref<!tpu.dma_semaphore, #tpu.memory_space<semaphore_mem>>) src(%dma_wait3A_74 : memref<1000000xf32, #tpu.memory_space<hbm>>) dst(%dma_wait3A_70 : memref<128xf32, #tpu.memory_space<vmem>>)
    %dma_wait3A_75 = arith.constant 128 : i32
    %dma_wait3A_76 = tpu.memref_slice %arg10[%dma_wait3A_75] : memref<512xf32, #tpu.memory_space<vmem>> -> memref<128xf32, #tpu.memory_space<vmem>>
    %dma_wait3A_77 = arith.constant 128 : i32
    %dma_wait3A_78 = tpu.memref_slice %arg8[%dma_wait3A_77] : memref<512xi32, #tpu.memory_space<vmem>> -> memref<128xi32, #tpu.memory_space<vmem>>
    %dma_wait3A_79 = arith.constant 0 : i32
    %dma_wait3A_80 = tpu.memref_slice %arg5[%dma_wait3A_79] : memref<1000000xf32, #tpu.memory_space<hbm>> -> memref<1000000xf32, #tpu.memory_space<hbm>>
    tpu.wait_indirect_dma semaphore(%arg12 : memref<!tpu.dma_semaphore, #tpu.memory_space<semaphore_mem>>) src(%dma_wait3A_80 : memref<1000000xf32, #tpu.memory_space<hbm>>) dst(%dma_wait3A_76 : memref<128xf32, #tpu.memory_space<vmem>>)
    %dma_wait3A_81 = arith.constant 256 : i32
    %dma_wait3A_82 = tpu.memref_slice %arg9[%dma_wait3A_81] : memref<512xf32, #tpu.memory_space<vmem>> -> memref<128xf32, #tpu.memory_space<vmem>>
    %dma_wait3A_83 = arith.constant 256 : i32
    %dma_wait3A_84 = tpu.memref_slice %arg7[%dma_wait3A_83] : memref<512xi32, #tpu.memory_space<vmem>> -> memref<128xi32, #tpu.memory_space<vmem>>
    %dma_wait3A_85 = arith.constant 0 : i32
    %dma_wait3A_86 = tpu.memref_slice %arg4[%dma_wait3A_85] : memref<1000000xf32, #tpu.memory_space<hbm>> -> memref<1000000xf32, #tpu.memory_space<hbm>>
    tpu.wait_indirect_dma semaphore(%arg12 : memref<!tpu.dma_semaphore, #tpu.memory_space<semaphore_mem>>) src(%dma_wait3A_86 : memref<1000000xf32, #tpu.memory_space<hbm>>) dst(%dma_wait3A_82 : memref<128xf32, #tpu.memory_space<vmem>>)
    %dma_wait3A_87 = arith.constant 256 : i32
    %dma_wait3A_88 = tpu.memref_slice %arg10[%dma_wait3A_87] : memref<512xf32, #tpu.memory_space<vmem>> -> memref<128xf32, #tpu.memory_space<vmem>>
    %dma_wait3A_89 = arith.constant 256 : i32
    %dma_wait3A_90 = tpu.memref_slice %arg8[%dma_wait3A_89] : memref<512xi32, #tpu.memory_space<vmem>> -> memref<128xi32, #tpu.memory_space<vmem>>
    %dma_wait3A_91 = arith.constant 0 : i32
    %dma_wait3A_92 = tpu.memref_slice %arg5[%dma_wait3A_91] : memref<1000000xf32, #tpu.memory_space<hbm>> -> memref<1000000xf32, #tpu.memory_space<hbm>>
    tpu.wait_indirect_dma semaphore(%arg12 : memref<!tpu.dma_semaphore, #tpu.memory_space<semaphore_mem>>) src(%dma_wait3A_92 : memref<1000000xf32, #tpu.memory_space<hbm>>) dst(%dma_wait3A_88 : memref<128xf32, #tpu.memory_space<vmem>>)
    %dma_wait3A_93 = arith.constant 384 : i32
    %dma_wait3A_94 = tpu.memref_slice %arg9[%dma_wait3A_93] : memref<512xf32, #tpu.memory_space<vmem>> -> memref<128xf32, #tpu.memory_space<vmem>>
    %dma_wait3A_95 = arith.constant 384 : i32
    %dma_wait3A_96 = tpu.memref_slice %arg7[%dma_wait3A_95] : memref<512xi32, #tpu.memory_space<vmem>> -> memref<128xi32, #tpu.memory_space<vmem>>
    %dma_wait3A_97 = arith.constant 0 : i32
    %dma_wait3A_98 = tpu.memref_slice %arg4[%dma_wait3A_97] : memref<1000000xf32, #tpu.memory_space<hbm>> -> memref<1000000xf32, #tpu.memory_space<hbm>>
    tpu.wait_indirect_dma semaphore(%arg12 : memref<!tpu.dma_semaphore, #tpu.memory_space<semaphore_mem>>) src(%dma_wait3A_98 : memref<1000000xf32, #tpu.memory_space<hbm>>) dst(%dma_wait3A_94 : memref<128xf32, #tpu.memory_space<vmem>>)
    %dma_wait3A_99 = arith.constant 384 : i32
    %dma_wait3A_100 = tpu.memref_slice %arg10[%dma_wait3A_99] : memref<512xf32, #tpu.memory_space<vmem>> -> memref<128xf32, #tpu.memory_space<vmem>>
    %dma_wait3A_101 = arith.constant 384 : i32
    %dma_wait3A_102 = tpu.memref_slice %arg8[%dma_wait3A_101] : memref<512xi32, #tpu.memory_space<vmem>> -> memref<128xi32, #tpu.memory_space<vmem>>
    %dma_wait3A_103 = arith.constant 0 : i32
    %dma_wait3A_104 = tpu.memref_slice %arg5[%dma_wait3A_103] : memref<1000000xf32, #tpu.memory_space<hbm>> -> memref<1000000xf32, #tpu.memory_space<hbm>>
    tpu.wait_indirect_dma semaphore(%arg12 : memref<!tpu.dma_semaphore, #tpu.memory_space<semaphore_mem>>) src(%dma_wait3A_104 : memref<1000000xf32, #tpu.memory_space<hbm>>) dst(%dma_wait3A_100 : memref<128xf32, #tpu.memory_space<vmem>>)
    %scan3A = arith.constant 0 : i32
    %scan3A_105 = arith.constant 0 : i32
    %scan3A_106 = arith.constant 32 : i32
    %scan3A_107 = arith.addi %scan3A_105, %scan3A_106 : i32
    %scan3A_108 = arith.constant 1 : i32
    scf.for %scan3A_110 = %scan3A_105 to %scan3A_107 step %scan3A_108  : i32 {
      %mul3A_111 = arith.constant 16 : i32
      %mul3A_112 = arith.muli %scan3A_110, %mul3A_111 : i32
      %get3A = arith.index_cast %mul3A_112 : i32 to index
      %get3A_113 = tpu.vector_load %arg9[%get3A] {strides = array<i32>} : memref<512xf32, #tpu.memory_space<vmem>>, vector<16xf32>,
      %get3A_114 = arith.index_cast %mul3A_112 : i32 to index
      %get3A_115 = tpu.vector_load %arg10[%get3A_114] {strides = array<i32>} : memref<512xf32, #tpu.memory_space<vmem>>, vector<16xf32>,
      %add3A_116 = arith.addf %get3A_113, %get3A_115 : vector<16xf32>
      %swap3A = arith.index_cast %mul3A_112 : i32 to index
      %swap3A_117 = tpu.vector_load %arg11[%swap3A] {strides = array<i32>} : memref<512xf32, #tpu.memory_space<vmem>>, vector<16xf32>,
      tpu.vector_store %arg11[%swap3A], %add3A_116 {strides = array<i32>} : memref<512xf32, #tpu.memory_space<vmem>>, vector<16xf32>,
    }
    %scan3A_109 = arith.constant 32 : i32
    "tpu.region"() ({
      %run_scoped3A = tpu.sem_alloc : memref<!tpu.dma_semaphore, #tpu.memory_space<semaphore_mem>>
      %dma_start3A_110 = tpu.memref_slice %arg6[%mul3A_2] : memref<16384xf32, #tpu.memory_space<hbm>> -> memref<512xf32, #tpu.memory_space<hbm>>
      %dma_start3A_111 = tpu.memref_slice %arg6[%mul3A_2] : memref<16384xf32, #tpu.memory_space<hbm>> -> memref<512xf32, #tpu.memory_space<hbm>>
      tpu.enqueue_dma source(%arg11 : memref<512xf32, #tpu.memory_space<vmem>>) target(%dma_start3A_111 : memref<512xf32, #tpu.memory_space<hbm>>) target_semaphore(%run_scoped3A : memref<!tpu.dma_semaphore, #tpu.memory_space<semaphore_mem>>)
      %dma_wait3A_112 = tpu.memref_slice %arg6[%mul3A_2] : memref<16384xf32, #tpu.memory_space<hbm>> -> memref<512xf32, #tpu.memory_space<hbm>>
      %dma_wait3A_113 = tpu.memref_slice %arg6[%mul3A_2] : memref<16384xf32, #tpu.memory_space<hbm>> -> memref<512xf32, #tpu.memory_space<hbm>>
      tpu.wait_dma2 semaphore(%run_scoped3A : memref<!tpu.dma_semaphore, #tpu.memory_space<semaphore_mem>>) src(%arg11 : memref<512xf32, #tpu.memory_space<vmem>>) dst(%dma_wait3A_113 : memref<512xf32, #tpu.memory_space<hbm>>)
      tpu.yield
    }) : () -> ()
    return
  }
}

#map = affine_map<(d0, d1) -> (0)>
#map1 = affine_map<(d0, d1) -> (0, 0)>
module attributes {stable_mosaic.version = 14 : i64} {
  func.func @_dot_body(%arg0: i32, %arg1: i32, %arg2: memref<16384xi32, #tpu.memory_space<hbm>>, %arg3: memref<16384xi32, #tpu.memory_space<hbm>>, %arg4: memref<32x1000000xf32, #tpu.memory_space<hbm>>, %arg5: memref<32x1000000xf32, #tpu.memory_space<hbm>>, %arg6: memref<16384xf32, #tpu.memory_space<hbm>>, %arg7: memref<512xi32, #tpu.memory_space<vmem>>, %arg8: memref<512xi32, #tpu.memory_space<vmem>>, %arg9: memref<8x32x128xf32, #tpu.memory_space<vmem>>, %arg10: memref<8x32x128xf32, #tpu.memory_space<vmem>>, %arg11: memref<512xf32, #tpu.memory_space<vmem>>, %arg12: memref<!tpu.dma_semaphore, #tpu.memory_space<semaphore_mem>>, %arg13: memref<!tpu.dma_semaphore, #tpu.memory_space<semaphore_mem>>) attributes {dimension_semantics = [#tpu.dimension_semantics<core_parallel>, #tpu.dimension_semantics<subcore_parallel>], iteration_bounds = array<i64: 2, 16>, scalar_prefetch = 0 : i64, scratch_operands = 7 : i64, tpu.core_type = #tpu.core_type<sc_vector_subcore>, window_params = [{transform_indices = #map}, {transform_indices = #map}, {transform_indices = #map1}, {transform_indices = #map1}, {transform_indices = #map}]} {
    %mul3A = arith.constant 2 : i32
    %mul3A_0 = arith.muli %arg1, %mul3A : i32
    %add3A = arith.addi %mul3A_0, %arg0 : i32
    %mul3A_1 = arith.constant 512 : i32
    %mul3A_2 = arith.muli %add3A, %mul3A_1 : i32
    %dma_start3A = tpu.memref_slice %arg2[%mul3A_2] : memref<16384xi32, #tpu.memory_space<hbm>> -> memref<512xi32, #tpu.memory_space<hbm>>
    %dma_start3A_3 = tpu.memref_slice %arg2[%mul3A_2] : memref<16384xi32, #tpu.memory_space<hbm>> -> memref<512xi32, #tpu.memory_space<hbm>>
    tpu.enqueue_dma source(%dma_start3A_3 : memref<512xi32, #tpu.memory_space<hbm>>) target(%arg7 : memref<512xi32, #tpu.memory_space<vmem>>) target_semaphore(%arg12 : memref<!tpu.dma_semaphore, #tpu.memory_space<semaphore_mem>>)
    %dma_start3A_4 = tpu.memref_slice %arg3[%mul3A_2] : memref<16384xi32, #tpu.memory_space<hbm>> -> memref<512xi32, #tpu.memory_space<hbm>>
    %dma_start3A_5 = tpu.memref_slice %arg3[%mul3A_2] : memref<16384xi32, #tpu.memory_space<hbm>> -> memref<512xi32, #tpu.memory_space<hbm>>
    tpu.enqueue_dma source(%dma_start3A_5 : memref<512xi32, #tpu.memory_space<hbm>>) target(%arg8 : memref<512xi32, #tpu.memory_space<vmem>>) target_semaphore(%arg12 : memref<!tpu.dma_semaphore, #tpu.memory_space<semaphore_mem>>)
    %dma_wait3A = tpu.memref_slice %arg2[%mul3A_2] : memref<16384xi32, #tpu.memory_space<hbm>> -> memref<512xi32, #tpu.memory_space<hbm>>
    %dma_wait3A_6 = tpu.memref_slice %arg2[%mul3A_2] : memref<16384xi32, #tpu.memory_space<hbm>> -> memref<512xi32, #tpu.memory_space<hbm>>
    tpu.wait_dma2 semaphore(%arg12 : memref<!tpu.dma_semaphore, #tpu.memory_space<semaphore_mem>>) src(%dma_wait3A_6 : memref<512xi32, #tpu.memory_space<hbm>>) dst(%arg7 : memref<512xi32, #tpu.memory_space<vmem>>)
    %dma_wait3A_7 = tpu.memref_slice %arg3[%mul3A_2] : memref<16384xi32, #tpu.memory_space<hbm>> -> memref<512xi32, #tpu.memory_space<hbm>>
    %dma_wait3A_8 = tpu.memref_slice %arg3[%mul3A_2] : memref<16384xi32, #tpu.memory_space<hbm>> -> memref<512xi32, #tpu.memory_space<hbm>>
    tpu.wait_dma2 semaphore(%arg12 : memref<!tpu.dma_semaphore, #tpu.memory_space<semaphore_mem>>) src(%dma_wait3A_8 : memref<512xi32, #tpu.memory_space<hbm>>) dst(%arg8 : memref<512xi32, #tpu.memory_space<vmem>>)
    %iota3A = tpu.iota {dimensions = array<i32: 0>} : vector<16xi32>
    %and3A = arith.constant 7 : i32
    %and3A_9 = vector.broadcast %and3A : i32 to vector<16xi32>
    %and3A_10 = arith.andi %iota3A, %and3A_9 : vector<16xi32>
    %iota3A_11 = tpu.iota {dimensions = array<i32: 0>} : vector<16xi32>
    %lt3A = arith.constant 8 : i32
    %lt3A_12 = vector.broadcast %lt3A : i32 to vector<16xi32>
    %lt3A_13 = arith.cmpi slt, %iota3A_11, %lt3A_12 : vector<16xi32>
    %scan3A = arith.constant 0 : i32
    %scan3A_14 = arith.constant 0 : i32
    %scan3A_15 = arith.constant 32 : i32
    %scan3A_16 = arith.addi %scan3A_14, %scan3A_15 : i32
    %scan3A_17 = arith.constant 1 : i32
    scf.for %scan3A_19 = %scan3A_14 to %scan3A_16 step %scan3A_17  : i32 {
      %mul3A_20 = arith.constant 16 : i32
      %mul3A_21 = arith.muli %scan3A_19, %mul3A_20 : i32
      %get3A = arith.index_cast %mul3A_21 : i32 to index
      %get3A_22 = tpu.vector_load %arg7[%get3A] {strides = array<i32>} : memref<512xi32, #tpu.memory_space<vmem>>, vector<16xi32>,
      %get3A_23 = arith.index_cast %mul3A_21 : i32 to index
      %get3A_24 = tpu.vector_load %arg8[%get3A_23] {strides = array<i32>} : memref<512xi32, #tpu.memory_space<vmem>>, vector<16xi32>,
      %jit3A = arith.constant 128 : i32
      %div3A = vector.broadcast %jit3A : i32 to vector<16xi32>
      %div3A_25 = arith.divsi %get3A_22, %div3A : vector<16xi32>
      %sign3A = arith.constant 0 : i32
      %sign3A_26 = vector.broadcast %sign3A : i32 to vector<16xi32>
      %sign3A_27 = arith.cmpi sgt, %get3A_22, %sign3A_26 : vector<16xi32>
      %sign3A_28 = arith.extui %sign3A_27 : vector<16xi1> to vector<16xi32>
      %sign3A_29 = arith.constant 0 : i32
      %sign3A_30 = vector.broadcast %sign3A_29 : i32 to vector<16xi32>
      %sign3A_31 = arith.cmpi slt, %get3A_22, %sign3A_30 : vector<16xi32>
      %sign3A_32 = arith.extui %sign3A_31 : vector<16xi1> to vector<16xi32>
      %sign3A_33 = arith.subi %sign3A_28, %sign3A_32 : vector<16xi32>
      %sign3A_34 = arith.constant 0 : i32
      %sign3A_35 = arith.cmpi sgt, %jit3A, %sign3A_34 : i32
      %sign3A_36 = arith.extui %sign3A_35 : i1 to i32
      %sign3A_37 = arith.constant 0 : i32
      %sign3A_38 = arith.cmpi slt, %jit3A, %sign3A_37 : i32
      %sign3A_39 = arith.extui %sign3A_38 : i1 to i32
      %sign3A_40 = arith.subi %sign3A_36, %sign3A_39 : i32
      %ne3A = vector.broadcast %sign3A_40 : i32 to vector<16xi32>
      %ne3A_41 = arith.cmpi ne, %sign3A_33, %ne3A : vector<16xi32>
      %rem3A = vector.broadcast %jit3A : i32 to vector<16xi32>
      %rem3A_42 = arith.remsi %get3A_22, %rem3A : vector<16xi32>
      %ne3A_43 = arith.constant 0 : i32
      %ne3A_44 = vector.broadcast %ne3A_43 : i32 to vector<16xi32>
      %ne3A_45 = arith.cmpi ne, %rem3A_42, %ne3A_44 : vector<16xi32>
      %and3A_46 = arith.andi %ne3A_41, %ne3A_45 : vector<16xi1>
      %sub3A = arith.constant 1 : i32
      %sub3A_47 = vector.broadcast %sub3A : i32 to vector<16xi32>
      %sub3A_48 = arith.subi %div3A_25, %sub3A_47 : vector<16xi32>
      %select_n3A = arith.select %and3A_46, %sub3A_48, %div3A_25 : vector<16xi1>, vector<16xi32>
      %mul3A_49 = arith.constant 128 : i32
      %mul3A_50 = vector.broadcast %mul3A_49 : i32 to vector<16xi32>
      %mul3A_51 = arith.muli %select_n3A, %mul3A_50 : vector<16xi32>
      %jit3A_52 = arith.constant 128 : i32
      %div3A_53 = vector.broadcast %jit3A_52 : i32 to vector<16xi32>
      %div3A_54 = arith.divsi %get3A_24, %div3A_53 : vector<16xi32>
      %sign3A_55 = arith.constant 0 : i32
      %sign3A_56 = vector.broadcast %sign3A_55 : i32 to vector<16xi32>
      %sign3A_57 = arith.cmpi sgt, %get3A_24, %sign3A_56 : vector<16xi32>
      %sign3A_58 = arith.extui %sign3A_57 : vector<16xi1> to vector<16xi32>
      %sign3A_59 = arith.constant 0 : i32
      %sign3A_60 = vector.broadcast %sign3A_59 : i32 to vector<16xi32>
      %sign3A_61 = arith.cmpi slt, %get3A_24, %sign3A_60 : vector<16xi32>
      %sign3A_62 = arith.extui %sign3A_61 : vector<16xi1> to vector<16xi32>
      %sign3A_63 = arith.subi %sign3A_58, %sign3A_62 : vector<16xi32>
      %sign3A_64 = arith.constant 0 : i32
      %sign3A_65 = arith.cmpi sgt, %jit3A_52, %sign3A_64 : i32
      %sign3A_66 = arith.extui %sign3A_65 : i1 to i32
      %sign3A_67 = arith.constant 0 : i32
      %sign3A_68 = arith.cmpi slt, %jit3A_52, %sign3A_67 : i32
      %sign3A_69 = arith.extui %sign3A_68 : i1 to i32
      %sign3A_70 = arith.subi %sign3A_66, %sign3A_69 : i32
      %ne3A_71 = vector.broadcast %sign3A_70 : i32 to vector<16xi32>
      %ne3A_72 = arith.cmpi ne, %sign3A_63, %ne3A_71 : vector<16xi32>
      %rem3A_73 = vector.broadcast %jit3A_52 : i32 to vector<16xi32>
      %rem3A_74 = arith.remsi %get3A_24, %rem3A_73 : vector<16xi32>
      %ne3A_75 = arith.constant 0 : i32
      %ne3A_76 = vector.broadcast %ne3A_75 : i32 to vector<16xi32>
      %ne3A_77 = arith.cmpi ne, %rem3A_74, %ne3A_76 : vector<16xi32>
      %and3A_78 = arith.andi %ne3A_72, %ne3A_77 : vector<16xi1>
      %sub3A_79 = arith.constant 1 : i32
      %sub3A_80 = vector.broadcast %sub3A_79 : i32 to vector<16xi32>
      %sub3A_81 = arith.subi %div3A_54, %sub3A_80 : vector<16xi32>
      %select_n3A_82 = arith.select %and3A_78, %sub3A_81, %div3A_54 : vector<16xi1>, vector<16xi32>
      %mul3A_83 = arith.constant 128 : i32
      %mul3A_84 = vector.broadcast %mul3A_83 : i32 to vector<16xi32>
      %mul3A_85 = arith.muli %select_n3A_82, %mul3A_84 : vector<16xi32>
      %sub3A_86 = arith.subi %get3A_22, %mul3A_51 : vector<16xi32>
      %sub3A_87 = arith.subi %get3A_24, %mul3A_85 : vector<16xi32>
      %slice3A = vector.extract_strided_slice %mul3A_51 {offsets = [0], sizes = [1], strides = [1]} : vector<16xi32> to vector<1xi32>
      %squeeze3A = vector.extract %slice3A[0] : i32 from vector<1xi32>
      %multiple_of3A = tpu.assume_multiple %squeeze3A, 128 : i32
      %slice3A_88 = vector.extract_strided_slice %mul3A_85 {offsets = [0], sizes = [1], strides = [1]} : vector<16xi32> to vector<1xi32>
      %squeeze3A_89 = vector.extract %slice3A_88[0] : i32 from vector<1xi32>
      %multiple_of3A_90 = tpu.assume_multiple %squeeze3A_89, 128 : i32
      %dma_start3A_91 = arith.constant 0 : i32
      %dma_start3A_92 = arith.constant 0 : i32
      %dma_start3A_93 = arith.constant 0 : i32
      %dma_start3A_94 = tpu.memref_slice %arg9[%dma_start3A_91, %dma_start3A_92, %dma_start3A_93] : memref<8x32x128xf32, #tpu.memory_space<vmem>> -> memref<1x32x128xf32, #tpu.memory_space<vmem>>
      %dma_start3A_95 = tpu.memref_squeeze %dma_start3A_94 : memref<1x32x128xf32, #tpu.memory_space<vmem>> -> memref<32x128xf32, #tpu.memory_space<vmem>>
      %dma_start3A_96 = arith.constant 0 : i32
      %dma_start3A_97 = tpu.memref_slice %arg4[%dma_start3A_96, %multiple_of3A] : memref<32x1000000xf32, #tpu.memory_space<hbm>> -> memref<32x128xf32, #tpu.memory_space<hbm>>
      %dma_start3A_98 = arith.constant 0 : i32
      %dma_start3A_99 = arith.constant 0 : i32
      %dma_start3A_100 = tpu.memref_slice %arg9[%dma_start3A_91, %dma_start3A_98, %dma_start3A_99] : memref<8x32x128xf32, #tpu.memory_space<vmem>> -> memref<1x32x128xf32, #tpu.memory_space<vmem>>
      %dma_start3A_101 = tpu.memref_squeeze %dma_start3A_100 : memref<1x32x128xf32, #tpu.memory_space<vmem>> -> memref<32x128xf32, #tpu.memory_space<vmem>>
      %dma_start3A_102 = arith.constant 0 : i32
      %dma_start3A_103 = tpu.memref_slice %arg4[%dma_start3A_102, %multiple_of3A] : memref<32x1000000xf32, #tpu.memory_space<hbm>> -> memref<32x128xf32, #tpu.memory_space<hbm>>
      tpu.enqueue_dma source(%dma_start3A_103 : memref<32x128xf32, #tpu.memory_space<hbm>>) target(%dma_start3A_101 : memref<32x128xf32, #tpu.memory_space<vmem>>) target_semaphore(%arg13 : memref<!tpu.dma_semaphore, #tpu.memory_space<semaphore_mem>>)
      %dma_start3A_104 = arith.constant 0 : i32
      %dma_start3A_105 = arith.constant 0 : i32
      %dma_start3A_106 = arith.constant 0 : i32
      %dma_start3A_107 = tpu.memref_slice %arg10[%dma_start3A_104, %dma_start3A_105, %dma_start3A_106] : memref<8x32x128xf32, #tpu.memory_space<vmem>> -> memref<1x32x128xf32, #tpu.memory_space<vmem>>
      %dma_start3A_108 = tpu.memref_squeeze %dma_start3A_107 : memref<1x32x128xf32, #tpu.memory_space<vmem>> -> memref<32x128xf32, #tpu.memory_space<vmem>>
      %dma_start3A_109 = arith.constant 0 : i32
      %dma_start3A_110 = tpu.memref_slice %arg5[%dma_start3A_109, %multiple_of3A_90] : memref<32x1000000xf32, #tpu.memory_space<hbm>> -> memref<32x128xf32, #tpu.memory_space<hbm>>
      %dma_start3A_111 = arith.constant 0 : i32
      %dma_start3A_112 = arith.constant 0 : i32
      %dma_start3A_113 = tpu.memref_slice %arg10[%dma_start3A_104, %dma_start3A_111, %dma_start3A_112] : memref<8x32x128xf32, #tpu.memory_space<vmem>> -> memref<1x32x128xf32, #tpu.memory_space<vmem>>
      %dma_start3A_114 = tpu.memref_squeeze %dma_start3A_113 : memref<1x32x128xf32, #tpu.memory_space<vmem>> -> memref<32x128xf32, #tpu.memory_space<vmem>>
      %dma_start3A_115 = arith.constant 0 : i32
      %dma_start3A_116 = tpu.memref_slice %arg5[%dma_start3A_115, %multiple_of3A_90] : memref<32x1000000xf32, #tpu.memory_space<hbm>> -> memref<32x128xf32, #tpu.memory_space<hbm>>
      tpu.enqueue_dma source(%dma_start3A_116 : memref<32x128xf32, #tpu.memory_space<hbm>>) target(%dma_start3A_114 : memref<32x128xf32, #tpu.memory_space<vmem>>) target_semaphore(%arg13 : memref<!tpu.dma_semaphore, #tpu.memory_space<semaphore_mem>>)
      %slice3A_117 = vector.extract_strided_slice %mul3A_51 {offsets = [1], sizes = [1], strides = [1]} : vector<16xi32> to vector<1xi32>
      %squeeze3A_118 = vector.extract %slice3A_117[0] : i32 from vector<1xi32>
      %multiple_of3A_119 = tpu.assume_multiple %squeeze3A_118, 128 : i32
      %slice3A_120 = vector.extract_strided_slice %mul3A_85 {offsets = [1], sizes = [1], strides = [1]} : vector<16xi32> to vector<1xi32>
      %squeeze3A_121 = vector.extract %slice3A_120[0] : i32 from vector<1xi32>
      %multiple_of3A_122 = tpu.assume_multiple %squeeze3A_121, 128 : i32
      %dma_start3A_123 = arith.constant 1 : i32
      %dma_start3A_124 = arith.constant 0 : i32
      %dma_start3A_125 = arith.constant 0 : i32
      %dma_start3A_126 = tpu.memref_slice %arg9[%dma_start3A_123, %dma_start3A_124, %dma_start3A_125] : memref<8x32x128xf32, #tpu.memory_space<vmem>> -> memref<1x32x128xf32, #tpu.memory_space<vmem>>
      %dma_start3A_127 = tpu.memref_squeeze %dma_start3A_126 : memref<1x32x128xf32, #tpu.memory_space<vmem>> -> memref<32x128xf32, #tpu.memory_space<vmem>>
      %dma_start3A_128 = arith.constant 0 : i32
      %dma_start3A_129 = tpu.memref_slice %arg4[%dma_start3A_128, %multiple_of3A_119] : memref<32x1000000xf32, #tpu.memory_space<hbm>> -> memref<32x128xf32, #tpu.memory_space<hbm>>
      %dma_start3A_130 = arith.constant 0 : i32
      %dma_start3A_131 = arith.constant 0 : i32
      %dma_start3A_132 = tpu.memref_slice %arg9[%dma_start3A_123, %dma_start3A_130, %dma_start3A_131] : memref<8x32x128xf32, #tpu.memory_space<vmem>> -> memref<1x32x128xf32, #tpu.memory_space<vmem>>
      %dma_start3A_133 = tpu.memref_squeeze %dma_start3A_132 : memref<1x32x128xf32, #tpu.memory_space<vmem>> -> memref<32x128xf32, #tpu.memory_space<vmem>>
      %dma_start3A_134 = arith.constant 0 : i32
      %dma_start3A_135 = tpu.memref_slice %arg4[%dma_start3A_134, %multiple_of3A_119] : memref<32x1000000xf32, #tpu.memory_space<hbm>> -> memref<32x128xf32, #tpu.memory_space<hbm>>
      tpu.enqueue_dma source(%dma_start3A_135 : memref<32x128xf32, #tpu.memory_space<hbm>>) target(%dma_start3A_133 : memref<32x128xf32, #tpu.memory_space<vmem>>) target_semaphore(%arg13 : memref<!tpu.dma_semaphore, #tpu.memory_space<semaphore_mem>>)
      %dma_start3A_136 = arith.constant 1 : i32
      %dma_start3A_137 = arith.constant 0 : i32
      %dma_start3A_138 = arith.constant 0 : i32
      %dma_start3A_139 = tpu.memref_slice %arg10[%dma_start3A_136, %dma_start3A_137, %dma_start3A_138] : memref<8x32x128xf32, #tpu.memory_space<vmem>> -> memref<1x32x128xf32, #tpu.memory_space<vmem>>
      %dma_start3A_140 = tpu.memref_squeeze %dma_start3A_139 : memref<1x32x128xf32, #tpu.memory_space<vmem>> -> memref<32x128xf32, #tpu.memory_space<vmem>>
      %dma_start3A_141 = arith.constant 0 : i32
      %dma_start3A_142 = tpu.memref_slice %arg5[%dma_start3A_141, %multiple_of3A_122] : memref<32x1000000xf32, #tpu.memory_space<hbm>> -> memref<32x128xf32, #tpu.memory_space<hbm>>
      %dma_start3A_143 = arith.constant 0 : i32
      %dma_start3A_144 = arith.constant 0 : i32
      %dma_start3A_145 = tpu.memref_slice %arg10[%dma_start3A_136, %dma_start3A_143, %dma_start3A_144] : memref<8x32x128xf32, #tpu.memory_space<vmem>> -> memref<1x32x128xf32, #tpu.memory_space<vmem>>
      %dma_start3A_146 = tpu.memref_squeeze %dma_start3A_145 : memref<1x32x128xf32, #tpu.memory_space<vmem>> -> memref<32x128xf32, #tpu.memory_space<vmem>>
      %dma_start3A_147 = arith.constant 0 : i32
      %dma_start3A_148 = tpu.memref_slice %arg5[%dma_start3A_147, %multiple_of3A_122] : memref<32x1000000xf32, #tpu.memory_space<hbm>> -> memref<32x128xf32, #tpu.memory_space<hbm>>
      tpu.enqueue_dma source(%dma_start3A_148 : memref<32x128xf32, #tpu.memory_space<hbm>>) target(%dma_start3A_146 : memref<32x128xf32, #tpu.memory_space<vmem>>) target_semaphore(%arg13 : memref<!tpu.dma_semaphore, #tpu.memory_space<semaphore_mem>>)
      %slice3A_149 = vector.extract_strided_slice %mul3A_51 {offsets = [2], sizes = [1], strides = [1]} : vector<16xi32> to vector<1xi32>
      %squeeze3A_150 = vector.extract %slice3A_149[0] : i32 from vector<1xi32>
      %multiple_of3A_151 = tpu.assume_multiple %squeeze3A_150, 128 : i32
      %slice3A_152 = vector.extract_strided_slice %mul3A_85 {offsets = [2], sizes = [1], strides = [1]} : vector<16xi32> to vector<1xi32>
      %squeeze3A_153 = vector.extract %slice3A_152[0] : i32 from vector<1xi32>
      %multiple_of3A_154 = tpu.assume_multiple %squeeze3A_153, 128 : i32
      %dma_start3A_155 = arith.constant 2 : i32
      %dma_start3A_156 = arith.constant 0 : i32
      %dma_start3A_157 = arith.constant 0 : i32
      %dma_start3A_158 = tpu.memref_slice %arg9[%dma_start3A_155, %dma_start3A_156, %dma_start3A_157] : memref<8x32x128xf32, #tpu.memory_space<vmem>> -> memref<1x32x128xf32, #tpu.memory_space<vmem>>
      %dma_start3A_159 = tpu.memref_squeeze %dma_start3A_158 : memref<1x32x128xf32, #tpu.memory_space<vmem>> -> memref<32x128xf32, #tpu.memory_space<vmem>>
      %dma_start3A_160 = arith.constant 0 : i32
      %dma_start3A_161 = tpu.memref_slice %arg4[%dma_start3A_160, %multiple_of3A_151] : memref<32x1000000xf32, #tpu.memory_space<hbm>> -> memref<32x128xf32, #tpu.memory_space<hbm>>
      %dma_start3A_162 = arith.constant 0 : i32
      %dma_start3A_163 = arith.constant 0 : i32
      %dma_start3A_164 = tpu.memref_slice %arg9[%dma_start3A_155, %dma_start3A_162, %dma_start3A_163] : memref<8x32x128xf32, #tpu.memory_space<vmem>> -> memref<1x32x128xf32, #tpu.memory_space<vmem>>
      %dma_start3A_165 = tpu.memref_squeeze %dma_start3A_164 : memref<1x32x128xf32, #tpu.memory_space<vmem>> -> memref<32x128xf32, #tpu.memory_space<vmem>>
      %dma_start3A_166 = arith.constant 0 : i32
      %dma_start3A_167 = tpu.memref_slice %arg4[%dma_start3A_166, %multiple_of3A_151] : memref<32x1000000xf32, #tpu.memory_space<hbm>> -> memref<32x128xf32, #tpu.memory_space<hbm>>
      tpu.enqueue_dma source(%dma_start3A_167 : memref<32x128xf32, #tpu.memory_space<hbm>>) target(%dma_start3A_165 : memref<32x128xf32, #tpu.memory_space<vmem>>) target_semaphore(%arg13 : memref<!tpu.dma_semaphore, #tpu.memory_space<semaphore_mem>>)
      %dma_start3A_168 = arith.constant 2 : i32
      %dma_start3A_169 = arith.constant 0 : i32
      %dma_start3A_170 = arith.constant 0 : i32
      %dma_start3A_171 = tpu.memref_slice %arg10[%dma_start3A_168, %dma_start3A_169, %dma_start3A_170] : memref<8x32x128xf32, #tpu.memory_space<vmem>> -> memref<1x32x128xf32, #tpu.memory_space<vmem>>
      %dma_start3A_172 = tpu.memref_squeeze %dma_start3A_171 : memref<1x32x128xf32, #tpu.memory_space<vmem>> -> memref<32x128xf32, #tpu.memory_space<vmem>>
      %dma_start3A_173 = arith.constant 0 : i32
      %dma_start3A_174 = tpu.memref_slice %arg5[%dma_start3A_173, %multiple_of3A_154] : memref<32x1000000xf32, #tpu.memory_space<hbm>> -> memref<32x128xf32, #tpu.memory_space<hbm>>
      %dma_start3A_175 = arith.constant 0 : i32
      %dma_start3A_176 = arith.constant 0 : i32
      %dma_start3A_177 = tpu.memref_slice %arg10[%dma_start3A_168, %dma_start3A_175, %dma_start3A_176] : memref<8x32x128xf32, #tpu.memory_space<vmem>> -> memref<1x32x128xf32, #tpu.memory_space<vmem>>
      %dma_start3A_178 = tpu.memref_squeeze %dma_start3A_177 : memref<1x32x128xf32, #tpu.memory_space<vmem>> -> memref<32x128xf32, #tpu.memory_space<vmem>>
      %dma_start3A_179 = arith.constant 0 : i32
      %dma_start3A_180 = tpu.memref_slice %arg5[%dma_start3A_179, %multiple_of3A_154] : memref<32x1000000xf32, #tpu.memory_space<hbm>> -> memref<32x128xf32, #tpu.memory_space<hbm>>
      tpu.enqueue_dma source(%dma_start3A_180 : memref<32x128xf32, #tpu.memory_space<hbm>>) target(%dma_start3A_178 : memref<32x128xf32, #tpu.memory_space<vmem>>) target_semaphore(%arg13 : memref<!tpu.dma_semaphore, #tpu.memory_space<semaphore_mem>>)
      %slice3A_181 = vector.extract_strided_slice %mul3A_51 {offsets = [3], sizes = [1], strides = [1]} : vector<16xi32> to vector<1xi32>
      %squeeze3A_182 = vector.extract %slice3A_181[0] : i32 from vector<1xi32>
      %multiple_of3A_183 = tpu.assume_multiple %squeeze3A_182, 128 : i32
      %slice3A_184 = vector.extract_strided_slice %mul3A_85 {offsets = [3], sizes = [1], strides = [1]} : vector<16xi32> to vector<1xi32>
      %squeeze3A_185 = vector.extract %slice3A_184[0] : i32 from vector<1xi32>
      %multiple_of3A_186 = tpu.assume_multiple %squeeze3A_185, 128 : i32
      %dma_start3A_187 = arith.constant 3 : i32
      %dma_start3A_188 = arith.constant 0 : i32
      %dma_start3A_189 = arith.constant 0 : i32
      %dma_start3A_190 = tpu.memref_slice %arg9[%dma_start3A_187, %dma_start3A_188, %dma_start3A_189] : memref<8x32x128xf32, #tpu.memory_space<vmem>> -> memref<1x32x128xf32, #tpu.memory_space<vmem>>
      %dma_start3A_191 = tpu.memref_squeeze %dma_start3A_190 : memref<1x32x128xf32, #tpu.memory_space<vmem>> -> memref<32x128xf32, #tpu.memory_space<vmem>>
      %dma_start3A_192 = arith.constant 0 : i32
      %dma_start3A_193 = tpu.memref_slice %arg4[%dma_start3A_192, %multiple_of3A_183] : memref<32x1000000xf32, #tpu.memory_space<hbm>> -> memref<32x128xf32, #tpu.memory_space<hbm>>
      %dma_start3A_194 = arith.constant 0 : i32
      %dma_start3A_195 = arith.constant 0 : i32
      %dma_start3A_196 = tpu.memref_slice %arg9[%dma_start3A_187, %dma_start3A_194, %dma_start3A_195] : memref<8x32x128xf32, #tpu.memory_space<vmem>> -> memref<1x32x128xf32, #tpu.memory_space<vmem>>
      %dma_start3A_197 = tpu.memref_squeeze %dma_start3A_196 : memref<1x32x128xf32, #tpu.memory_space<vmem>> -> memref<32x128xf32, #tpu.memory_space<vmem>>
      %dma_start3A_198 = arith.constant 0 : i32
      %dma_start3A_199 = tpu.memref_slice %arg4[%dma_start3A_198, %multiple_of3A_183] : memref<32x1000000xf32, #tpu.memory_space<hbm>> -> memref<32x128xf32, #tpu.memory_space<hbm>>
      tpu.enqueue_dma source(%dma_start3A_199 : memref<32x128xf32, #tpu.memory_space<hbm>>) target(%dma_start3A_197 : memref<32x128xf32, #tpu.memory_space<vmem>>) target_semaphore(%arg13 : memref<!tpu.dma_semaphore, #tpu.memory_space<semaphore_mem>>)
      %dma_start3A_200 = arith.constant 3 : i32
      %dma_start3A_201 = arith.constant 0 : i32
      %dma_start3A_202 = arith.constant 0 : i32
      %dma_start3A_203 = tpu.memref_slice %arg10[%dma_start3A_200, %dma_start3A_201, %dma_start3A_202] : memref<8x32x128xf32, #tpu.memory_space<vmem>> -> memref<1x32x128xf32, #tpu.memory_space<vmem>>
      %dma_start3A_204 = tpu.memref_squeeze %dma_start3A_203 : memref<1x32x128xf32, #tpu.memory_space<vmem>> -> memref<32x128xf32, #tpu.memory_space<vmem>>
      %dma_start3A_205 = arith.constant 0 : i32
      %dma_start3A_206 = tpu.memref_slice %arg5[%dma_start3A_205, %multiple_of3A_186] : memref<32x1000000xf32, #tpu.memory_space<hbm>> -> memref<32x128xf32, #tpu.memory_space<hbm>>
      %dma_start3A_207 = arith.constant 0 : i32
      %dma_start3A_208 = arith.constant 0 : i32
      %dma_start3A_209 = tpu.memref_slice %arg10[%dma_start3A_200, %dma_start3A_207, %dma_start3A_208] : memref<8x32x128xf32, #tpu.memory_space<vmem>> -> memref<1x32x128xf32, #tpu.memory_space<vmem>>
      %dma_start3A_210 = tpu.memref_squeeze %dma_start3A_209 : memref<1x32x128xf32, #tpu.memory_space<vmem>> -> memref<32x128xf32, #tpu.memory_space<vmem>>
      %dma_start3A_211 = arith.constant 0 : i32
      %dma_start3A_212 = tpu.memref_slice %arg5[%dma_start3A_211, %multiple_of3A_186] : memref<32x1000000xf32, #tpu.memory_space<hbm>> -> memref<32x128xf32, #tpu.memory_space<hbm>>
      tpu.enqueue_dma source(%dma_start3A_212 : memref<32x128xf32, #tpu.memory_space<hbm>>) target(%dma_start3A_210 : memref<32x128xf32, #tpu.memory_space<vmem>>) target_semaphore(%arg13 : memref<!tpu.dma_semaphore, #tpu.memory_space<semaphore_mem>>)
      %slice3A_213 = vector.extract_strided_slice %mul3A_51 {offsets = [4], sizes = [1], strides = [1]} : vector<16xi32> to vector<1xi32>
      %squeeze3A_214 = vector.extract %slice3A_213[0] : i32 from vector<1xi32>
      %multiple_of3A_215 = tpu.assume_multiple %squeeze3A_214, 128 : i32
      %slice3A_216 = vector.extract_strided_slice %mul3A_85 {offsets = [4], sizes = [1], strides = [1]} : vector<16xi32> to vector<1xi32>
      %squeeze3A_217 = vector.extract %slice3A_216[0] : i32 from vector<1xi32>
      %multiple_of3A_218 = tpu.assume_multiple %squeeze3A_217, 128 : i32
      %dma_start3A_219 = arith.constant 4 : i32
      %dma_start3A_220 = arith.constant 0 : i32
      %dma_start3A_221 = arith.constant 0 : i32
      %dma_start3A_222 = tpu.memref_slice %arg9[%dma_start3A_219, %dma_start3A_220, %dma_start3A_221] : memref<8x32x128xf32, #tpu.memory_space<vmem>> -> memref<1x32x128xf32, #tpu.memory_space<vmem>>
      %dma_start3A_223 = tpu.memref_squeeze %dma_start3A_222 : memref<1x32x128xf32, #tpu.memory_space<vmem>> -> memref<32x128xf32, #tpu.memory_space<vmem>>
      %dma_start3A_224 = arith.constant 0 : i32
      %dma_start3A_225 = tpu.memref_slice %arg4[%dma_start3A_224, %multiple_of3A_215] : memref<32x1000000xf32, #tpu.memory_space<hbm>> -> memref<32x128xf32, #tpu.memory_space<hbm>>
      %dma_start3A_226 = arith.constant 0 : i32
      %dma_start3A_227 = arith.constant 0 : i32
      %dma_start3A_228 = tpu.memref_slice %arg9[%dma_start3A_219, %dma_start3A_226, %dma_start3A_227] : memref<8x32x128xf32, #tpu.memory_space<vmem>> -> memref<1x32x128xf32, #tpu.memory_space<vmem>>
      %dma_start3A_229 = tpu.memref_squeeze %dma_start3A_228 : memref<1x32x128xf32, #tpu.memory_space<vmem>> -> memref<32x128xf32, #tpu.memory_space<vmem>>
      %dma_start3A_230 = arith.constant 0 : i32
      %dma_start3A_231 = tpu.memref_slice %arg4[%dma_start3A_230, %multiple_of3A_215] : memref<32x1000000xf32, #tpu.memory_space<hbm>> -> memref<32x128xf32, #tpu.memory_space<hbm>>
      tpu.enqueue_dma source(%dma_start3A_231 : memref<32x128xf32, #tpu.memory_space<hbm>>) target(%dma_start3A_229 : memref<32x128xf32, #tpu.memory_space<vmem>>) target_semaphore(%arg13 : memref<!tpu.dma_semaphore, #tpu.memory_space<semaphore_mem>>)
      %dma_start3A_232 = arith.constant 4 : i32
      %dma_start3A_233 = arith.constant 0 : i32
      %dma_start3A_234 = arith.constant 0 : i32
      %dma_start3A_235 = tpu.memref_slice %arg10[%dma_start3A_232, %dma_start3A_233, %dma_start3A_234] : memref<8x32x128xf32, #tpu.memory_space<vmem>> -> memref<1x32x128xf32, #tpu.memory_space<vmem>>
      %dma_start3A_236 = tpu.memref_squeeze %dma_start3A_235 : memref<1x32x128xf32, #tpu.memory_space<vmem>> -> memref<32x128xf32, #tpu.memory_space<vmem>>
      %dma_start3A_237 = arith.constant 0 : i32
      %dma_start3A_238 = tpu.memref_slice %arg5[%dma_start3A_237, %multiple_of3A_218] : memref<32x1000000xf32, #tpu.memory_space<hbm>> -> memref<32x128xf32, #tpu.memory_space<hbm>>
      %dma_start3A_239 = arith.constant 0 : i32
      %dma_start3A_240 = arith.constant 0 : i32
      %dma_start3A_241 = tpu.memref_slice %arg10[%dma_start3A_232, %dma_start3A_239, %dma_start3A_240] : memref<8x32x128xf32, #tpu.memory_space<vmem>> -> memref<1x32x128xf32, #tpu.memory_space<vmem>>
      %dma_start3A_242 = tpu.memref_squeeze %dma_start3A_241 : memref<1x32x128xf32, #tpu.memory_space<vmem>> -> memref<32x128xf32, #tpu.memory_space<vmem>>
      %dma_start3A_243 = arith.constant 0 : i32
      %dma_start3A_244 = tpu.memref_slice %arg5[%dma_start3A_243, %multiple_of3A_218] : memref<32x1000000xf32, #tpu.memory_space<hbm>> -> memref<32x128xf32, #tpu.memory_space<hbm>>
      tpu.enqueue_dma source(%dma_start3A_244 : memref<32x128xf32, #tpu.memory_space<hbm>>) target(%dma_start3A_242 : memref<32x128xf32, #tpu.memory_space<vmem>>) target_semaphore(%arg13 : memref<!tpu.dma_semaphore, #tpu.memory_space<semaphore_mem>>)
      %slice3A_245 = vector.extract_strided_slice %mul3A_51 {offsets = [5], sizes = [1], strides = [1]} : vector<16xi32> to vector<1xi32>
      %squeeze3A_246 = vector.extract %slice3A_245[0] : i32 from vector<1xi32>
      %multiple_of3A_247 = tpu.assume_multiple %squeeze3A_246, 128 : i32
      %slice3A_248 = vector.extract_strided_slice %mul3A_85 {offsets = [5], sizes = [1], strides = [1]} : vector<16xi32> to vector<1xi32>
      %squeeze3A_249 = vector.extract %slice3A_248[0] : i32 from vector<1xi32>
      %multiple_of3A_250 = tpu.assume_multiple %squeeze3A_249, 128 : i32
      %dma_start3A_251 = arith.constant 5 : i32
      %dma_start3A_252 = arith.constant 0 : i32
      %dma_start3A_253 = arith.constant 0 : i32
      %dma_start3A_254 = tpu.memref_slice %arg9[%dma_start3A_251, %dma_start3A_252, %dma_start3A_253] : memref<8x32x128xf32, #tpu.memory_space<vmem>> -> memref<1x32x128xf32, #tpu.memory_space<vmem>>
      %dma_start3A_255 = tpu.memref_squeeze %dma_start3A_254 : memref<1x32x128xf32, #tpu.memory_space<vmem>> -> memref<32x128xf32, #tpu.memory_space<vmem>>
      %dma_start3A_256 = arith.constant 0 : i32
      %dma_start3A_257 = tpu.memref_slice %arg4[%dma_start3A_256, %multiple_of3A_247] : memref<32x1000000xf32, #tpu.memory_space<hbm>> -> memref<32x128xf32, #tpu.memory_space<hbm>>
      %dma_start3A_258 = arith.constant 0 : i32
      %dma_start3A_259 = arith.constant 0 : i32
      %dma_start3A_260 = tpu.memref_slice %arg9[%dma_start3A_251, %dma_start3A_258, %dma_start3A_259] : memref<8x32x128xf32, #tpu.memory_space<vmem>> -> memref<1x32x128xf32, #tpu.memory_space<vmem>>
      %dma_start3A_261 = tpu.memref_squeeze %dma_start3A_260 : memref<1x32x128xf32, #tpu.memory_space<vmem>> -> memref<32x128xf32, #tpu.memory_space<vmem>>
      %dma_start3A_262 = arith.constant 0 : i32
      %dma_start3A_263 = tpu.memref_slice %arg4[%dma_start3A_262, %multiple_of3A_247] : memref<32x1000000xf32, #tpu.memory_space<hbm>> -> memref<32x128xf32, #tpu.memory_space<hbm>>
      tpu.enqueue_dma source(%dma_start3A_263 : memref<32x128xf32, #tpu.memory_space<hbm>>) target(%dma_start3A_261 : memref<32x128xf32, #tpu.memory_space<vmem>>) target_semaphore(%arg13 : memref<!tpu.dma_semaphore, #tpu.memory_space<semaphore_mem>>)
      %dma_start3A_264 = arith.constant 5 : i32
      %dma_start3A_265 = arith.constant 0 : i32
      %dma_start3A_266 = arith.constant 0 : i32
      %dma_start3A_267 = tpu.memref_slice %arg10[%dma_start3A_264, %dma_start3A_265, %dma_start3A_266] : memref<8x32x128xf32, #tpu.memory_space<vmem>> -> memref<1x32x128xf32, #tpu.memory_space<vmem>>
      %dma_start3A_268 = tpu.memref_squeeze %dma_start3A_267 : memref<1x32x128xf32, #tpu.memory_space<vmem>> -> memref<32x128xf32, #tpu.memory_space<vmem>>
      %dma_start3A_269 = arith.constant 0 : i32
      %dma_start3A_270 = tpu.memref_slice %arg5[%dma_start3A_269, %multiple_of3A_250] : memref<32x1000000xf32, #tpu.memory_space<hbm>> -> memref<32x128xf32, #tpu.memory_space<hbm>>
      %dma_start3A_271 = arith.constant 0 : i32
      %dma_start3A_272 = arith.constant 0 : i32
      %dma_start3A_273 = tpu.memref_slice %arg10[%dma_start3A_264, %dma_start3A_271, %dma_start3A_272] : memref<8x32x128xf32, #tpu.memory_space<vmem>> -> memref<1x32x128xf32, #tpu.memory_space<vmem>>
      %dma_start3A_274 = tpu.memref_squeeze %dma_start3A_273 : memref<1x32x128xf32, #tpu.memory_space<vmem>> -> memref<32x128xf32, #tpu.memory_space<vmem>>
      %dma_start3A_275 = arith.constant 0 : i32
      %dma_start3A_276 = tpu.memref_slice %arg5[%dma_start3A_275, %multiple_of3A_250] : memref<32x1000000xf32, #tpu.memory_space<hbm>> -> memref<32x128xf32, #tpu.memory_space<hbm>>
      tpu.enqueue_dma source(%dma_start3A_276 : memref<32x128xf32, #tpu.memory_space<hbm>>) target(%dma_start3A_274 : memref<32x128xf32, #tpu.memory_space<vmem>>) target_semaphore(%arg13 : memref<!tpu.dma_semaphore, #tpu.memory_space<semaphore_mem>>)
      %slice3A_277 = vector.extract_strided_slice %mul3A_51 {offsets = [6], sizes = [1], strides = [1]} : vector<16xi32> to vector<1xi32>
      %squeeze3A_278 = vector.extract %slice3A_277[0] : i32 from vector<1xi32>
      %multiple_of3A_279 = tpu.assume_multiple %squeeze3A_278, 128 : i32
      %slice3A_280 = vector.extract_strided_slice %mul3A_85 {offsets = [6], sizes = [1], strides = [1]} : vector<16xi32> to vector<1xi32>
      %squeeze3A_281 = vector.extract %slice3A_280[0] : i32 from vector<1xi32>
      %multiple_of3A_282 = tpu.assume_multiple %squeeze3A_281, 128 : i32
      %dma_start3A_283 = arith.constant 6 : i32
      %dma_start3A_284 = arith.constant 0 : i32
      %dma_start3A_285 = arith.constant 0 : i32
      %dma_start3A_286 = tpu.memref_slice %arg9[%dma_start3A_283, %dma_start3A_284, %dma_start3A_285] : memref<8x32x128xf32, #tpu.memory_space<vmem>> -> memref<1x32x128xf32, #tpu.memory_space<vmem>>
      %dma_start3A_287 = tpu.memref_squeeze %dma_start3A_286 : memref<1x32x128xf32, #tpu.memory_space<vmem>> -> memref<32x128xf32, #tpu.memory_space<vmem>>
      %dma_start3A_288 = arith.constant 0 : i32
      %dma_start3A_289 = tpu.memref_slice %arg4[%dma_start3A_288, %multiple_of3A_279] : memref<32x1000000xf32, #tpu.memory_space<hbm>> -> memref<32x128xf32, #tpu.memory_space<hbm>>
      %dma_start3A_290 = arith.constant 0 : i32
      %dma_start3A_291 = arith.constant 0 : i32
      %dma_start3A_292 = tpu.memref_slice %arg9[%dma_start3A_283, %dma_start3A_290, %dma_start3A_291] : memref<8x32x128xf32, #tpu.memory_space<vmem>> -> memref<1x32x128xf32, #tpu.memory_space<vmem>>
      %dma_start3A_293 = tpu.memref_squeeze %dma_start3A_292 : memref<1x32x128xf32, #tpu.memory_space<vmem>> -> memref<32x128xf32, #tpu.memory_space<vmem>>
      %dma_start3A_294 = arith.constant 0 : i32
      %dma_start3A_295 = tpu.memref_slice %arg4[%dma_start3A_294, %multiple_of3A_279] : memref<32x1000000xf32, #tpu.memory_space<hbm>> -> memref<32x128xf32, #tpu.memory_space<hbm>>
      tpu.enqueue_dma source(%dma_start3A_295 : memref<32x128xf32, #tpu.memory_space<hbm>>) target(%dma_start3A_293 : memref<32x128xf32, #tpu.memory_space<vmem>>) target_semaphore(%arg13 : memref<!tpu.dma_semaphore, #tpu.memory_space<semaphore_mem>>)
      %dma_start3A_296 = arith.constant 6 : i32
      %dma_start3A_297 = arith.constant 0 : i32
      %dma_start3A_298 = arith.constant 0 : i32
      %dma_start3A_299 = tpu.memref_slice %arg10[%dma_start3A_296, %dma_start3A_297, %dma_start3A_298] : memref<8x32x128xf32, #tpu.memory_space<vmem>> -> memref<1x32x128xf32, #tpu.memory_space<vmem>>
      %dma_start3A_300 = tpu.memref_squeeze %dma_start3A_299 : memref<1x32x128xf32, #tpu.memory_space<vmem>> -> memref<32x128xf32, #tpu.memory_space<vmem>>
      %dma_start3A_301 = arith.constant 0 : i32
      %dma_start3A_302 = tpu.memref_slice %arg5[%dma_start3A_301, %multiple_of3A_282] : memref<32x1000000xf32, #tpu.memory_space<hbm>> -> memref<32x128xf32, #tpu.memory_space<hbm>>
      %dma_start3A_303 = arith.constant 0 : i32
      %dma_start3A_304 = arith.constant 0 : i32
      %dma_start3A_305 = tpu.memref_slice %arg10[%dma_start3A_296, %dma_start3A_303, %dma_start3A_304] : memref<8x32x128xf32, #tpu.memory_space<vmem>> -> memref<1x32x128xf32, #tpu.memory_space<vmem>>
      %dma_start3A_306 = tpu.memref_squeeze %dma_start3A_305 : memref<1x32x128xf32, #tpu.memory_space<vmem>> -> memref<32x128xf32, #tpu.memory_space<vmem>>
      %dma_start3A_307 = arith.constant 0 : i32
      %dma_start3A_308 = tpu.memref_slice %arg5[%dma_start3A_307, %multiple_of3A_282] : memref<32x1000000xf32, #tpu.memory_space<hbm>> -> memref<32x128xf32, #tpu.memory_space<hbm>>
      tpu.enqueue_dma source(%dma_start3A_308 : memref<32x128xf32, #tpu.memory_space<hbm>>) target(%dma_start3A_306 : memref<32x128xf32, #tpu.memory_space<vmem>>) target_semaphore(%arg13 : memref<!tpu.dma_semaphore, #tpu.memory_space<semaphore_mem>>)
      %slice3A_309 = vector.extract_strided_slice %mul3A_51 {offsets = [7], sizes = [1], strides = [1]} : vector<16xi32> to vector<1xi32>
      %squeeze3A_310 = vector.extract %slice3A_309[0] : i32 from vector<1xi32>
      %multiple_of3A_311 = tpu.assume_multiple %squeeze3A_310, 128 : i32
      %slice3A_312 = vector.extract_strided_slice %mul3A_85 {offsets = [7], sizes = [1], strides = [1]} : vector<16xi32> to vector<1xi32>
      %squeeze3A_313 = vector.extract %slice3A_312[0] : i32 from vector<1xi32>
      %multiple_of3A_314 = tpu.assume_multiple %squeeze3A_313, 128 : i32
      %dma_start3A_315 = arith.constant 7 : i32
      %dma_start3A_316 = arith.constant 0 : i32
      %dma_start3A_317 = arith.constant 0 : i32
      %dma_start3A_318 = tpu.memref_slice %arg9[%dma_start3A_315, %dma_start3A_316, %dma_start3A_317] : memref<8x32x128xf32, #tpu.memory_space<vmem>> -> memref<1x32x128xf32, #tpu.memory_space<vmem>>
      %dma_start3A_319 = tpu.memref_squeeze %dma_start3A_318 : memref<1x32x128xf32, #tpu.memory_space<vmem>> -> memref<32x128xf32, #tpu.memory_space<vmem>>
      %dma_start3A_320 = arith.constant 0 : i32
      %dma_start3A_321 = tpu.memref_slice %arg4[%dma_start3A_320, %multiple_of3A_311] : memref<32x1000000xf32, #tpu.memory_space<hbm>> -> memref<32x128xf32, #tpu.memory_space<hbm>>
      %dma_start3A_322 = arith.constant 0 : i32
      %dma_start3A_323 = arith.constant 0 : i32
      %dma_start3A_324 = tpu.memref_slice %arg9[%dma_start3A_315, %dma_start3A_322, %dma_start3A_323] : memref<8x32x128xf32, #tpu.memory_space<vmem>> -> memref<1x32x128xf32, #tpu.memory_space<vmem>>
      %dma_start3A_325 = tpu.memref_squeeze %dma_start3A_324 : memref<1x32x128xf32, #tpu.memory_space<vmem>> -> memref<32x128xf32, #tpu.memory_space<vmem>>
      %dma_start3A_326 = arith.constant 0 : i32
      %dma_start3A_327 = tpu.memref_slice %arg4[%dma_start3A_326, %multiple_of3A_311] : memref<32x1000000xf32, #tpu.memory_space<hbm>> -> memref<32x128xf32, #tpu.memory_space<hbm>>
      tpu.enqueue_dma source(%dma_start3A_327 : memref<32x128xf32, #tpu.memory_space<hbm>>) target(%dma_start3A_325 : memref<32x128xf32, #tpu.memory_space<vmem>>) target_semaphore(%arg13 : memref<!tpu.dma_semaphore, #tpu.memory_space<semaphore_mem>>)
      %dma_start3A_328 = arith.constant 7 : i32
      %dma_start3A_329 = arith.constant 0 : i32
      %dma_start3A_330 = arith.constant 0 : i32
      %dma_start3A_331 = tpu.memref_slice %arg10[%dma_start3A_328, %dma_start3A_329, %dma_start3A_330] : memref<8x32x128xf32, #tpu.memory_space<vmem>> -> memref<1x32x128xf32, #tpu.memory_space<vmem>>
      %dma_start3A_332 = tpu.memref_squeeze %dma_start3A_331 : memref<1x32x128xf32, #tpu.memory_space<vmem>> -> memref<32x128xf32, #tpu.memory_space<vmem>>
      %dma_start3A_333 = arith.constant 0 : i32
      %dma_start3A_334 = tpu.memref_slice %arg5[%dma_start3A_333, %multiple_of3A_314] : memref<32x1000000xf32, #tpu.memory_space<hbm>> -> memref<32x128xf32, #tpu.memory_space<hbm>>
      %dma_start3A_335 = arith.constant 0 : i32
      %dma_start3A_336 = arith.constant 0 : i32
      %dma_start3A_337 = tpu.memref_slice %arg10[%dma_start3A_328, %dma_start3A_335, %dma_start3A_336] : memref<8x32x128xf32, #tpu.memory_space<vmem>> -> memref<1x32x128xf32, #tpu.memory_space<vmem>>
      %dma_start3A_338 = tpu.memref_squeeze %dma_start3A_337 : memref<1x32x128xf32, #tpu.memory_space<vmem>> -> memref<32x128xf32, #tpu.memory_space<vmem>>
      %dma_start3A_339 = arith.constant 0 : i32
      %dma_start3A_340 = tpu.memref_slice %arg5[%dma_start3A_339, %multiple_of3A_314] : memref<32x1000000xf32, #tpu.memory_space<hbm>> -> memref<32x128xf32, #tpu.memory_space<hbm>>
      tpu.enqueue_dma source(%dma_start3A_340 : memref<32x128xf32, #tpu.memory_space<hbm>>) target(%dma_start3A_338 : memref<32x128xf32, #tpu.memory_space<vmem>>) target_semaphore(%arg13 : memref<!tpu.dma_semaphore, #tpu.memory_space<semaphore_mem>>)
      %dma_wait3A_341 = arith.constant 0 : i32
      %dma_wait3A_342 = arith.constant 0 : i32
      %dma_wait3A_343 = arith.constant 0 : i32
      %dma_wait3A_344 = tpu.memref_slice %arg9[%dma_wait3A_341, %dma_wait3A_342, %dma_wait3A_343] : memref<8x32x128xf32, #tpu.memory_space<vmem>> -> memref<1x32x128xf32, #tpu.memory_space<vmem>>
      %dma_wait3A_345 = tpu.memref_squeeze %dma_wait3A_344 : memref<1x32x128xf32, #tpu.memory_space<vmem>> -> memref<32x128xf32, #tpu.memory_space<vmem>>
      %dma_wait3A_346 = arith.constant 0 : i32
      %dma_wait3A_347 = tpu.memref_slice %arg4[%dma_wait3A_346, %multiple_of3A] : memref<32x1000000xf32, #tpu.memory_space<hbm>> -> memref<32x128xf32, #tpu.memory_space<hbm>>
      %dma_wait3A_348 = arith.constant 0 : i32
      %dma_wait3A_349 = arith.constant 0 : i32
      %dma_wait3A_350 = tpu.memref_slice %arg9[%dma_wait3A_341, %dma_wait3A_348, %dma_wait3A_349] : memref<8x32x128xf32, #tpu.memory_space<vmem>> -> memref<1x32x128xf32, #tpu.memory_space<vmem>>
      %dma_wait3A_351 = tpu.memref_squeeze %dma_wait3A_350 : memref<1x32x128xf32, #tpu.memory_space<vmem>> -> memref<32x128xf32, #tpu.memory_space<vmem>>
      %dma_wait3A_352 = arith.constant 0 : i32
      %dma_wait3A_353 = tpu.memref_slice %arg4[%dma_wait3A_352, %multiple_of3A] : memref<32x1000000xf32, #tpu.memory_space<hbm>> -> memref<32x128xf32, #tpu.memory_space<hbm>>
      tpu.wait_dma2 semaphore(%arg13 : memref<!tpu.dma_semaphore, #tpu.memory_space<semaphore_mem>>) src(%dma_wait3A_353 : memref<32x128xf32, #tpu.memory_space<hbm>>) dst(%dma_wait3A_351 : memref<32x128xf32, #tpu.memory_space<vmem>>)
      %dma_wait3A_354 = arith.constant 0 : i32
      %dma_wait3A_355 = arith.constant 0 : i32
      %dma_wait3A_356 = arith.constant 0 : i32
      %dma_wait3A_357 = tpu.memref_slice %arg10[%dma_wait3A_354, %dma_wait3A_355, %dma_wait3A_356] : memref<8x32x128xf32, #tpu.memory_space<vmem>> -> memref<1x32x128xf32, #tpu.memory_space<vmem>>
      %dma_wait3A_358 = tpu.memref_squeeze %dma_wait3A_357 : memref<1x32x128xf32, #tpu.memory_space<vmem>> -> memref<32x128xf32, #tpu.memory_space<vmem>>
      %dma_wait3A_359 = arith.constant 0 : i32
      %dma_wait3A_360 = tpu.memref_slice %arg5[%dma_wait3A_359, %multiple_of3A_90] : memref<32x1000000xf32, #tpu.memory_space<hbm>> -> memref<32x128xf32, #tpu.memory_space<hbm>>
      %dma_wait3A_361 = arith.constant 0 : i32
      %dma_wait3A_362 = arith.constant 0 : i32
      %dma_wait3A_363 = tpu.memref_slice %arg10[%dma_wait3A_354, %dma_wait3A_361, %dma_wait3A_362] : memref<8x32x128xf32, #tpu.memory_space<vmem>> -> memref<1x32x128xf32, #tpu.memory_space<vmem>>
      %dma_wait3A_364 = tpu.memref_squeeze %dma_wait3A_363 : memref<1x32x128xf32, #tpu.memory_space<vmem>> -> memref<32x128xf32, #tpu.memory_space<vmem>>
      %dma_wait3A_365 = arith.constant 0 : i32
      %dma_wait3A_366 = tpu.memref_slice %arg5[%dma_wait3A_365, %multiple_of3A_90] : memref<32x1000000xf32, #tpu.memory_space<hbm>> -> memref<32x128xf32, #tpu.memory_space<hbm>>
      tpu.wait_dma2 semaphore(%arg13 : memref<!tpu.dma_semaphore, #tpu.memory_space<semaphore_mem>>) src(%dma_wait3A_366 : memref<32x128xf32, #tpu.memory_space<hbm>>) dst(%dma_wait3A_364 : memref<32x128xf32, #tpu.memory_space<vmem>>)
      %dma_wait3A_367 = arith.constant 1 : i32
      %dma_wait3A_368 = arith.constant 0 : i32
      %dma_wait3A_369 = arith.constant 0 : i32
      %dma_wait3A_370 = tpu.memref_slice %arg9[%dma_wait3A_367, %dma_wait3A_368, %dma_wait3A_369] : memref<8x32x128xf32, #tpu.memory_space<vmem>> -> memref<1x32x128xf32, #tpu.memory_space<vmem>>
      %dma_wait3A_371 = tpu.memref_squeeze %dma_wait3A_370 : memref<1x32x128xf32, #tpu.memory_space<vmem>> -> memref<32x128xf32, #tpu.memory_space<vmem>>
      %dma_wait3A_372 = arith.constant 0 : i32
      %dma_wait3A_373 = tpu.memref_slice %arg4[%dma_wait3A_372, %multiple_of3A_119] : memref<32x1000000xf32, #tpu.memory_space<hbm>> -> memref<32x128xf32, #tpu.memory_space<hbm>>
      %dma_wait3A_374 = arith.constant 0 : i32
      %dma_wait3A_375 = arith.constant 0 : i32
      %dma_wait3A_376 = tpu.memref_slice %arg9[%dma_wait3A_367, %dma_wait3A_374, %dma_wait3A_375] : memref<8x32x128xf32, #tpu.memory_space<vmem>> -> memref<1x32x128xf32, #tpu.memory_space<vmem>>
      %dma_wait3A_377 = tpu.memref_squeeze %dma_wait3A_376 : memref<1x32x128xf32, #tpu.memory_space<vmem>> -> memref<32x128xf32, #tpu.memory_space<vmem>>
      %dma_wait3A_378 = arith.constant 0 : i32
      %dma_wait3A_379 = tpu.memref_slice %arg4[%dma_wait3A_378, %multiple_of3A_119] : memref<32x1000000xf32, #tpu.memory_space<hbm>> -> memref<32x128xf32, #tpu.memory_space<hbm>>
      tpu.wait_dma2 semaphore(%arg13 : memref<!tpu.dma_semaphore, #tpu.memory_space<semaphore_mem>>) src(%dma_wait3A_379 : memref<32x128xf32, #tpu.memory_space<hbm>>) dst(%dma_wait3A_377 : memref<32x128xf32, #tpu.memory_space<vmem>>)
      %dma_wait3A_380 = arith.constant 1 : i32
      %dma_wait3A_381 = arith.constant 0 : i32
      %dma_wait3A_382 = arith.constant 0 : i32
      %dma_wait3A_383 = tpu.memref_slice %arg10[%dma_wait3A_380, %dma_wait3A_381, %dma_wait3A_382] : memref<8x32x128xf32, #tpu.memory_space<vmem>> -> memref<1x32x128xf32, #tpu.memory_space<vmem>>
      %dma_wait3A_384 = tpu.memref_squeeze %dma_wait3A_383 : memref<1x32x128xf32, #tpu.memory_space<vmem>> -> memref<32x128xf32, #tpu.memory_space<vmem>>
      %dma_wait3A_385 = arith.constant 0 : i32
      %dma_wait3A_386 = tpu.memref_slice %arg5[%dma_wait3A_385, %multiple_of3A_122] : memref<32x1000000xf32, #tpu.memory_space<hbm>> -> memref<32x128xf32, #tpu.memory_space<hbm>>
      %dma_wait3A_387 = arith.constant 0 : i32
      %dma_wait3A_388 = arith.constant 0 : i32
      %dma_wait3A_389 = tpu.memref_slice %arg10[%dma_wait3A_380, %dma_wait3A_387, %dma_wait3A_388] : memref<8x32x128xf32, #tpu.memory_space<vmem>> -> memref<1x32x128xf32, #tpu.memory_space<vmem>>
      %dma_wait3A_390 = tpu.memref_squeeze %dma_wait3A_389 : memref<1x32x128xf32, #tpu.memory_space<vmem>> -> memref<32x128xf32, #tpu.memory_space<vmem>>
      %dma_wait3A_391 = arith.constant 0 : i32
      %dma_wait3A_392 = tpu.memref_slice %arg5[%dma_wait3A_391, %multiple_of3A_122] : memref<32x1000000xf32, #tpu.memory_space<hbm>> -> memref<32x128xf32, #tpu.memory_space<hbm>>
      tpu.wait_dma2 semaphore(%arg13 : memref<!tpu.dma_semaphore, #tpu.memory_space<semaphore_mem>>) src(%dma_wait3A_392 : memref<32x128xf32, #tpu.memory_space<hbm>>) dst(%dma_wait3A_390 : memref<32x128xf32, #tpu.memory_space<vmem>>)
      %dma_wait3A_393 = arith.constant 2 : i32
      %dma_wait3A_394 = arith.constant 0 : i32
      %dma_wait3A_395 = arith.constant 0 : i32
      %dma_wait3A_396 = tpu.memref_slice %arg9[%dma_wait3A_393, %dma_wait3A_394, %dma_wait3A_395] : memref<8x32x128xf32, #tpu.memory_space<vmem>> -> memref<1x32x128xf32, #tpu.memory_space<vmem>>
      %dma_wait3A_397 = tpu.memref_squeeze %dma_wait3A_396 : memref<1x32x128xf32, #tpu.memory_space<vmem>> -> memref<32x128xf32, #tpu.memory_space<vmem>>
      %dma_wait3A_398 = arith.constant 0 : i32
      %dma_wait3A_399 = tpu.memref_slice %arg4[%dma_wait3A_398, %multiple_of3A_151] : memref<32x1000000xf32, #tpu.memory_space<hbm>> -> memref<32x128xf32, #tpu.memory_space<hbm>>
      %dma_wait3A_400 = arith.constant 0 : i32
      %dma_wait3A_401 = arith.constant 0 : i32
      %dma_wait3A_402 = tpu.memref_slice %arg9[%dma_wait3A_393, %dma_wait3A_400, %dma_wait3A_401] : memref<8x32x128xf32, #tpu.memory_space<vmem>> -> memref<1x32x128xf32, #tpu.memory_space<vmem>>
      %dma_wait3A_403 = tpu.memref_squeeze %dma_wait3A_402 : memref<1x32x128xf32, #tpu.memory_space<vmem>> -> memref<32x128xf32, #tpu.memory_space<vmem>>
      %dma_wait3A_404 = arith.constant 0 : i32
      %dma_wait3A_405 = tpu.memref_slice %arg4[%dma_wait3A_404, %multiple_of3A_151] : memref<32x1000000xf32, #tpu.memory_space<hbm>> -> memref<32x128xf32, #tpu.memory_space<hbm>>
      tpu.wait_dma2 semaphore(%arg13 : memref<!tpu.dma_semaphore, #tpu.memory_space<semaphore_mem>>) src(%dma_wait3A_405 : memref<32x128xf32, #tpu.memory_space<hbm>>) dst(%dma_wait3A_403 : memref<32x128xf32, #tpu.memory_space<vmem>>)
      %dma_wait3A_406 = arith.constant 2 : i32
      %dma_wait3A_407 = arith.constant 0 : i32
      %dma_wait3A_408 = arith.constant 0 : i32
      %dma_wait3A_409 = tpu.memref_slice %arg10[%dma_wait3A_406, %dma_wait3A_407, %dma_wait3A_408] : memref<8x32x128xf32, #tpu.memory_space<vmem>> -> memref<1x32x128xf32, #tpu.memory_space<vmem>>
      %dma_wait3A_410 = tpu.memref_squeeze %dma_wait3A_409 : memref<1x32x128xf32, #tpu.memory_space<vmem>> -> memref<32x128xf32, #tpu.memory_space<vmem>>
      %dma_wait3A_411 = arith.constant 0 : i32
      %dma_wait3A_412 = tpu.memref_slice %arg5[%dma_wait3A_411, %multiple_of3A_154] : memref<32x1000000xf32, #tpu.memory_space<hbm>> -> memref<32x128xf32, #tpu.memory_space<hbm>>
      %dma_wait3A_413 = arith.constant 0 : i32
      %dma_wait3A_414 = arith.constant 0 : i32
      %dma_wait3A_415 = tpu.memref_slice %arg10[%dma_wait3A_406, %dma_wait3A_413, %dma_wait3A_414] : memref<8x32x128xf32, #tpu.memory_space<vmem>> -> memref<1x32x128xf32, #tpu.memory_space<vmem>>
      %dma_wait3A_416 = tpu.memref_squeeze %dma_wait3A_415 : memref<1x32x128xf32, #tpu.memory_space<vmem>> -> memref<32x128xf32, #tpu.memory_space<vmem>>
      %dma_wait3A_417 = arith.constant 0 : i32
      %dma_wait3A_418 = tpu.memref_slice %arg5[%dma_wait3A_417, %multiple_of3A_154] : memref<32x1000000xf32, #tpu.memory_space<hbm>> -> memref<32x128xf32, #tpu.memory_space<hbm>>
      tpu.wait_dma2 semaphore(%arg13 : memref<!tpu.dma_semaphore, #tpu.memory_space<semaphore_mem>>) src(%dma_wait3A_418 : memref<32x128xf32, #tpu.memory_space<hbm>>) dst(%dma_wait3A_416 : memref<32x128xf32, #tpu.memory_space<vmem>>)
      %dma_wait3A_419 = arith.constant 3 : i32
      %dma_wait3A_420 = arith.constant 0 : i32
      %dma_wait3A_421 = arith.constant 0 : i32
      %dma_wait3A_422 = tpu.memref_slice %arg9[%dma_wait3A_419, %dma_wait3A_420, %dma_wait3A_421] : memref<8x32x128xf32, #tpu.memory_space<vmem>> -> memref<1x32x128xf32, #tpu.memory_space<vmem>>
      %dma_wait3A_423 = tpu.memref_squeeze %dma_wait3A_422 : memref<1x32x128xf32, #tpu.memory_space<vmem>> -> memref<32x128xf32, #tpu.memory_space<vmem>>
      %dma_wait3A_424 = arith.constant 0 : i32
      %dma_wait3A_425 = tpu.memref_slice %arg4[%dma_wait3A_424, %multiple_of3A_183] : memref<32x1000000xf32, #tpu.memory_space<hbm>> -> memref<32x128xf32, #tpu.memory_space<hbm>>
      %dma_wait3A_426 = arith.constant 0 : i32
      %dma_wait3A_427 = arith.constant 0 : i32
      %dma_wait3A_428 = tpu.memref_slice %arg9[%dma_wait3A_419, %dma_wait3A_426, %dma_wait3A_427] : memref<8x32x128xf32, #tpu.memory_space<vmem>> -> memref<1x32x128xf32, #tpu.memory_space<vmem>>
      %dma_wait3A_429 = tpu.memref_squeeze %dma_wait3A_428 : memref<1x32x128xf32, #tpu.memory_space<vmem>> -> memref<32x128xf32, #tpu.memory_space<vmem>>
      %dma_wait3A_430 = arith.constant 0 : i32
      %dma_wait3A_431 = tpu.memref_slice %arg4[%dma_wait3A_430, %multiple_of3A_183] : memref<32x1000000xf32, #tpu.memory_space<hbm>> -> memref<32x128xf32, #tpu.memory_space<hbm>>
      tpu.wait_dma2 semaphore(%arg13 : memref<!tpu.dma_semaphore, #tpu.memory_space<semaphore_mem>>) src(%dma_wait3A_431 : memref<32x128xf32, #tpu.memory_space<hbm>>) dst(%dma_wait3A_429 : memref<32x128xf32, #tpu.memory_space<vmem>>)
      %dma_wait3A_432 = arith.constant 3 : i32
      %dma_wait3A_433 = arith.constant 0 : i32
      %dma_wait3A_434 = arith.constant 0 : i32
      %dma_wait3A_435 = tpu.memref_slice %arg10[%dma_wait3A_432, %dma_wait3A_433, %dma_wait3A_434] : memref<8x32x128xf32, #tpu.memory_space<vmem>> -> memref<1x32x128xf32, #tpu.memory_space<vmem>>
      %dma_wait3A_436 = tpu.memref_squeeze %dma_wait3A_435 : memref<1x32x128xf32, #tpu.memory_space<vmem>> -> memref<32x128xf32, #tpu.memory_space<vmem>>
      %dma_wait3A_437 = arith.constant 0 : i32
      %dma_wait3A_438 = tpu.memref_slice %arg5[%dma_wait3A_437, %multiple_of3A_186] : memref<32x1000000xf32, #tpu.memory_space<hbm>> -> memref<32x128xf32, #tpu.memory_space<hbm>>
      %dma_wait3A_439 = arith.constant 0 : i32
      %dma_wait3A_440 = arith.constant 0 : i32
      %dma_wait3A_441 = tpu.memref_slice %arg10[%dma_wait3A_432, %dma_wait3A_439, %dma_wait3A_440] : memref<8x32x128xf32, #tpu.memory_space<vmem>> -> memref<1x32x128xf32, #tpu.memory_space<vmem>>
      %dma_wait3A_442 = tpu.memref_squeeze %dma_wait3A_441 : memref<1x32x128xf32, #tpu.memory_space<vmem>> -> memref<32x128xf32, #tpu.memory_space<vmem>>
      %dma_wait3A_443 = arith.constant 0 : i32
      %dma_wait3A_444 = tpu.memref_slice %arg5[%dma_wait3A_443, %multiple_of3A_186] : memref<32x1000000xf32, #tpu.memory_space<hbm>> -> memref<32x128xf32, #tpu.memory_space<hbm>>
      tpu.wait_dma2 semaphore(%arg13 : memref<!tpu.dma_semaphore, #tpu.memory_space<semaphore_mem>>) src(%dma_wait3A_444 : memref<32x128xf32, #tpu.memory_space<hbm>>) dst(%dma_wait3A_442 : memref<32x128xf32, #tpu.memory_space<vmem>>)
      %dma_wait3A_445 = arith.constant 4 : i32
      %dma_wait3A_446 = arith.constant 0 : i32
      %dma_wait3A_447 = arith.constant 0 : i32
      %dma_wait3A_448 = tpu.memref_slice %arg9[%dma_wait3A_445, %dma_wait3A_446, %dma_wait3A_447] : memref<8x32x128xf32, #tpu.memory_space<vmem>> -> memref<1x32x128xf32, #tpu.memory_space<vmem>>
      %dma_wait3A_449 = tpu.memref_squeeze %dma_wait3A_448 : memref<1x32x128xf32, #tpu.memory_space<vmem>> -> memref<32x128xf32, #tpu.memory_space<vmem>>
      %dma_wait3A_450 = arith.constant 0 : i32
      %dma_wait3A_451 = tpu.memref_slice %arg4[%dma_wait3A_450, %multiple_of3A_215] : memref<32x1000000xf32, #tpu.memory_space<hbm>> -> memref<32x128xf32, #tpu.memory_space<hbm>>
      %dma_wait3A_452 = arith.constant 0 : i32
      %dma_wait3A_453 = arith.constant 0 : i32
      %dma_wait3A_454 = tpu.memref_slice %arg9[%dma_wait3A_445, %dma_wait3A_452, %dma_wait3A_453] : memref<8x32x128xf32, #tpu.memory_space<vmem>> -> memref<1x32x128xf32, #tpu.memory_space<vmem>>
      %dma_wait3A_455 = tpu.memref_squeeze %dma_wait3A_454 : memref<1x32x128xf32, #tpu.memory_space<vmem>> -> memref<32x128xf32, #tpu.memory_space<vmem>>
      %dma_wait3A_456 = arith.constant 0 : i32
      %dma_wait3A_457 = tpu.memref_slice %arg4[%dma_wait3A_456, %multiple_of3A_215] : memref<32x1000000xf32, #tpu.memory_space<hbm>> -> memref<32x128xf32, #tpu.memory_space<hbm>>
      tpu.wait_dma2 semaphore(%arg13 : memref<!tpu.dma_semaphore, #tpu.memory_space<semaphore_mem>>) src(%dma_wait3A_457 : memref<32x128xf32, #tpu.memory_space<hbm>>) dst(%dma_wait3A_455 : memref<32x128xf32, #tpu.memory_space<vmem>>)
      %dma_wait3A_458 = arith.constant 4 : i32
      %dma_wait3A_459 = arith.constant 0 : i32
      %dma_wait3A_460 = arith.constant 0 : i32
      %dma_wait3A_461 = tpu.memref_slice %arg10[%dma_wait3A_458, %dma_wait3A_459, %dma_wait3A_460] : memref<8x32x128xf32, #tpu.memory_space<vmem>> -> memref<1x32x128xf32, #tpu.memory_space<vmem>>
      %dma_wait3A_462 = tpu.memref_squeeze %dma_wait3A_461 : memref<1x32x128xf32, #tpu.memory_space<vmem>> -> memref<32x128xf32, #tpu.memory_space<vmem>>
      %dma_wait3A_463 = arith.constant 0 : i32
      %dma_wait3A_464 = tpu.memref_slice %arg5[%dma_wait3A_463, %multiple_of3A_218] : memref<32x1000000xf32, #tpu.memory_space<hbm>> -> memref<32x128xf32, #tpu.memory_space<hbm>>
      %dma_wait3A_465 = arith.constant 0 : i32
      %dma_wait3A_466 = arith.constant 0 : i32
      %dma_wait3A_467 = tpu.memref_slice %arg10[%dma_wait3A_458, %dma_wait3A_465, %dma_wait3A_466] : memref<8x32x128xf32, #tpu.memory_space<vmem>> -> memref<1x32x128xf32, #tpu.memory_space<vmem>>
      %dma_wait3A_468 = tpu.memref_squeeze %dma_wait3A_467 : memref<1x32x128xf32, #tpu.memory_space<vmem>> -> memref<32x128xf32, #tpu.memory_space<vmem>>
      %dma_wait3A_469 = arith.constant 0 : i32
      %dma_wait3A_470 = tpu.memref_slice %arg5[%dma_wait3A_469, %multiple_of3A_218] : memref<32x1000000xf32, #tpu.memory_space<hbm>> -> memref<32x128xf32, #tpu.memory_space<hbm>>
      tpu.wait_dma2 semaphore(%arg13 : memref<!tpu.dma_semaphore, #tpu.memory_space<semaphore_mem>>) src(%dma_wait3A_470 : memref<32x128xf32, #tpu.memory_space<hbm>>) dst(%dma_wait3A_468 : memref<32x128xf32, #tpu.memory_space<vmem>>)
      %dma_wait3A_471 = arith.constant 5 : i32
      %dma_wait3A_472 = arith.constant 0 : i32
      %dma_wait3A_473 = arith.constant 0 : i32
      %dma_wait3A_474 = tpu.memref_slice %arg9[%dma_wait3A_471, %dma_wait3A_472, %dma_wait3A_473] : memref<8x32x128xf32, #tpu.memory_space<vmem>> -> memref<1x32x128xf32, #tpu.memory_space<vmem>>
      %dma_wait3A_475 = tpu.memref_squeeze %dma_wait3A_474 : memref<1x32x128xf32, #tpu.memory_space<vmem>> -> memref<32x128xf32, #tpu.memory_space<vmem>>
      %dma_wait3A_476 = arith.constant 0 : i32
      %dma_wait3A_477 = tpu.memref_slice %arg4[%dma_wait3A_476, %multiple_of3A_247] : memref<32x1000000xf32, #tpu.memory_space<hbm>> -> memref<32x128xf32, #tpu.memory_space<hbm>>
      %dma_wait3A_478 = arith.constant 0 : i32
      %dma_wait3A_479 = arith.constant 0 : i32
      %dma_wait3A_480 = tpu.memref_slice %arg9[%dma_wait3A_471, %dma_wait3A_478, %dma_wait3A_479] : memref<8x32x128xf32, #tpu.memory_space<vmem>> -> memref<1x32x128xf32, #tpu.memory_space<vmem>>
      %dma_wait3A_481 = tpu.memref_squeeze %dma_wait3A_480 : memref<1x32x128xf32, #tpu.memory_space<vmem>> -> memref<32x128xf32, #tpu.memory_space<vmem>>
      %dma_wait3A_482 = arith.constant 0 : i32
      %dma_wait3A_483 = tpu.memref_slice %arg4[%dma_wait3A_482, %multiple_of3A_247] : memref<32x1000000xf32, #tpu.memory_space<hbm>> -> memref<32x128xf32, #tpu.memory_space<hbm>>
      tpu.wait_dma2 semaphore(%arg13 : memref<!tpu.dma_semaphore, #tpu.memory_space<semaphore_mem>>) src(%dma_wait3A_483 : memref<32x128xf32, #tpu.memory_space<hbm>>) dst(%dma_wait3A_481 : memref<32x128xf32, #tpu.memory_space<vmem>>)
      %dma_wait3A_484 = arith.constant 5 : i32
      %dma_wait3A_485 = arith.constant 0 : i32
      %dma_wait3A_486 = arith.constant 0 : i32
      %dma_wait3A_487 = tpu.memref_slice %arg10[%dma_wait3A_484, %dma_wait3A_485, %dma_wait3A_486] : memref<8x32x128xf32, #tpu.memory_space<vmem>> -> memref<1x32x128xf32, #tpu.memory_space<vmem>>
      %dma_wait3A_488 = tpu.memref_squeeze %dma_wait3A_487 : memref<1x32x128xf32, #tpu.memory_space<vmem>> -> memref<32x128xf32, #tpu.memory_space<vmem>>
      %dma_wait3A_489 = arith.constant 0 : i32
      %dma_wait3A_490 = tpu.memref_slice %arg5[%dma_wait3A_489, %multiple_of3A_250] : memref<32x1000000xf32, #tpu.memory_space<hbm>> -> memref<32x128xf32, #tpu.memory_space<hbm>>
      %dma_wait3A_491 = arith.constant 0 : i32
      %dma_wait3A_492 = arith.constant 0 : i32
      %dma_wait3A_493 = tpu.memref_slice %arg10[%dma_wait3A_484, %dma_wait3A_491, %dma_wait3A_492] : memref<8x32x128xf32, #tpu.memory_space<vmem>> -> memref<1x32x128xf32, #tpu.memory_space<vmem>>
      %dma_wait3A_494 = tpu.memref_squeeze %dma_wait3A_493 : memref<1x32x128xf32, #tpu.memory_space<vmem>> -> memref<32x128xf32, #tpu.memory_space<vmem>>
      %dma_wait3A_495 = arith.constant 0 : i32
      %dma_wait3A_496 = tpu.memref_slice %arg5[%dma_wait3A_495, %multiple_of3A_250] : memref<32x1000000xf32, #tpu.memory_space<hbm>> -> memref<32x128xf32, #tpu.memory_space<hbm>>
      tpu.wait_dma2 semaphore(%arg13 : memref<!tpu.dma_semaphore, #tpu.memory_space<semaphore_mem>>) src(%dma_wait3A_496 : memref<32x128xf32, #tpu.memory_space<hbm>>) dst(%dma_wait3A_494 : memref<32x128xf32, #tpu.memory_space<vmem>>)
      %dma_wait3A_497 = arith.constant 6 : i32
      %dma_wait3A_498 = arith.constant 0 : i32
      %dma_wait3A_499 = arith.constant 0 : i32
      %dma_wait3A_500 = tpu.memref_slice %arg9[%dma_wait3A_497, %dma_wait3A_498, %dma_wait3A_499] : memref<8x32x128xf32, #tpu.memory_space<vmem>> -> memref<1x32x128xf32, #tpu.memory_space<vmem>>
      %dma_wait3A_501 = tpu.memref_squeeze %dma_wait3A_500 : memref<1x32x128xf32, #tpu.memory_space<vmem>> -> memref<32x128xf32, #tpu.memory_space<vmem>>
      %dma_wait3A_502 = arith.constant 0 : i32
      %dma_wait3A_503 = tpu.memref_slice %arg4[%dma_wait3A_502, %multiple_of3A_279] : memref<32x1000000xf32, #tpu.memory_space<hbm>> -> memref<32x128xf32, #tpu.memory_space<hbm>>
      %dma_wait3A_504 = arith.constant 0 : i32
      %dma_wait3A_505 = arith.constant 0 : i32
      %dma_wait3A_506 = tpu.memref_slice %arg9[%dma_wait3A_497, %dma_wait3A_504, %dma_wait3A_505] : memref<8x32x128xf32, #tpu.memory_space<vmem>> -> memref<1x32x128xf32, #tpu.memory_space<vmem>>
      %dma_wait3A_507 = tpu.memref_squeeze %dma_wait3A_506 : memref<1x32x128xf32, #tpu.memory_space<vmem>> -> memref<32x128xf32, #tpu.memory_space<vmem>>
      %dma_wait3A_508 = arith.constant 0 : i32
      %dma_wait3A_509 = tpu.memref_slice %arg4[%dma_wait3A_508, %multiple_of3A_279] : memref<32x1000000xf32, #tpu.memory_space<hbm>> -> memref<32x128xf32, #tpu.memory_space<hbm>>
      tpu.wait_dma2 semaphore(%arg13 : memref<!tpu.dma_semaphore, #tpu.memory_space<semaphore_mem>>) src(%dma_wait3A_509 : memref<32x128xf32, #tpu.memory_space<hbm>>) dst(%dma_wait3A_507 : memref<32x128xf32, #tpu.memory_space<vmem>>)
      %dma_wait3A_510 = arith.constant 6 : i32
      %dma_wait3A_511 = arith.constant 0 : i32
      %dma_wait3A_512 = arith.constant 0 : i32
      %dma_wait3A_513 = tpu.memref_slice %arg10[%dma_wait3A_510, %dma_wait3A_511, %dma_wait3A_512] : memref<8x32x128xf32, #tpu.memory_space<vmem>> -> memref<1x32x128xf32, #tpu.memory_space<vmem>>
      %dma_wait3A_514 = tpu.memref_squeeze %dma_wait3A_513 : memref<1x32x128xf32, #tpu.memory_space<vmem>> -> memref<32x128xf32, #tpu.memory_space<vmem>>
      %dma_wait3A_515 = arith.constant 0 : i32
      %dma_wait3A_516 = tpu.memref_slice %arg5[%dma_wait3A_515, %multiple_of3A_282] : memref<32x1000000xf32, #tpu.memory_space<hbm>> -> memref<32x128xf32, #tpu.memory_space<hbm>>
      %dma_wait3A_517 = arith.constant 0 : i32
      %dma_wait3A_518 = arith.constant 0 : i32
      %dma_wait3A_519 = tpu.memref_slice %arg10[%dma_wait3A_510, %dma_wait3A_517, %dma_wait3A_518] : memref<8x32x128xf32, #tpu.memory_space<vmem>> -> memref<1x32x128xf32, #tpu.memory_space<vmem>>
      %dma_wait3A_520 = tpu.memref_squeeze %dma_wait3A_519 : memref<1x32x128xf32, #tpu.memory_space<vmem>> -> memref<32x128xf32, #tpu.memory_space<vmem>>
      %dma_wait3A_521 = arith.constant 0 : i32
      %dma_wait3A_522 = tpu.memref_slice %arg5[%dma_wait3A_521, %multiple_of3A_282] : memref<32x1000000xf32, #tpu.memory_space<hbm>> -> memref<32x128xf32, #tpu.memory_space<hbm>>
      tpu.wait_dma2 semaphore(%arg13 : memref<!tpu.dma_semaphore, #tpu.memory_space<semaphore_mem>>) src(%dma_wait3A_522 : memref<32x128xf32, #tpu.memory_space<hbm>>) dst(%dma_wait3A_520 : memref<32x128xf32, #tpu.memory_space<vmem>>)
      %dma_wait3A_523 = arith.constant 7 : i32
      %dma_wait3A_524 = arith.constant 0 : i32
      %dma_wait3A_525 = arith.constant 0 : i32
      %dma_wait3A_526 = tpu.memref_slice %arg9[%dma_wait3A_523, %dma_wait3A_524, %dma_wait3A_525] : memref<8x32x128xf32, #tpu.memory_space<vmem>> -> memref<1x32x128xf32, #tpu.memory_space<vmem>>
      %dma_wait3A_527 = tpu.memref_squeeze %dma_wait3A_526 : memref<1x32x128xf32, #tpu.memory_space<vmem>> -> memref<32x128xf32, #tpu.memory_space<vmem>>
      %dma_wait3A_528 = arith.constant 0 : i32
      %dma_wait3A_529 = tpu.memref_slice %arg4[%dma_wait3A_528, %multiple_of3A_311] : memref<32x1000000xf32, #tpu.memory_space<hbm>> -> memref<32x128xf32, #tpu.memory_space<hbm>>
      %dma_wait3A_530 = arith.constant 0 : i32
      %dma_wait3A_531 = arith.constant 0 : i32
      %dma_wait3A_532 = tpu.memref_slice %arg9[%dma_wait3A_523, %dma_wait3A_530, %dma_wait3A_531] : memref<8x32x128xf32, #tpu.memory_space<vmem>> -> memref<1x32x128xf32, #tpu.memory_space<vmem>>
      %dma_wait3A_533 = tpu.memref_squeeze %dma_wait3A_532 : memref<1x32x128xf32, #tpu.memory_space<vmem>> -> memref<32x128xf32, #tpu.memory_space<vmem>>
      %dma_wait3A_534 = arith.constant 0 : i32
      %dma_wait3A_535 = tpu.memref_slice %arg4[%dma_wait3A_534, %multiple_of3A_311] : memref<32x1000000xf32, #tpu.memory_space<hbm>> -> memref<32x128xf32, #tpu.memory_space<hbm>>
      tpu.wait_dma2 semaphore(%arg13 : memref<!tpu.dma_semaphore, #tpu.memory_space<semaphore_mem>>) src(%dma_wait3A_535 : memref<32x128xf32, #tpu.memory_space<hbm>>) dst(%dma_wait3A_533 : memref<32x128xf32, #tpu.memory_space<vmem>>)
      %dma_wait3A_536 = arith.constant 7 : i32
      %dma_wait3A_537 = arith.constant 0 : i32
      %dma_wait3A_538 = arith.constant 0 : i32
      %dma_wait3A_539 = tpu.memref_slice %arg10[%dma_wait3A_536, %dma_wait3A_537, %dma_wait3A_538] : memref<8x32x128xf32, #tpu.memory_space<vmem>> -> memref<1x32x128xf32, #tpu.memory_space<vmem>>
      %dma_wait3A_540 = tpu.memref_squeeze %dma_wait3A_539 : memref<1x32x128xf32, #tpu.memory_space<vmem>> -> memref<32x128xf32, #tpu.memory_space<vmem>>
      %dma_wait3A_541 = arith.constant 0 : i32
      %dma_wait3A_542 = tpu.memref_slice %arg5[%dma_wait3A_541, %multiple_of3A_314] : memref<32x1000000xf32, #tpu.memory_space<hbm>> -> memref<32x128xf32, #tpu.memory_space<hbm>>
      %dma_wait3A_543 = arith.constant 0 : i32
      %dma_wait3A_544 = arith.constant 0 : i32
      %dma_wait3A_545 = tpu.memref_slice %arg10[%dma_wait3A_536, %dma_wait3A_543, %dma_wait3A_544] : memref<8x32x128xf32, #tpu.memory_space<vmem>> -> memref<1x32x128xf32, #tpu.memory_space<vmem>>
      %dma_wait3A_546 = tpu.memref_squeeze %dma_wait3A_545 : memref<1x32x128xf32, #tpu.memory_space<vmem>> -> memref<32x128xf32, #tpu.memory_space<vmem>>
      %dma_wait3A_547 = arith.constant 0 : i32
      %dma_wait3A_548 = tpu.memref_slice %arg5[%dma_wait3A_547, %multiple_of3A_314] : memref<32x1000000xf32, #tpu.memory_space<hbm>> -> memref<32x128xf32, #tpu.memory_space<hbm>>
      tpu.wait_dma2 semaphore(%arg13 : memref<!tpu.dma_semaphore, #tpu.memory_space<semaphore_mem>>) src(%dma_wait3A_548 : memref<32x128xf32, #tpu.memory_space<hbm>>) dst(%dma_wait3A_546 : memref<32x128xf32, #tpu.memory_space<vmem>>)
      %broadcast_in_dim3A = arith.constant 0.000000e+00 : f32
      %broadcast_in_dim3A_549 = vector.broadcast %broadcast_in_dim3A : f32 to vector<16xf32>
      %broadcast_in_dim3A_550 = arith.constant 0 : i32
      %broadcast_in_dim3A_551 = vector.broadcast %broadcast_in_dim3A_550 : i32 to vector<16xi32>
      %gather3A = tpu.vector_load_idx %arg9[%and3A_10, %broadcast_in_dim3A_551, %sub3A_86] : memref<8x32x128xf32, #tpu.memory_space<vmem>>[vector<16xi32>, vector<16xi32>, vector<16xi32>], vector<16xf32>,
      %gather3A_552 = tpu.vector_load_idx %arg10[%and3A_10, %broadcast_in_dim3A_551, %sub3A_87] : memref<8x32x128xf32, #tpu.memory_space<vmem>>[vector<16xi32>, vector<16xi32>, vector<16xi32>], vector<16xf32>,
      %mul3A_553 = arith.mulf %gather3A, %gather3A_552 : vector<16xf32>
      %add3A_554 = arith.addf %broadcast_in_dim3A_549, %mul3A_553 : vector<16xf32>
      %broadcast_in_dim3A_555 = arith.constant 1 : i32
      %broadcast_in_dim3A_556 = vector.broadcast %broadcast_in_dim3A_555 : i32 to vector<16xi32>
      %gather3A_557 = tpu.vector_load_idx %arg9[%and3A_10, %broadcast_in_dim3A_556, %sub3A_86] : memref<8x32x128xf32, #tpu.memory_space<vmem>>[vector<16xi32>, vector<16xi32>, vector<16xi32>], vector<16xf32>,
      %gather3A_558 = tpu.vector_load_idx %arg10[%and3A_10, %broadcast_in_dim3A_556, %sub3A_87] : memref<8x32x128xf32, #tpu.memory_space<vmem>>[vector<16xi32>, vector<16xi32>, vector<16xi32>], vector<16xf32>,
      %mul3A_559 = arith.mulf %gather3A_557, %gather3A_558 : vector<16xf32>
      %add3A_560 = arith.addf %add3A_554, %mul3A_559 : vector<16xf32>
      %broadcast_in_dim3A_561 = arith.constant 2 : i32
      %broadcast_in_dim3A_562 = vector.broadcast %broadcast_in_dim3A_561 : i32 to vector<16xi32>
      %gather3A_563 = tpu.vector_load_idx %arg9[%and3A_10, %broadcast_in_dim3A_562, %sub3A_86] : memref<8x32x128xf32, #tpu.memory_space<vmem>>[vector<16xi32>, vector<16xi32>, vector<16xi32>], vector<16xf32>,
      %gather3A_564 = tpu.vector_load_idx %arg10[%and3A_10, %broadcast_in_dim3A_562, %sub3A_87] : memref<8x32x128xf32, #tpu.memory_space<vmem>>[vector<16xi32>, vector<16xi32>, vector<16xi32>], vector<16xf32>,
      %mul3A_565 = arith.mulf %gather3A_563, %gather3A_564 : vector<16xf32>
      %add3A_566 = arith.addf %add3A_560, %mul3A_565 : vector<16xf32>
      %broadcast_in_dim3A_567 = arith.constant 3 : i32
      %broadcast_in_dim3A_568 = vector.broadcast %broadcast_in_dim3A_567 : i32 to vector<16xi32>
      %gather3A_569 = tpu.vector_load_idx %arg9[%and3A_10, %broadcast_in_dim3A_568, %sub3A_86] : memref<8x32x128xf32, #tpu.memory_space<vmem>>[vector<16xi32>, vector<16xi32>, vector<16xi32>], vector<16xf32>,
      %gather3A_570 = tpu.vector_load_idx %arg10[%and3A_10, %broadcast_in_dim3A_568, %sub3A_87] : memref<8x32x128xf32, #tpu.memory_space<vmem>>[vector<16xi32>, vector<16xi32>, vector<16xi32>], vector<16xf32>,
      %mul3A_571 = arith.mulf %gather3A_569, %gather3A_570 : vector<16xf32>
      %add3A_572 = arith.addf %add3A_566, %mul3A_571 : vector<16xf32>
      %broadcast_in_dim3A_573 = arith.constant 4 : i32
      %broadcast_in_dim3A_574 = vector.broadcast %broadcast_in_dim3A_573 : i32 to vector<16xi32>
      %gather3A_575 = tpu.vector_load_idx %arg9[%and3A_10, %broadcast_in_dim3A_574, %sub3A_86] : memref<8x32x128xf32, #tpu.memory_space<vmem>>[vector<16xi32>, vector<16xi32>, vector<16xi32>], vector<16xf32>,
      %gather3A_576 = tpu.vector_load_idx %arg10[%and3A_10, %broadcast_in_dim3A_574, %sub3A_87] : memref<8x32x128xf32, #tpu.memory_space<vmem>>[vector<16xi32>, vector<16xi32>, vector<16xi32>], vector<16xf32>,
      %mul3A_577 = arith.mulf %gather3A_575, %gather3A_576 : vector<16xf32>
      %add3A_578 = arith.addf %add3A_572, %mul3A_577 : vector<16xf32>
      %broadcast_in_dim3A_579 = arith.constant 5 : i32
      %broadcast_in_dim3A_580 = vector.broadcast %broadcast_in_dim3A_579 : i32 to vector<16xi32>
      %gather3A_581 = tpu.vector_load_idx %arg9[%and3A_10, %broadcast_in_dim3A_580, %sub3A_86] : memref<8x32x128xf32, #tpu.memory_space<vmem>>[vector<16xi32>, vector<16xi32>, vector<16xi32>], vector<16xf32>,
      %gather3A_582 = tpu.vector_load_idx %arg10[%and3A_10, %broadcast_in_dim3A_580, %sub3A_87] : memref<8x32x128xf32, #tpu.memory_space<vmem>>[vector<16xi32>, vector<16xi32>, vector<16xi32>], vector<16xf32>,
      %mul3A_583 = arith.mulf %gather3A_581, %gather3A_582 : vector<16xf32>
      %add3A_584 = arith.addf %add3A_578, %mul3A_583 : vector<16xf32>
      %broadcast_in_dim3A_585 = arith.constant 6 : i32
      %broadcast_in_dim3A_586 = vector.broadcast %broadcast_in_dim3A_585 : i32 to vector<16xi32>
      %gather3A_587 = tpu.vector_load_idx %arg9[%and3A_10, %broadcast_in_dim3A_586, %sub3A_86] : memref<8x32x128xf32, #tpu.memory_space<vmem>>[vector<16xi32>, vector<16xi32>, vector<16xi32>], vector<16xf32>,
      %gather3A_588 = tpu.vector_load_idx %arg10[%and3A_10, %broadcast_in_dim3A_586, %sub3A_87] : memref<8x32x128xf32, #tpu.memory_space<vmem>>[vector<16xi32>, vector<16xi32>, vector<16xi32>], vector<16xf32>,
      %mul3A_589 = arith.mulf %gather3A_587, %gather3A_588 : vector<16xf32>
      %add3A_590 = arith.addf %add3A_584, %mul3A_589 : vector<16xf32>
      %broadcast_in_dim3A_591 = arith.constant 7 : i32
      %broadcast_in_dim3A_592 = vector.broadcast %broadcast_in_dim3A_591 : i32 to vector<16xi32>
      %gather3A_593 = tpu.vector_load_idx %arg9[%and3A_10, %broadcast_in_dim3A_592, %sub3A_86] : memref<8x32x128xf32, #tpu.memory_space<vmem>>[vector<16xi32>, vector<16xi32>, vector<16xi32>], vector<16xf32>,
      %gather3A_594 = tpu.vector_load_idx %arg10[%and3A_10, %broadcast_in_dim3A_592, %sub3A_87] : memref<8x32x128xf32, #tpu.memory_space<vmem>>[vector<16xi32>, vector<16xi32>, vector<16xi32>], vector<16xf32>,
      %mul3A_595 = arith.mulf %gather3A_593, %gather3A_594 : vector<16xf32>
      %add3A_596 = arith.addf %add3A_590, %mul3A_595 : vector<16xf32>
      %broadcast_in_dim3A_597 = arith.constant 8 : i32
      %broadcast_in_dim3A_598 = vector.broadcast %broadcast_in_dim3A_597 : i32 to vector<16xi32>
      %gather3A_599 = tpu.vector_load_idx %arg9[%and3A_10, %broadcast_in_dim3A_598, %sub3A_86] : memref<8x32x128xf32, #tpu.memory_space<vmem>>[vector<16xi32>, vector<16xi32>, vector<16xi32>], vector<16xf32>,
      %gather3A_600 = tpu.vector_load_idx %arg10[%and3A_10, %broadcast_in_dim3A_598, %sub3A_87] : memref<8x32x128xf32, #tpu.memory_space<vmem>>[vector<16xi32>, vector<16xi32>, vector<16xi32>], vector<16xf32>,
      %mul3A_601 = arith.mulf %gather3A_599, %gather3A_600 : vector<16xf32>
      %add3A_602 = arith.addf %add3A_596, %mul3A_601 : vector<16xf32>
      %broadcast_in_dim3A_603 = arith.constant 9 : i32
      %broadcast_in_dim3A_604 = vector.broadcast %broadcast_in_dim3A_603 : i32 to vector<16xi32>
      %gather3A_605 = tpu.vector_load_idx %arg9[%and3A_10, %broadcast_in_dim3A_604, %sub3A_86] : memref<8x32x128xf32, #tpu.memory_space<vmem>>[vector<16xi32>, vector<16xi32>, vector<16xi32>], vector<16xf32>,
      %gather3A_606 = tpu.vector_load_idx %arg10[%and3A_10, %broadcast_in_dim3A_604, %sub3A_87] : memref<8x32x128xf32, #tpu.memory_space<vmem>>[vector<16xi32>, vector<16xi32>, vector<16xi32>], vector<16xf32>,
      %mul3A_607 = arith.mulf %gather3A_605, %gather3A_606 : vector<16xf32>
      %add3A_608 = arith.addf %add3A_602, %mul3A_607 : vector<16xf32>
      %broadcast_in_dim3A_609 = arith.constant 10 : i32
      %broadcast_in_dim3A_610 = vector.broadcast %broadcast_in_dim3A_609 : i32 to vector<16xi32>
      %gather3A_611 = tpu.vector_load_idx %arg9[%and3A_10, %broadcast_in_dim3A_610, %sub3A_86] : memref<8x32x128xf32, #tpu.memory_space<vmem>>[vector<16xi32>, vector<16xi32>, vector<16xi32>], vector<16xf32>,
      %gather3A_612 = tpu.vector_load_idx %arg10[%and3A_10, %broadcast_in_dim3A_610, %sub3A_87] : memref<8x32x128xf32, #tpu.memory_space<vmem>>[vector<16xi32>, vector<16xi32>, vector<16xi32>], vector<16xf32>,
      %mul3A_613 = arith.mulf %gather3A_611, %gather3A_612 : vector<16xf32>
      %add3A_614 = arith.addf %add3A_608, %mul3A_613 : vector<16xf32>
      %broadcast_in_dim3A_615 = arith.constant 11 : i32
      %broadcast_in_dim3A_616 = vector.broadcast %broadcast_in_dim3A_615 : i32 to vector<16xi32>
      %gather3A_617 = tpu.vector_load_idx %arg9[%and3A_10, %broadcast_in_dim3A_616, %sub3A_86] : memref<8x32x128xf32, #tpu.memory_space<vmem>>[vector<16xi32>, vector<16xi32>, vector<16xi32>], vector<16xf32>,
      %gather3A_618 = tpu.vector_load_idx %arg10[%and3A_10, %broadcast_in_dim3A_616, %sub3A_87] : memref<8x32x128xf32, #tpu.memory_space<vmem>>[vector<16xi32>, vector<16xi32>, vector<16xi32>], vector<16xf32>,
      %mul3A_619 = arith.mulf %gather3A_617, %gather3A_618 : vector<16xf32>
      %add3A_620 = arith.addf %add3A_614, %mul3A_619 : vector<16xf32>
      %broadcast_in_dim3A_621 = arith.constant 12 : i32
      %broadcast_in_dim3A_622 = vector.broadcast %broadcast_in_dim3A_621 : i32 to vector<16xi32>
      %gather3A_623 = tpu.vector_load_idx %arg9[%and3A_10, %broadcast_in_dim3A_622, %sub3A_86] : memref<8x32x128xf32, #tpu.memory_space<vmem>>[vector<16xi32>, vector<16xi32>, vector<16xi32>], vector<16xf32>,
      %gather3A_624 = tpu.vector_load_idx %arg10[%and3A_10, %broadcast_in_dim3A_622, %sub3A_87] : memref<8x32x128xf32, #tpu.memory_space<vmem>>[vector<16xi32>, vector<16xi32>, vector<16xi32>], vector<16xf32>,
      %mul3A_625 = arith.mulf %gather3A_623, %gather3A_624 : vector<16xf32>
      %add3A_626 = arith.addf %add3A_620, %mul3A_625 : vector<16xf32>
      %broadcast_in_dim3A_627 = arith.constant 13 : i32
      %broadcast_in_dim3A_628 = vector.broadcast %broadcast_in_dim3A_627 : i32 to vector<16xi32>
      %gather3A_629 = tpu.vector_load_idx %arg9[%and3A_10, %broadcast_in_dim3A_628, %sub3A_86] : memref<8x32x128xf32, #tpu.memory_space<vmem>>[vector<16xi32>, vector<16xi32>, vector<16xi32>], vector<16xf32>,
      %gather3A_630 = tpu.vector_load_idx %arg10[%and3A_10, %broadcast_in_dim3A_628, %sub3A_87] : memref<8x32x128xf32, #tpu.memory_space<vmem>>[vector<16xi32>, vector<16xi32>, vector<16xi32>], vector<16xf32>,
      %mul3A_631 = arith.mulf %gather3A_629, %gather3A_630 : vector<16xf32>
      %add3A_632 = arith.addf %add3A_626, %mul3A_631 : vector<16xf32>
      %broadcast_in_dim3A_633 = arith.constant 14 : i32
      %broadcast_in_dim3A_634 = vector.broadcast %broadcast_in_dim3A_633 : i32 to vector<16xi32>
      %gather3A_635 = tpu.vector_load_idx %arg9[%and3A_10, %broadcast_in_dim3A_634, %sub3A_86] : memref<8x32x128xf32, #tpu.memory_space<vmem>>[vector<16xi32>, vector<16xi32>, vector<16xi32>], vector<16xf32>,
      %gather3A_636 = tpu.vector_load_idx %arg10[%and3A_10, %broadcast_in_dim3A_634, %sub3A_87] : memref<8x32x128xf32, #tpu.memory_space<vmem>>[vector<16xi32>, vector<16xi32>, vector<16xi32>], vector<16xf32>,
      %mul3A_637 = arith.mulf %gather3A_635, %gather3A_636 : vector<16xf32>
      %add3A_638 = arith.addf %add3A_632, %mul3A_637 : vector<16xf32>
      %broadcast_in_dim3A_639 = arith.constant 15 : i32
      %broadcast_in_dim3A_640 = vector.broadcast %broadcast_in_dim3A_639 : i32 to vector<16xi32>
      %gather3A_641 = tpu.vector_load_idx %arg9[%and3A_10, %broadcast_in_dim3A_640, %sub3A_86] : memref<8x32x128xf32, #tpu.memory_space<vmem>>[vector<16xi32>, vector<16xi32>, vector<16xi32>], vector<16xf32>,
      %gather3A_642 = tpu.vector_load_idx %arg10[%and3A_10, %broadcast_in_dim3A_640, %sub3A_87] : memref<8x32x128xf32, #tpu.memory_space<vmem>>[vector<16xi32>, vector<16xi32>, vector<16xi32>], vector<16xf32>,
      %mul3A_643 = arith.mulf %gather3A_641, %gather3A_642 : vector<16xf32>
      %add3A_644 = arith.addf %add3A_638, %mul3A_643 : vector<16xf32>
      %broadcast_in_dim3A_645 = arith.constant 16 : i32
      %broadcast_in_dim3A_646 = vector.broadcast %broadcast_in_dim3A_645 : i32 to vector<16xi32>
      %gather3A_647 = tpu.vector_load_idx %arg9[%and3A_10, %broadcast_in_dim3A_646, %sub3A_86] : memref<8x32x128xf32, #tpu.memory_space<vmem>>[vector<16xi32>, vector<16xi32>, vector<16xi32>], vector<16xf32>,
      %gather3A_648 = tpu.vector_load_idx %arg10[%and3A_10, %broadcast_in_dim3A_646, %sub3A_87] : memref<8x32x128xf32, #tpu.memory_space<vmem>>[vector<16xi32>, vector<16xi32>, vector<16xi32>], vector<16xf32>,
      %mul3A_649 = arith.mulf %gather3A_647, %gather3A_648 : vector<16xf32>
      %add3A_650 = arith.addf %add3A_644, %mul3A_649 : vector<16xf32>
      %broadcast_in_dim3A_651 = arith.constant 17 : i32
      %broadcast_in_dim3A_652 = vector.broadcast %broadcast_in_dim3A_651 : i32 to vector<16xi32>
      %gather3A_653 = tpu.vector_load_idx %arg9[%and3A_10, %broadcast_in_dim3A_652, %sub3A_86] : memref<8x32x128xf32, #tpu.memory_space<vmem>>[vector<16xi32>, vector<16xi32>, vector<16xi32>], vector<16xf32>,
      %gather3A_654 = tpu.vector_load_idx %arg10[%and3A_10, %broadcast_in_dim3A_652, %sub3A_87] : memref<8x32x128xf32, #tpu.memory_space<vmem>>[vector<16xi32>, vector<16xi32>, vector<16xi32>], vector<16xf32>,
      %mul3A_655 = arith.mulf %gather3A_653, %gather3A_654 : vector<16xf32>
      %add3A_656 = arith.addf %add3A_650, %mul3A_655 : vector<16xf32>
      %broadcast_in_dim3A_657 = arith.constant 18 : i32
      %broadcast_in_dim3A_658 = vector.broadcast %broadcast_in_dim3A_657 : i32 to vector<16xi32>
      %gather3A_659 = tpu.vector_load_idx %arg9[%and3A_10, %broadcast_in_dim3A_658, %sub3A_86] : memref<8x32x128xf32, #tpu.memory_space<vmem>>[vector<16xi32>, vector<16xi32>, vector<16xi32>], vector<16xf32>,
      %gather3A_660 = tpu.vector_load_idx %arg10[%and3A_10, %broadcast_in_dim3A_658, %sub3A_87] : memref<8x32x128xf32, #tpu.memory_space<vmem>>[vector<16xi32>, vector<16xi32>, vector<16xi32>], vector<16xf32>,
      %mul3A_661 = arith.mulf %gather3A_659, %gather3A_660 : vector<16xf32>
      %add3A_662 = arith.addf %add3A_656, %mul3A_661 : vector<16xf32>
      %broadcast_in_dim3A_663 = arith.constant 19 : i32
      %broadcast_in_dim3A_664 = vector.broadcast %broadcast_in_dim3A_663 : i32 to vector<16xi32>
      %gather3A_665 = tpu.vector_load_idx %arg9[%and3A_10, %broadcast_in_dim3A_664, %sub3A_86] : memref<8x32x128xf32, #tpu.memory_space<vmem>>[vector<16xi32>, vector<16xi32>, vector<16xi32>], vector<16xf32>,
      %gather3A_666 = tpu.vector_load_idx %arg10[%and3A_10, %broadcast_in_dim3A_664, %sub3A_87] : memref<8x32x128xf32, #tpu.memory_space<vmem>>[vector<16xi32>, vector<16xi32>, vector<16xi32>], vector<16xf32>,
      %mul3A_667 = arith.mulf %gather3A_665, %gather3A_666 : vector<16xf32>
      %add3A_668 = arith.addf %add3A_662, %mul3A_667 : vector<16xf32>
      %broadcast_in_dim3A_669 = arith.constant 20 : i32
      %broadcast_in_dim3A_670 = vector.broadcast %broadcast_in_dim3A_669 : i32 to vector<16xi32>
      %gather3A_671 = tpu.vector_load_idx %arg9[%and3A_10, %broadcast_in_dim3A_670, %sub3A_86] : memref<8x32x128xf32, #tpu.memory_space<vmem>>[vector<16xi32>, vector<16xi32>, vector<16xi32>], vector<16xf32>,
      %gather3A_672 = tpu.vector_load_idx %arg10[%and3A_10, %broadcast_in_dim3A_670, %sub3A_87] : memref<8x32x128xf32, #tpu.memory_space<vmem>>[vector<16xi32>, vector<16xi32>, vector<16xi32>], vector<16xf32>,
      %mul3A_673 = arith.mulf %gather3A_671, %gather3A_672 : vector<16xf32>
      %add3A_674 = arith.addf %add3A_668, %mul3A_673 : vector<16xf32>
      %broadcast_in_dim3A_675 = arith.constant 21 : i32
      %broadcast_in_dim3A_676 = vector.broadcast %broadcast_in_dim3A_675 : i32 to vector<16xi32>
      %gather3A_677 = tpu.vector_load_idx %arg9[%and3A_10, %broadcast_in_dim3A_676, %sub3A_86] : memref<8x32x128xf32, #tpu.memory_space<vmem>>[vector<16xi32>, vector<16xi32>, vector<16xi32>], vector<16xf32>,
      %gather3A_678 = tpu.vector_load_idx %arg10[%and3A_10, %broadcast_in_dim3A_676, %sub3A_87] : memref<8x32x128xf32, #tpu.memory_space<vmem>>[vector<16xi32>, vector<16xi32>, vector<16xi32>], vector<16xf32>,
      %mul3A_679 = arith.mulf %gather3A_677, %gather3A_678 : vector<16xf32>
      %add3A_680 = arith.addf %add3A_674, %mul3A_679 : vector<16xf32>
      %broadcast_in_dim3A_681 = arith.constant 22 : i32
      %broadcast_in_dim3A_682 = vector.broadcast %broadcast_in_dim3A_681 : i32 to vector<16xi32>
      %gather3A_683 = tpu.vector_load_idx %arg9[%and3A_10, %broadcast_in_dim3A_682, %sub3A_86] : memref<8x32x128xf32, #tpu.memory_space<vmem>>[vector<16xi32>, vector<16xi32>, vector<16xi32>], vector<16xf32>,
      %gather3A_684 = tpu.vector_load_idx %arg10[%and3A_10, %broadcast_in_dim3A_682, %sub3A_87] : memref<8x32x128xf32, #tpu.memory_space<vmem>>[vector<16xi32>, vector<16xi32>, vector<16xi32>], vector<16xf32>,
      %mul3A_685 = arith.mulf %gather3A_683, %gather3A_684 : vector<16xf32>
      %add3A_686 = arith.addf %add3A_680, %mul3A_685 : vector<16xf32>
      %broadcast_in_dim3A_687 = arith.constant 23 : i32
      %broadcast_in_dim3A_688 = vector.broadcast %broadcast_in_dim3A_687 : i32 to vector<16xi32>
      %gather3A_689 = tpu.vector_load_idx %arg9[%and3A_10, %broadcast_in_dim3A_688, %sub3A_86] : memref<8x32x128xf32, #tpu.memory_space<vmem>>[vector<16xi32>, vector<16xi32>, vector<16xi32>], vector<16xf32>,
      %gather3A_690 = tpu.vector_load_idx %arg10[%and3A_10, %broadcast_in_dim3A_688, %sub3A_87] : memref<8x32x128xf32, #tpu.memory_space<vmem>>[vector<16xi32>, vector<16xi32>, vector<16xi32>], vector<16xf32>,
      %mul3A_691 = arith.mulf %gather3A_689, %gather3A_690 : vector<16xf32>
      %add3A_692 = arith.addf %add3A_686, %mul3A_691 : vector<16xf32>
      %broadcast_in_dim3A_693 = arith.constant 24 : i32
      %broadcast_in_dim3A_694 = vector.broadcast %broadcast_in_dim3A_693 : i32 to vector<16xi32>
      %gather3A_695 = tpu.vector_load_idx %arg9[%and3A_10, %broadcast_in_dim3A_694, %sub3A_86] : memref<8x32x128xf32, #tpu.memory_space<vmem>>[vector<16xi32>, vector<16xi32>, vector<16xi32>], vector<16xf32>,
      %gather3A_696 = tpu.vector_load_idx %arg10[%and3A_10, %broadcast_in_dim3A_694, %sub3A_87] : memref<8x32x128xf32, #tpu.memory_space<vmem>>[vector<16xi32>, vector<16xi32>, vector<16xi32>], vector<16xf32>,
      %mul3A_697 = arith.mulf %gather3A_695, %gather3A_696 : vector<16xf32>
      %add3A_698 = arith.addf %add3A_692, %mul3A_697 : vector<16xf32>
      %broadcast_in_dim3A_699 = arith.constant 25 : i32
      %broadcast_in_dim3A_700 = vector.broadcast %broadcast_in_dim3A_699 : i32 to vector<16xi32>
      %gather3A_701 = tpu.vector_load_idx %arg9[%and3A_10, %broadcast_in_dim3A_700, %sub3A_86] : memref<8x32x128xf32, #tpu.memory_space<vmem>>[vector<16xi32>, vector<16xi32>, vector<16xi32>], vector<16xf32>,
      %gather3A_702 = tpu.vector_load_idx %arg10[%and3A_10, %broadcast_in_dim3A_700, %sub3A_87] : memref<8x32x128xf32, #tpu.memory_space<vmem>>[vector<16xi32>, vector<16xi32>, vector<16xi32>], vector<16xf32>,
      %mul3A_703 = arith.mulf %gather3A_701, %gather3A_702 : vector<16xf32>
      %add3A_704 = arith.addf %add3A_698, %mul3A_703 : vector<16xf32>
      %broadcast_in_dim3A_705 = arith.constant 26 : i32
      %broadcast_in_dim3A_706 = vector.broadcast %broadcast_in_dim3A_705 : i32 to vector<16xi32>
      %gather3A_707 = tpu.vector_load_idx %arg9[%and3A_10, %broadcast_in_dim3A_706, %sub3A_86] : memref<8x32x128xf32, #tpu.memory_space<vmem>>[vector<16xi32>, vector<16xi32>, vector<16xi32>], vector<16xf32>,
      %gather3A_708 = tpu.vector_load_idx %arg10[%and3A_10, %broadcast_in_dim3A_706, %sub3A_87] : memref<8x32x128xf32, #tpu.memory_space<vmem>>[vector<16xi32>, vector<16xi32>, vector<16xi32>], vector<16xf32>,
      %mul3A_709 = arith.mulf %gather3A_707, %gather3A_708 : vector<16xf32>
      %add3A_710 = arith.addf %add3A_704, %mul3A_709 : vector<16xf32>
      %broadcast_in_dim3A_711 = arith.constant 27 : i32
      %broadcast_in_dim3A_712 = vector.broadcast %broadcast_in_dim3A_711 : i32 to vector<16xi32>
      %gather3A_713 = tpu.vector_load_idx %arg9[%and3A_10, %broadcast_in_dim3A_712, %sub3A_86] : memref<8x32x128xf32, #tpu.memory_space<vmem>>[vector<16xi32>, vector<16xi32>, vector<16xi32>], vector<16xf32>,
      %gather3A_714 = tpu.vector_load_idx %arg10[%and3A_10, %broadcast_in_dim3A_712, %sub3A_87] : memref<8x32x128xf32, #tpu.memory_space<vmem>>[vector<16xi32>, vector<16xi32>, vector<16xi32>], vector<16xf32>,
      %mul3A_715 = arith.mulf %gather3A_713, %gather3A_714 : vector<16xf32>
      %add3A_716 = arith.addf %add3A_710, %mul3A_715 : vector<16xf32>
      %broadcast_in_dim3A_717 = arith.constant 28 : i32
      %broadcast_in_dim3A_718 = vector.broadcast %broadcast_in_dim3A_717 : i32 to vector<16xi32>
      %gather3A_719 = tpu.vector_load_idx %arg9[%and3A_10, %broadcast_in_dim3A_718, %sub3A_86] : memref<8x32x128xf32, #tpu.memory_space<vmem>>[vector<16xi32>, vector<16xi32>, vector<16xi32>], vector<16xf32>,
      %gather3A_720 = tpu.vector_load_idx %arg10[%and3A_10, %broadcast_in_dim3A_718, %sub3A_87] : memref<8x32x128xf32, #tpu.memory_space<vmem>>[vector<16xi32>, vector<16xi32>, vector<16xi32>], vector<16xf32>,
      %mul3A_721 = arith.mulf %gather3A_719, %gather3A_720 : vector<16xf32>
      %add3A_722 = arith.addf %add3A_716, %mul3A_721 : vector<16xf32>
      %broadcast_in_dim3A_723 = arith.constant 29 : i32
      %broadcast_in_dim3A_724 = vector.broadcast %broadcast_in_dim3A_723 : i32 to vector<16xi32>
      %gather3A_725 = tpu.vector_load_idx %arg9[%and3A_10, %broadcast_in_dim3A_724, %sub3A_86] : memref<8x32x128xf32, #tpu.memory_space<vmem>>[vector<16xi32>, vector<16xi32>, vector<16xi32>], vector<16xf32>,
      %gather3A_726 = tpu.vector_load_idx %arg10[%and3A_10, %broadcast_in_dim3A_724, %sub3A_87] : memref<8x32x128xf32, #tpu.memory_space<vmem>>[vector<16xi32>, vector<16xi32>, vector<16xi32>], vector<16xf32>,
      %mul3A_727 = arith.mulf %gather3A_725, %gather3A_726 : vector<16xf32>
      %add3A_728 = arith.addf %add3A_722, %mul3A_727 : vector<16xf32>
      %broadcast_in_dim3A_729 = arith.constant 30 : i32
      %broadcast_in_dim3A_730 = vector.broadcast %broadcast_in_dim3A_729 : i32 to vector<16xi32>
      %gather3A_731 = tpu.vector_load_idx %arg9[%and3A_10, %broadcast_in_dim3A_730, %sub3A_86] : memref<8x32x128xf32, #tpu.memory_space<vmem>>[vector<16xi32>, vector<16xi32>, vector<16xi32>], vector<16xf32>,
      %gather3A_732 = tpu.vector_load_idx %arg10[%and3A_10, %broadcast_in_dim3A_730, %sub3A_87] : memref<8x32x128xf32, #tpu.memory_space<vmem>>[vector<16xi32>, vector<16xi32>, vector<16xi32>], vector<16xf32>,
      %mul3A_733 = arith.mulf %gather3A_731, %gather3A_732 : vector<16xf32>
      %add3A_734 = arith.addf %add3A_728, %mul3A_733 : vector<16xf32>
      %broadcast_in_dim3A_735 = arith.constant 31 : i32
      %broadcast_in_dim3A_736 = vector.broadcast %broadcast_in_dim3A_735 : i32 to vector<16xi32>
      %gather3A_737 = tpu.vector_load_idx %arg9[%and3A_10, %broadcast_in_dim3A_736, %sub3A_86] : memref<8x32x128xf32, #tpu.memory_space<vmem>>[vector<16xi32>, vector<16xi32>, vector<16xi32>], vector<16xf32>,
      %gather3A_738 = tpu.vector_load_idx %arg10[%and3A_10, %broadcast_in_dim3A_736, %sub3A_87] : memref<8x32x128xf32, #tpu.memory_space<vmem>>[vector<16xi32>, vector<16xi32>, vector<16xi32>], vector<16xf32>,
      %mul3A_739 = arith.mulf %gather3A_737, %gather3A_738 : vector<16xf32>
      %add3A_740 = arith.addf %add3A_734, %mul3A_739 : vector<16xf32>
      %slice3A_741 = vector.extract_strided_slice %mul3A_51 {offsets = [8], sizes = [1], strides = [1]} : vector<16xi32> to vector<1xi32>
      %squeeze3A_742 = vector.extract %slice3A_741[0] : i32 from vector<1xi32>
      %multiple_of3A_743 = tpu.assume_multiple %squeeze3A_742, 128 : i32
      %slice3A_744 = vector.extract_strided_slice %mul3A_85 {offsets = [8], sizes = [1], strides = [1]} : vector<16xi32> to vector<1xi32>
      %squeeze3A_745 = vector.extract %slice3A_744[0] : i32 from vector<1xi32>
      %multiple_of3A_746 = tpu.assume_multiple %squeeze3A_745, 128 : i32
      %dma_start3A_747 = arith.constant 0 : i32
      %dma_start3A_748 = arith.constant 0 : i32
      %dma_start3A_749 = arith.constant 0 : i32
      %dma_start3A_750 = tpu.memref_slice %arg9[%dma_start3A_747, %dma_start3A_748, %dma_start3A_749] : memref<8x32x128xf32, #tpu.memory_space<vmem>> -> memref<1x32x128xf32, #tpu.memory_space<vmem>>
      %dma_start3A_751 = tpu.memref_squeeze %dma_start3A_750 : memref<1x32x128xf32, #tpu.memory_space<vmem>> -> memref<32x128xf32, #tpu.memory_space<vmem>>
      %dma_start3A_752 = arith.constant 0 : i32
      %dma_start3A_753 = tpu.memref_slice %arg4[%dma_start3A_752, %multiple_of3A_743] : memref<32x1000000xf32, #tpu.memory_space<hbm>> -> memref<32x128xf32, #tpu.memory_space<hbm>>
      %dma_start3A_754 = arith.constant 0 : i32
      %dma_start3A_755 = arith.constant 0 : i32
      %dma_start3A_756 = tpu.memref_slice %arg9[%dma_start3A_747, %dma_start3A_754, %dma_start3A_755] : memref<8x32x128xf32, #tpu.memory_space<vmem>> -> memref<1x32x128xf32, #tpu.memory_space<vmem>>
      %dma_start3A_757 = tpu.memref_squeeze %dma_start3A_756 : memref<1x32x128xf32, #tpu.memory_space<vmem>> -> memref<32x128xf32, #tpu.memory_space<vmem>>
      %dma_start3A_758 = arith.constant 0 : i32
      %dma_start3A_759 = tpu.memref_slice %arg4[%dma_start3A_758, %multiple_of3A_743] : memref<32x1000000xf32, #tpu.memory_space<hbm>> -> memref<32x128xf32, #tpu.memory_space<hbm>>
      tpu.enqueue_dma source(%dma_start3A_759 : memref<32x128xf32, #tpu.memory_space<hbm>>) target(%dma_start3A_757 : memref<32x128xf32, #tpu.memory_space<vmem>>) target_semaphore(%arg13 : memref<!tpu.dma_semaphore, #tpu.memory_space<semaphore_mem>>)
      %dma_start3A_760 = arith.constant 0 : i32
      %dma_start3A_761 = arith.constant 0 : i32
      %dma_start3A_762 = arith.constant 0 : i32
      %dma_start3A_763 = tpu.memref_slice %arg10[%dma_start3A_760, %dma_start3A_761, %dma_start3A_762] : memref<8x32x128xf32, #tpu.memory_space<vmem>> -> memref<1x32x128xf32, #tpu.memory_space<vmem>>
      %dma_start3A_764 = tpu.memref_squeeze %dma_start3A_763 : memref<1x32x128xf32, #tpu.memory_space<vmem>> -> memref<32x128xf32, #tpu.memory_space<vmem>>
      %dma_start3A_765 = arith.constant 0 : i32
      %dma_start3A_766 = tpu.memref_slice %arg5[%dma_start3A_765, %multiple_of3A_746] : memref<32x1000000xf32, #tpu.memory_space<hbm>> -> memref<32x128xf32, #tpu.memory_space<hbm>>
      %dma_start3A_767 = arith.constant 0 : i32
      %dma_start3A_768 = arith.constant 0 : i32
      %dma_start3A_769 = tpu.memref_slice %arg10[%dma_start3A_760, %dma_start3A_767, %dma_start3A_768] : memref<8x32x128xf32, #tpu.memory_space<vmem>> -> memref<1x32x128xf32, #tpu.memory_space<vmem>>
      %dma_start3A_770 = tpu.memref_squeeze %dma_start3A_769 : memref<1x32x128xf32, #tpu.memory_space<vmem>> -> memref<32x128xf32, #tpu.memory_space<vmem>>
      %dma_start3A_771 = arith.constant 0 : i32
      %dma_start3A_772 = tpu.memref_slice %arg5[%dma_start3A_771, %multiple_of3A_746] : memref<32x1000000xf32, #tpu.memory_space<hbm>> -> memref<32x128xf32, #tpu.memory_space<hbm>>
      tpu.enqueue_dma source(%dma_start3A_772 : memref<32x128xf32, #tpu.memory_space<hbm>>) target(%dma_start3A_770 : memref<32x128xf32, #tpu.memory_space<vmem>>) target_semaphore(%arg13 : memref<!tpu.dma_semaphore, #tpu.memory_space<semaphore_mem>>)
      %slice3A_773 = vector.extract_strided_slice %mul3A_51 {offsets = [9], sizes = [1], strides = [1]} : vector<16xi32> to vector<1xi32>
      %squeeze3A_774 = vector.extract %slice3A_773[0] : i32 from vector<1xi32>
      %multiple_of3A_775 = tpu.assume_multiple %squeeze3A_774, 128 : i32
      %slice3A_776 = vector.extract_strided_slice %mul3A_85 {offsets = [9], sizes = [1], strides = [1]} : vector<16xi32> to vector<1xi32>
      %squeeze3A_777 = vector.extract %slice3A_776[0] : i32 from vector<1xi32>
      %multiple_of3A_778 = tpu.assume_multiple %squeeze3A_777, 128 : i32
      %dma_start3A_779 = arith.constant 1 : i32
      %dma_start3A_780 = arith.constant 0 : i32
      %dma_start3A_781 = arith.constant 0 : i32
      %dma_start3A_782 = tpu.memref_slice %arg9[%dma_start3A_779, %dma_start3A_780, %dma_start3A_781] : memref<8x32x128xf32, #tpu.memory_space<vmem>> -> memref<1x32x128xf32, #tpu.memory_space<vmem>>
      %dma_start3A_783 = tpu.memref_squeeze %dma_start3A_782 : memref<1x32x128xf32, #tpu.memory_space<vmem>> -> memref<32x128xf32, #tpu.memory_space<vmem>>
      %dma_start3A_784 = arith.constant 0 : i32
      %dma_start3A_785 = tpu.memref_slice %arg4[%dma_start3A_784, %multiple_of3A_775] : memref<32x1000000xf32, #tpu.memory_space<hbm>> -> memref<32x128xf32, #tpu.memory_space<hbm>>
      %dma_start3A_786 = arith.constant 0 : i32
      %dma_start3A_787 = arith.constant 0 : i32
      %dma_start3A_788 = tpu.memref_slice %arg9[%dma_start3A_779, %dma_start3A_786, %dma_start3A_787] : memref<8x32x128xf32, #tpu.memory_space<vmem>> -> memref<1x32x128xf32, #tpu.memory_space<vmem>>
      %dma_start3A_789 = tpu.memref_squeeze %dma_start3A_788 : memref<1x32x128xf32, #tpu.memory_space<vmem>> -> memref<32x128xf32, #tpu.memory_space<vmem>>
      %dma_start3A_790 = arith.constant 0 : i32
      %dma_start3A_791 = tpu.memref_slice %arg4[%dma_start3A_790, %multiple_of3A_775] : memref<32x1000000xf32, #tpu.memory_space<hbm>> -> memref<32x128xf32, #tpu.memory_space<hbm>>
      tpu.enqueue_dma source(%dma_start3A_791 : memref<32x128xf32, #tpu.memory_space<hbm>>) target(%dma_start3A_789 : memref<32x128xf32, #tpu.memory_space<vmem>>) target_semaphore(%arg13 : memref<!tpu.dma_semaphore, #tpu.memory_space<semaphore_mem>>)
      %dma_start3A_792 = arith.constant 1 : i32
      %dma_start3A_793 = arith.constant 0 : i32
      %dma_start3A_794 = arith.constant 0 : i32
      %dma_start3A_795 = tpu.memref_slice %arg10[%dma_start3A_792, %dma_start3A_793, %dma_start3A_794] : memref<8x32x128xf32, #tpu.memory_space<vmem>> -> memref<1x32x128xf32, #tpu.memory_space<vmem>>
      %dma_start3A_796 = tpu.memref_squeeze %dma_start3A_795 : memref<1x32x128xf32, #tpu.memory_space<vmem>> -> memref<32x128xf32, #tpu.memory_space<vmem>>
      %dma_start3A_797 = arith.constant 0 : i32
      %dma_start3A_798 = tpu.memref_slice %arg5[%dma_start3A_797, %multiple_of3A_778] : memref<32x1000000xf32, #tpu.memory_space<hbm>> -> memref<32x128xf32, #tpu.memory_space<hbm>>
      %dma_start3A_799 = arith.constant 0 : i32
      %dma_start3A_800 = arith.constant 0 : i32
      %dma_start3A_801 = tpu.memref_slice %arg10[%dma_start3A_792, %dma_start3A_799, %dma_start3A_800] : memref<8x32x128xf32, #tpu.memory_space<vmem>> -> memref<1x32x128xf32, #tpu.memory_space<vmem>>
      %dma_start3A_802 = tpu.memref_squeeze %dma_start3A_801 : memref<1x32x128xf32, #tpu.memory_space<vmem>> -> memref<32x128xf32, #tpu.memory_space<vmem>>
      %dma_start3A_803 = arith.constant 0 : i32
      %dma_start3A_804 = tpu.memref_slice %arg5[%dma_start3A_803, %multiple_of3A_778] : memref<32x1000000xf32, #tpu.memory_space<hbm>> -> memref<32x128xf32, #tpu.memory_space<hbm>>
      tpu.enqueue_dma source(%dma_start3A_804 : memref<32x128xf32, #tpu.memory_space<hbm>>) target(%dma_start3A_802 : memref<32x128xf32, #tpu.memory_space<vmem>>) target_semaphore(%arg13 : memref<!tpu.dma_semaphore, #tpu.memory_space<semaphore_mem>>)
      %slice3A_805 = vector.extract_strided_slice %mul3A_51 {offsets = [10], sizes = [1], strides = [1]} : vector<16xi32> to vector<1xi32>
      %squeeze3A_806 = vector.extract %slice3A_805[0] : i32 from vector<1xi32>
      %multiple_of3A_807 = tpu.assume_multiple %squeeze3A_806, 128 : i32
      %slice3A_808 = vector.extract_strided_slice %mul3A_85 {offsets = [10], sizes = [1], strides = [1]} : vector<16xi32> to vector<1xi32>
      %squeeze3A_809 = vector.extract %slice3A_808[0] : i32 from vector<1xi32>
      %multiple_of3A_810 = tpu.assume_multiple %squeeze3A_809, 128 : i32
      %dma_start3A_811 = arith.constant 2 : i32
      %dma_start3A_812 = arith.constant 0 : i32
      %dma_start3A_813 = arith.constant 0 : i32
      %dma_start3A_814 = tpu.memref_slice %arg9[%dma_start3A_811, %dma_start3A_812, %dma_start3A_813] : memref<8x32x128xf32, #tpu.memory_space<vmem>> -> memref<1x32x128xf32, #tpu.memory_space<vmem>>
      %dma_start3A_815 = tpu.memref_squeeze %dma_start3A_814 : memref<1x32x128xf32, #tpu.memory_space<vmem>> -> memref<32x128xf32, #tpu.memory_space<vmem>>
      %dma_start3A_816 = arith.constant 0 : i32
      %dma_start3A_817 = tpu.memref_slice %arg4[%dma_start3A_816, %multiple_of3A_807] : memref<32x1000000xf32, #tpu.memory_space<hbm>> -> memref<32x128xf32, #tpu.memory_space<hbm>>
      %dma_start3A_818 = arith.constant 0 : i32
      %dma_start3A_819 = arith.constant 0 : i32
      %dma_start3A_820 = tpu.memref_slice %arg9[%dma_start3A_811, %dma_start3A_818, %dma_start3A_819] : memref<8x32x128xf32, #tpu.memory_space<vmem>> -> memref<1x32x128xf32, #tpu.memory_space<vmem>>
      %dma_start3A_821 = tpu.memref_squeeze %dma_start3A_820 : memref<1x32x128xf32, #tpu.memory_space<vmem>> -> memref<32x128xf32, #tpu.memory_space<vmem>>
      %dma_start3A_822 = arith.constant 0 : i32
      %dma_start3A_823 = tpu.memref_slice %arg4[%dma_start3A_822, %multiple_of3A_807] : memref<32x1000000xf32, #tpu.memory_space<hbm>> -> memref<32x128xf32, #tpu.memory_space<hbm>>
      tpu.enqueue_dma source(%dma_start3A_823 : memref<32x128xf32, #tpu.memory_space<hbm>>) target(%dma_start3A_821 : memref<32x128xf32, #tpu.memory_space<vmem>>) target_semaphore(%arg13 : memref<!tpu.dma_semaphore, #tpu.memory_space<semaphore_mem>>)
      %dma_start3A_824 = arith.constant 2 : i32
      %dma_start3A_825 = arith.constant 0 : i32
      %dma_start3A_826 = arith.constant 0 : i32
      %dma_start3A_827 = tpu.memref_slice %arg10[%dma_start3A_824, %dma_start3A_825, %dma_start3A_826] : memref<8x32x128xf32, #tpu.memory_space<vmem>> -> memref<1x32x128xf32, #tpu.memory_space<vmem>>
      %dma_start3A_828 = tpu.memref_squeeze %dma_start3A_827 : memref<1x32x128xf32, #tpu.memory_space<vmem>> -> memref<32x128xf32, #tpu.memory_space<vmem>>
      %dma_start3A_829 = arith.constant 0 : i32
      %dma_start3A_830 = tpu.memref_slice %arg5[%dma_start3A_829, %multiple_of3A_810] : memref<32x1000000xf32, #tpu.memory_space<hbm>> -> memref<32x128xf32, #tpu.memory_space<hbm>>
      %dma_start3A_831 = arith.constant 0 : i32
      %dma_start3A_832 = arith.constant 0 : i32
      %dma_start3A_833 = tpu.memref_slice %arg10[%dma_start3A_824, %dma_start3A_831, %dma_start3A_832] : memref<8x32x128xf32, #tpu.memory_space<vmem>> -> memref<1x32x128xf32, #tpu.memory_space<vmem>>
      %dma_start3A_834 = tpu.memref_squeeze %dma_start3A_833 : memref<1x32x128xf32, #tpu.memory_space<vmem>> -> memref<32x128xf32, #tpu.memory_space<vmem>>
      %dma_start3A_835 = arith.constant 0 : i32
      %dma_start3A_836 = tpu.memref_slice %arg5[%dma_start3A_835, %multiple_of3A_810] : memref<32x1000000xf32, #tpu.memory_space<hbm>> -> memref<32x128xf32, #tpu.memory_space<hbm>>
      tpu.enqueue_dma source(%dma_start3A_836 : memref<32x128xf32, #tpu.memory_space<hbm>>) target(%dma_start3A_834 : memref<32x128xf32, #tpu.memory_space<vmem>>) target_semaphore(%arg13 : memref<!tpu.dma_semaphore, #tpu.memory_space<semaphore_mem>>)
      %slice3A_837 = vector.extract_strided_slice %mul3A_51 {offsets = [11], sizes = [1], strides = [1]} : vector<16xi32> to vector<1xi32>
      %squeeze3A_838 = vector.extract %slice3A_837[0] : i32 from vector<1xi32>
      %multiple_of3A_839 = tpu.assume_multiple %squeeze3A_838, 128 : i32
      %slice3A_840 = vector.extract_strided_slice %mul3A_85 {offsets = [11], sizes = [1], strides = [1]} : vector<16xi32> to vector<1xi32>
      %squeeze3A_841 = vector.extract %slice3A_840[0] : i32 from vector<1xi32>
      %multiple_of3A_842 = tpu.assume_multiple %squeeze3A_841, 128 : i32
      %dma_start3A_843 = arith.constant 3 : i32
      %dma_start3A_844 = arith.constant 0 : i32
      %dma_start3A_845 = arith.constant 0 : i32
      %dma_start3A_846 = tpu.memref_slice %arg9[%dma_start3A_843, %dma_start3A_844, %dma_start3A_845] : memref<8x32x128xf32, #tpu.memory_space<vmem>> -> memref<1x32x128xf32, #tpu.memory_space<vmem>>
      %dma_start3A_847 = tpu.memref_squeeze %dma_start3A_846 : memref<1x32x128xf32, #tpu.memory_space<vmem>> -> memref<32x128xf32, #tpu.memory_space<vmem>>
      %dma_start3A_848 = arith.constant 0 : i32
      %dma_start3A_849 = tpu.memref_slice %arg4[%dma_start3A_848, %multiple_of3A_839] : memref<32x1000000xf32, #tpu.memory_space<hbm>> -> memref<32x128xf32, #tpu.memory_space<hbm>>
      %dma_start3A_850 = arith.constant 0 : i32
      %dma_start3A_851 = arith.constant 0 : i32
      %dma_start3A_852 = tpu.memref_slice %arg9[%dma_start3A_843, %dma_start3A_850, %dma_start3A_851] : memref<8x32x128xf32, #tpu.memory_space<vmem>> -> memref<1x32x128xf32, #tpu.memory_space<vmem>>
      %dma_start3A_853 = tpu.memref_squeeze %dma_start3A_852 : memref<1x32x128xf32, #tpu.memory_space<vmem>> -> memref<32x128xf32, #tpu.memory_space<vmem>>
      %dma_start3A_854 = arith.constant 0 : i32
      %dma_start3A_855 = tpu.memref_slice %arg4[%dma_start3A_854, %multiple_of3A_839] : memref<32x1000000xf32, #tpu.memory_space<hbm>> -> memref<32x128xf32, #tpu.memory_space<hbm>>
      tpu.enqueue_dma source(%dma_start3A_855 : memref<32x128xf32, #tpu.memory_space<hbm>>) target(%dma_start3A_853 : memref<32x128xf32, #tpu.memory_space<vmem>>) target_semaphore(%arg13 : memref<!tpu.dma_semaphore, #tpu.memory_space<semaphore_mem>>)
      %dma_start3A_856 = arith.constant 3 : i32
      %dma_start3A_857 = arith.constant 0 : i32
      %dma_start3A_858 = arith.constant 0 : i32
      %dma_start3A_859 = tpu.memref_slice %arg10[%dma_start3A_856, %dma_start3A_857, %dma_start3A_858] : memref<8x32x128xf32, #tpu.memory_space<vmem>> -> memref<1x32x128xf32, #tpu.memory_space<vmem>>
      %dma_start3A_860 = tpu.memref_squeeze %dma_start3A_859 : memref<1x32x128xf32, #tpu.memory_space<vmem>> -> memref<32x128xf32, #tpu.memory_space<vmem>>
      %dma_start3A_861 = arith.constant 0 : i32
      %dma_start3A_862 = tpu.memref_slice %arg5[%dma_start3A_861, %multiple_of3A_842] : memref<32x1000000xf32, #tpu.memory_space<hbm>> -> memref<32x128xf32, #tpu.memory_space<hbm>>
      %dma_start3A_863 = arith.constant 0 : i32
      %dma_start3A_864 = arith.constant 0 : i32
      %dma_start3A_865 = tpu.memref_slice %arg10[%dma_start3A_856, %dma_start3A_863, %dma_start3A_864] : memref<8x32x128xf32, #tpu.memory_space<vmem>> -> memref<1x32x128xf32, #tpu.memory_space<vmem>>
      %dma_start3A_866 = tpu.memref_squeeze %dma_start3A_865 : memref<1x32x128xf32, #tpu.memory_space<vmem>> -> memref<32x128xf32, #tpu.memory_space<vmem>>
      %dma_start3A_867 = arith.constant 0 : i32
      %dma_start3A_868 = tpu.memref_slice %arg5[%dma_start3A_867, %multiple_of3A_842] : memref<32x1000000xf32, #tpu.memory_space<hbm>> -> memref<32x128xf32, #tpu.memory_space<hbm>>
      tpu.enqueue_dma source(%dma_start3A_868 : memref<32x128xf32, #tpu.memory_space<hbm>>) target(%dma_start3A_866 : memref<32x128xf32, #tpu.memory_space<vmem>>) target_semaphore(%arg13 : memref<!tpu.dma_semaphore, #tpu.memory_space<semaphore_mem>>)
      %slice3A_869 = vector.extract_strided_slice %mul3A_51 {offsets = [12], sizes = [1], strides = [1]} : vector<16xi32> to vector<1xi32>
      %squeeze3A_870 = vector.extract %slice3A_869[0] : i32 from vector<1xi32>
      %multiple_of3A_871 = tpu.assume_multiple %squeeze3A_870, 128 : i32
      %slice3A_872 = vector.extract_strided_slice %mul3A_85 {offsets = [12], sizes = [1], strides = [1]} : vector<16xi32> to vector<1xi32>
      %squeeze3A_873 = vector.extract %slice3A_872[0] : i32 from vector<1xi32>
      %multiple_of3A_874 = tpu.assume_multiple %squeeze3A_873, 128 : i32
      %dma_start3A_875 = arith.constant 4 : i32
      %dma_start3A_876 = arith.constant 0 : i32
      %dma_start3A_877 = arith.constant 0 : i32
      %dma_start3A_878 = tpu.memref_slice %arg9[%dma_start3A_875, %dma_start3A_876, %dma_start3A_877] : memref<8x32x128xf32, #tpu.memory_space<vmem>> -> memref<1x32x128xf32, #tpu.memory_space<vmem>>
      %dma_start3A_879 = tpu.memref_squeeze %dma_start3A_878 : memref<1x32x128xf32, #tpu.memory_space<vmem>> -> memref<32x128xf32, #tpu.memory_space<vmem>>
      %dma_start3A_880 = arith.constant 0 : i32
      %dma_start3A_881 = tpu.memref_slice %arg4[%dma_start3A_880, %multiple_of3A_871] : memref<32x1000000xf32, #tpu.memory_space<hbm>> -> memref<32x128xf32, #tpu.memory_space<hbm>>
      %dma_start3A_882 = arith.constant 0 : i32
      %dma_start3A_883 = arith.constant 0 : i32
      %dma_start3A_884 = tpu.memref_slice %arg9[%dma_start3A_875, %dma_start3A_882, %dma_start3A_883] : memref<8x32x128xf32, #tpu.memory_space<vmem>> -> memref<1x32x128xf32, #tpu.memory_space<vmem>>
      %dma_start3A_885 = tpu.memref_squeeze %dma_start3A_884 : memref<1x32x128xf32, #tpu.memory_space<vmem>> -> memref<32x128xf32, #tpu.memory_space<vmem>>
      %dma_start3A_886 = arith.constant 0 : i32
      %dma_start3A_887 = tpu.memref_slice %arg4[%dma_start3A_886, %multiple_of3A_871] : memref<32x1000000xf32, #tpu.memory_space<hbm>> -> memref<32x128xf32, #tpu.memory_space<hbm>>
      tpu.enqueue_dma source(%dma_start3A_887 : memref<32x128xf32, #tpu.memory_space<hbm>>) target(%dma_start3A_885 : memref<32x128xf32, #tpu.memory_space<vmem>>) target_semaphore(%arg13 : memref<!tpu.dma_semaphore, #tpu.memory_space<semaphore_mem>>)
      %dma_start3A_888 = arith.constant 4 : i32
      %dma_start3A_889 = arith.constant 0 : i32
      %dma_start3A_890 = arith.constant 0 : i32
      %dma_start3A_891 = tpu.memref_slice %arg10[%dma_start3A_888, %dma_start3A_889, %dma_start3A_890] : memref<8x32x128xf32, #tpu.memory_space<vmem>> -> memref<1x32x128xf32, #tpu.memory_space<vmem>>
      %dma_start3A_892 = tpu.memref_squeeze %dma_start3A_891 : memref<1x32x128xf32, #tpu.memory_space<vmem>> -> memref<32x128xf32, #tpu.memory_space<vmem>>
      %dma_start3A_893 = arith.constant 0 : i32
      %dma_start3A_894 = tpu.memref_slice %arg5[%dma_start3A_893, %multiple_of3A_874] : memref<32x1000000xf32, #tpu.memory_space<hbm>> -> memref<32x128xf32, #tpu.memory_space<hbm>>
      %dma_start3A_895 = arith.constant 0 : i32
      %dma_start3A_896 = arith.constant 0 : i32
      %dma_start3A_897 = tpu.memref_slice %arg10[%dma_start3A_888, %dma_start3A_895, %dma_start3A_896] : memref<8x32x128xf32, #tpu.memory_space<vmem>> -> memref<1x32x128xf32, #tpu.memory_space<vmem>>
      %dma_start3A_898 = tpu.memref_squeeze %dma_start3A_897 : memref<1x32x128xf32, #tpu.memory_space<vmem>> -> memref<32x128xf32, #tpu.memory_space<vmem>>
      %dma_start3A_899 = arith.constant 0 : i32
      %dma_start3A_900 = tpu.memref_slice %arg5[%dma_start3A_899, %multiple_of3A_874] : memref<32x1000000xf32, #tpu.memory_space<hbm>> -> memref<32x128xf32, #tpu.memory_space<hbm>>
      tpu.enqueue_dma source(%dma_start3A_900 : memref<32x128xf32, #tpu.memory_space<hbm>>) target(%dma_start3A_898 : memref<32x128xf32, #tpu.memory_space<vmem>>) target_semaphore(%arg13 : memref<!tpu.dma_semaphore, #tpu.memory_space<semaphore_mem>>)
      %slice3A_901 = vector.extract_strided_slice %mul3A_51 {offsets = [13], sizes = [1], strides = [1]} : vector<16xi32> to vector<1xi32>
      %squeeze3A_902 = vector.extract %slice3A_901[0] : i32 from vector<1xi32>
      %multiple_of3A_903 = tpu.assume_multiple %squeeze3A_902, 128 : i32
      %slice3A_904 = vector.extract_strided_slice %mul3A_85 {offsets = [13], sizes = [1], strides = [1]} : vector<16xi32> to vector<1xi32>
      %squeeze3A_905 = vector.extract %slice3A_904[0] : i32 from vector<1xi32>
      %multiple_of3A_906 = tpu.assume_multiple %squeeze3A_905, 128 : i32
      %dma_start3A_907 = arith.constant 5 : i32
      %dma_start3A_908 = arith.constant 0 : i32
      %dma_start3A_909 = arith.constant 0 : i32
      %dma_start3A_910 = tpu.memref_slice %arg9[%dma_start3A_907, %dma_start3A_908, %dma_start3A_909] : memref<8x32x128xf32, #tpu.memory_space<vmem>> -> memref<1x32x128xf32, #tpu.memory_space<vmem>>
      %dma_start3A_911 = tpu.memref_squeeze %dma_start3A_910 : memref<1x32x128xf32, #tpu.memory_space<vmem>> -> memref<32x128xf32, #tpu.memory_space<vmem>>
      %dma_start3A_912 = arith.constant 0 : i32
      %dma_start3A_913 = tpu.memref_slice %arg4[%dma_start3A_912, %multiple_of3A_903] : memref<32x1000000xf32, #tpu.memory_space<hbm>> -> memref<32x128xf32, #tpu.memory_space<hbm>>
      %dma_start3A_914 = arith.constant 0 : i32
      %dma_start3A_915 = arith.constant 0 : i32
      %dma_start3A_916 = tpu.memref_slice %arg9[%dma_start3A_907, %dma_start3A_914, %dma_start3A_915] : memref<8x32x128xf32, #tpu.memory_space<vmem>> -> memref<1x32x128xf32, #tpu.memory_space<vmem>>
      %dma_start3A_917 = tpu.memref_squeeze %dma_start3A_916 : memref<1x32x128xf32, #tpu.memory_space<vmem>> -> memref<32x128xf32, #tpu.memory_space<vmem>>
      %dma_start3A_918 = arith.constant 0 : i32
      %dma_start3A_919 = tpu.memref_slice %arg4[%dma_start3A_918, %multiple_of3A_903] : memref<32x1000000xf32, #tpu.memory_space<hbm>> -> memref<32x128xf32, #tpu.memory_space<hbm>>
      tpu.enqueue_dma source(%dma_start3A_919 : memref<32x128xf32, #tpu.memory_space<hbm>>) target(%dma_start3A_917 : memref<32x128xf32, #tpu.memory_space<vmem>>) target_semaphore(%arg13 : memref<!tpu.dma_semaphore, #tpu.memory_space<semaphore_mem>>)
      %dma_start3A_920 = arith.constant 5 : i32
      %dma_start3A_921 = arith.constant 0 : i32
      %dma_start3A_922 = arith.constant 0 : i32
      %dma_start3A_923 = tpu.memref_slice %arg10[%dma_start3A_920, %dma_start3A_921, %dma_start3A_922] : memref<8x32x128xf32, #tpu.memory_space<vmem>> -> memref<1x32x128xf32, #tpu.memory_space<vmem>>
      %dma_start3A_924 = tpu.memref_squeeze %dma_start3A_923 : memref<1x32x128xf32, #tpu.memory_space<vmem>> -> memref<32x128xf32, #tpu.memory_space<vmem>>
      %dma_start3A_925 = arith.constant 0 : i32
      %dma_start3A_926 = tpu.memref_slice %arg5[%dma_start3A_925, %multiple_of3A_906] : memref<32x1000000xf32, #tpu.memory_space<hbm>> -> memref<32x128xf32, #tpu.memory_space<hbm>>
      %dma_start3A_927 = arith.constant 0 : i32
      %dma_start3A_928 = arith.constant 0 : i32
      %dma_start3A_929 = tpu.memref_slice %arg10[%dma_start3A_920, %dma_start3A_927, %dma_start3A_928] : memref<8x32x128xf32, #tpu.memory_space<vmem>> -> memref<1x32x128xf32, #tpu.memory_space<vmem>>
      %dma_start3A_930 = tpu.memref_squeeze %dma_start3A_929 : memref<1x32x128xf32, #tpu.memory_space<vmem>> -> memref<32x128xf32, #tpu.memory_space<vmem>>
      %dma_start3A_931 = arith.constant 0 : i32
      %dma_start3A_932 = tpu.memref_slice %arg5[%dma_start3A_931, %multiple_of3A_906] : memref<32x1000000xf32, #tpu.memory_space<hbm>> -> memref<32x128xf32, #tpu.memory_space<hbm>>
      tpu.enqueue_dma source(%dma_start3A_932 : memref<32x128xf32, #tpu.memory_space<hbm>>) target(%dma_start3A_930 : memref<32x128xf32, #tpu.memory_space<vmem>>) target_semaphore(%arg13 : memref<!tpu.dma_semaphore, #tpu.memory_space<semaphore_mem>>)
      %slice3A_933 = vector.extract_strided_slice %mul3A_51 {offsets = [14], sizes = [1], strides = [1]} : vector<16xi32> to vector<1xi32>
      %squeeze3A_934 = vector.extract %slice3A_933[0] : i32 from vector<1xi32>
      %multiple_of3A_935 = tpu.assume_multiple %squeeze3A_934, 128 : i32
      %slice3A_936 = vector.extract_strided_slice %mul3A_85 {offsets = [14], sizes = [1], strides = [1]} : vector<16xi32> to vector<1xi32>
      %squeeze3A_937 = vector.extract %slice3A_936[0] : i32 from vector<1xi32>
      %multiple_of3A_938 = tpu.assume_multiple %squeeze3A_937, 128 : i32
      %dma_start3A_939 = arith.constant 6 : i32
      %dma_start3A_940 = arith.constant 0 : i32
      %dma_start3A_941 = arith.constant 0 : i32
      %dma_start3A_942 = tpu.memref_slice %arg9[%dma_start3A_939, %dma_start3A_940, %dma_start3A_941] : memref<8x32x128xf32, #tpu.memory_space<vmem>> -> memref<1x32x128xf32, #tpu.memory_space<vmem>>
      %dma_start3A_943 = tpu.memref_squeeze %dma_start3A_942 : memref<1x32x128xf32, #tpu.memory_space<vmem>> -> memref<32x128xf32, #tpu.memory_space<vmem>>
      %dma_start3A_944 = arith.constant 0 : i32
      %dma_start3A_945 = tpu.memref_slice %arg4[%dma_start3A_944, %multiple_of3A_935] : memref<32x1000000xf32, #tpu.memory_space<hbm>> -> memref<32x128xf32, #tpu.memory_space<hbm>>
      %dma_start3A_946 = arith.constant 0 : i32
      %dma_start3A_947 = arith.constant 0 : i32
      %dma_start3A_948 = tpu.memref_slice %arg9[%dma_start3A_939, %dma_start3A_946, %dma_start3A_947] : memref<8x32x128xf32, #tpu.memory_space<vmem>> -> memref<1x32x128xf32, #tpu.memory_space<vmem>>
      %dma_start3A_949 = tpu.memref_squeeze %dma_start3A_948 : memref<1x32x128xf32, #tpu.memory_space<vmem>> -> memref<32x128xf32, #tpu.memory_space<vmem>>
      %dma_start3A_950 = arith.constant 0 : i32
      %dma_start3A_951 = tpu.memref_slice %arg4[%dma_start3A_950, %multiple_of3A_935] : memref<32x1000000xf32, #tpu.memory_space<hbm>> -> memref<32x128xf32, #tpu.memory_space<hbm>>
      tpu.enqueue_dma source(%dma_start3A_951 : memref<32x128xf32, #tpu.memory_space<hbm>>) target(%dma_start3A_949 : memref<32x128xf32, #tpu.memory_space<vmem>>) target_semaphore(%arg13 : memref<!tpu.dma_semaphore, #tpu.memory_space<semaphore_mem>>)
      %dma_start3A_952 = arith.constant 6 : i32
      %dma_start3A_953 = arith.constant 0 : i32
      %dma_start3A_954 = arith.constant 0 : i32
      %dma_start3A_955 = tpu.memref_slice %arg10[%dma_start3A_952, %dma_start3A_953, %dma_start3A_954] : memref<8x32x128xf32, #tpu.memory_space<vmem>> -> memref<1x32x128xf32, #tpu.memory_space<vmem>>
      %dma_start3A_956 = tpu.memref_squeeze %dma_start3A_955 : memref<1x32x128xf32, #tpu.memory_space<vmem>> -> memref<32x128xf32, #tpu.memory_space<vmem>>
      %dma_start3A_957 = arith.constant 0 : i32
      %dma_start3A_958 = tpu.memref_slice %arg5[%dma_start3A_957, %multiple_of3A_938] : memref<32x1000000xf32, #tpu.memory_space<hbm>> -> memref<32x128xf32, #tpu.memory_space<hbm>>
      %dma_start3A_959 = arith.constant 0 : i32
      %dma_start3A_960 = arith.constant 0 : i32
      %dma_start3A_961 = tpu.memref_slice %arg10[%dma_start3A_952, %dma_start3A_959, %dma_start3A_960] : memref<8x32x128xf32, #tpu.memory_space<vmem>> -> memref<1x32x128xf32, #tpu.memory_space<vmem>>
      %dma_start3A_962 = tpu.memref_squeeze %dma_start3A_961 : memref<1x32x128xf32, #tpu.memory_space<vmem>> -> memref<32x128xf32, #tpu.memory_space<vmem>>
      %dma_start3A_963 = arith.constant 0 : i32
      %dma_start3A_964 = tpu.memref_slice %arg5[%dma_start3A_963, %multiple_of3A_938] : memref<32x1000000xf32, #tpu.memory_space<hbm>> -> memref<32x128xf32, #tpu.memory_space<hbm>>
      tpu.enqueue_dma source(%dma_start3A_964 : memref<32x128xf32, #tpu.memory_space<hbm>>) target(%dma_start3A_962 : memref<32x128xf32, #tpu.memory_space<vmem>>) target_semaphore(%arg13 : memref<!tpu.dma_semaphore, #tpu.memory_space<semaphore_mem>>)
      %slice3A_965 = vector.extract_strided_slice %mul3A_51 {offsets = [15], sizes = [1], strides = [1]} : vector<16xi32> to vector<1xi32>
      %squeeze3A_966 = vector.extract %slice3A_965[0] : i32 from vector<1xi32>
      %multiple_of3A_967 = tpu.assume_multiple %squeeze3A_966, 128 : i32
      %slice3A_968 = vector.extract_strided_slice %mul3A_85 {offsets = [15], sizes = [1], strides = [1]} : vector<16xi32> to vector<1xi32>
      %squeeze3A_969 = vector.extract %slice3A_968[0] : i32 from vector<1xi32>
      %multiple_of3A_970 = tpu.assume_multiple %squeeze3A_969, 128 : i32
      %dma_start3A_971 = arith.constant 7 : i32
      %dma_start3A_972 = arith.constant 0 : i32
      %dma_start3A_973 = arith.constant 0 : i32
      %dma_start3A_974 = tpu.memref_slice %arg9[%dma_start3A_971, %dma_start3A_972, %dma_start3A_973] : memref<8x32x128xf32, #tpu.memory_space<vmem>> -> memref<1x32x128xf32, #tpu.memory_space<vmem>>
      %dma_start3A_975 = tpu.memref_squeeze %dma_start3A_974 : memref<1x32x128xf32, #tpu.memory_space<vmem>> -> memref<32x128xf32, #tpu.memory_space<vmem>>
      %dma_start3A_976 = arith.constant 0 : i32
      %dma_start3A_977 = tpu.memref_slice %arg4[%dma_start3A_976, %multiple_of3A_967] : memref<32x1000000xf32, #tpu.memory_space<hbm>> -> memref<32x128xf32, #tpu.memory_space<hbm>>
      %dma_start3A_978 = arith.constant 0 : i32
      %dma_start3A_979 = arith.constant 0 : i32
      %dma_start3A_980 = tpu.memref_slice %arg9[%dma_start3A_971, %dma_start3A_978, %dma_start3A_979] : memref<8x32x128xf32, #tpu.memory_space<vmem>> -> memref<1x32x128xf32, #tpu.memory_space<vmem>>
      %dma_start3A_981 = tpu.memref_squeeze %dma_start3A_980 : memref<1x32x128xf32, #tpu.memory_space<vmem>> -> memref<32x128xf32, #tpu.memory_space<vmem>>
      %dma_start3A_982 = arith.constant 0 : i32
      %dma_start3A_983 = tpu.memref_slice %arg4[%dma_start3A_982, %multiple_of3A_967] : memref<32x1000000xf32, #tpu.memory_space<hbm>> -> memref<32x128xf32, #tpu.memory_space<hbm>>
      tpu.enqueue_dma source(%dma_start3A_983 : memref<32x128xf32, #tpu.memory_space<hbm>>) target(%dma_start3A_981 : memref<32x128xf32, #tpu.memory_space<vmem>>) target_semaphore(%arg13 : memref<!tpu.dma_semaphore, #tpu.memory_space<semaphore_mem>>)
      %dma_start3A_984 = arith.constant 7 : i32
      %dma_start3A_985 = arith.constant 0 : i32
      %dma_start3A_986 = arith.constant 0 : i32
      %dma_start3A_987 = tpu.memref_slice %arg10[%dma_start3A_984, %dma_start3A_985, %dma_start3A_986] : memref<8x32x128xf32, #tpu.memory_space<vmem>> -> memref<1x32x128xf32, #tpu.memory_space<vmem>>
      %dma_start3A_988 = tpu.memref_squeeze %dma_start3A_987 : memref<1x32x128xf32, #tpu.memory_space<vmem>> -> memref<32x128xf32, #tpu.memory_space<vmem>>
      %dma_start3A_989 = arith.constant 0 : i32
      %dma_start3A_990 = tpu.memref_slice %arg5[%dma_start3A_989, %multiple_of3A_970] : memref<32x1000000xf32, #tpu.memory_space<hbm>> -> memref<32x128xf32, #tpu.memory_space<hbm>>
      %dma_start3A_991 = arith.constant 0 : i32
      %dma_start3A_992 = arith.constant 0 : i32
      %dma_start3A_993 = tpu.memref_slice %arg10[%dma_start3A_984, %dma_start3A_991, %dma_start3A_992] : memref<8x32x128xf32, #tpu.memory_space<vmem>> -> memref<1x32x128xf32, #tpu.memory_space<vmem>>
      %dma_start3A_994 = tpu.memref_squeeze %dma_start3A_993 : memref<1x32x128xf32, #tpu.memory_space<vmem>> -> memref<32x128xf32, #tpu.memory_space<vmem>>
      %dma_start3A_995 = arith.constant 0 : i32
      %dma_start3A_996 = tpu.memref_slice %arg5[%dma_start3A_995, %multiple_of3A_970] : memref<32x1000000xf32, #tpu.memory_space<hbm>> -> memref<32x128xf32, #tpu.memory_space<hbm>>
      tpu.enqueue_dma source(%dma_start3A_996 : memref<32x128xf32, #tpu.memory_space<hbm>>) target(%dma_start3A_994 : memref<32x128xf32, #tpu.memory_space<vmem>>) target_semaphore(%arg13 : memref<!tpu.dma_semaphore, #tpu.memory_space<semaphore_mem>>)
      %dma_wait3A_997 = arith.constant 0 : i32
      %dma_wait3A_998 = arith.constant 0 : i32
      %dma_wait3A_999 = arith.constant 0 : i32
      %dma_wait3A_1000 = tpu.memref_slice %arg9[%dma_wait3A_997, %dma_wait3A_998, %dma_wait3A_999] : memref<8x32x128xf32, #tpu.memory_space<vmem>> -> memref<1x32x128xf32, #tpu.memory_space<vmem>>
      %dma_wait3A_1001 = tpu.memref_squeeze %dma_wait3A_1000 : memref<1x32x128xf32, #tpu.memory_space<vmem>> -> memref<32x128xf32, #tpu.memory_space<vmem>>
      %dma_wait3A_1002 = arith.constant 0 : i32
      %dma_wait3A_1003 = tpu.memref_slice %arg4[%dma_wait3A_1002, %multiple_of3A_743] : memref<32x1000000xf32, #tpu.memory_space<hbm>> -> memref<32x128xf32, #tpu.memory_space<hbm>>
      %dma_wait3A_1004 = arith.constant 0 : i32
      %dma_wait3A_1005 = arith.constant 0 : i32
      %dma_wait3A_1006 = tpu.memref_slice %arg9[%dma_wait3A_997, %dma_wait3A_1004, %dma_wait3A_1005] : memref<8x32x128xf32, #tpu.memory_space<vmem>> -> memref<1x32x128xf32, #tpu.memory_space<vmem>>
      %dma_wait3A_1007 = tpu.memref_squeeze %dma_wait3A_1006 : memref<1x32x128xf32, #tpu.memory_space<vmem>> -> memref<32x128xf32, #tpu.memory_space<vmem>>
      %dma_wait3A_1008 = arith.constant 0 : i32
      %dma_wait3A_1009 = tpu.memref_slice %arg4[%dma_wait3A_1008, %multiple_of3A_743] : memref<32x1000000xf32, #tpu.memory_space<hbm>> -> memref<32x128xf32, #tpu.memory_space<hbm>>
      tpu.wait_dma2 semaphore(%arg13 : memref<!tpu.dma_semaphore, #tpu.memory_space<semaphore_mem>>) src(%dma_wait3A_1009 : memref<32x128xf32, #tpu.memory_space<hbm>>) dst(%dma_wait3A_1007 : memref<32x128xf32, #tpu.memory_space<vmem>>)
      %dma_wait3A_1010 = arith.constant 0 : i32
      %dma_wait3A_1011 = arith.constant 0 : i32
      %dma_wait3A_1012 = arith.constant 0 : i32
      %dma_wait3A_1013 = tpu.memref_slice %arg10[%dma_wait3A_1010, %dma_wait3A_1011, %dma_wait3A_1012] : memref<8x32x128xf32, #tpu.memory_space<vmem>> -> memref<1x32x128xf32, #tpu.memory_space<vmem>>
      %dma_wait3A_1014 = tpu.memref_squeeze %dma_wait3A_1013 : memref<1x32x128xf32, #tpu.memory_space<vmem>> -> memref<32x128xf32, #tpu.memory_space<vmem>>
      %dma_wait3A_1015 = arith.constant 0 : i32
      %dma_wait3A_1016 = tpu.memref_slice %arg5[%dma_wait3A_1015, %multiple_of3A_746] : memref<32x1000000xf32, #tpu.memory_space<hbm>> -> memref<32x128xf32, #tpu.memory_space<hbm>>
      %dma_wait3A_1017 = arith.constant 0 : i32
      %dma_wait3A_1018 = arith.constant 0 : i32
      %dma_wait3A_1019 = tpu.memref_slice %arg10[%dma_wait3A_1010, %dma_wait3A_1017, %dma_wait3A_1018] : memref<8x32x128xf32, #tpu.memory_space<vmem>> -> memref<1x32x128xf32, #tpu.memory_space<vmem>>
      %dma_wait3A_1020 = tpu.memref_squeeze %dma_wait3A_1019 : memref<1x32x128xf32, #tpu.memory_space<vmem>> -> memref<32x128xf32, #tpu.memory_space<vmem>>
      %dma_wait3A_1021 = arith.constant 0 : i32
      %dma_wait3A_1022 = tpu.memref_slice %arg5[%dma_wait3A_1021, %multiple_of3A_746] : memref<32x1000000xf32, #tpu.memory_space<hbm>> -> memref<32x128xf32, #tpu.memory_space<hbm>>
      tpu.wait_dma2 semaphore(%arg13 : memref<!tpu.dma_semaphore, #tpu.memory_space<semaphore_mem>>) src(%dma_wait3A_1022 : memref<32x128xf32, #tpu.memory_space<hbm>>) dst(%dma_wait3A_1020 : memref<32x128xf32, #tpu.memory_space<vmem>>)
      %dma_wait3A_1023 = arith.constant 1 : i32
      %dma_wait3A_1024 = arith.constant 0 : i32
      %dma_wait3A_1025 = arith.constant 0 : i32
      %dma_wait3A_1026 = tpu.memref_slice %arg9[%dma_wait3A_1023, %dma_wait3A_1024, %dma_wait3A_1025] : memref<8x32x128xf32, #tpu.memory_space<vmem>> -> memref<1x32x128xf32, #tpu.memory_space<vmem>>
      %dma_wait3A_1027 = tpu.memref_squeeze %dma_wait3A_1026 : memref<1x32x128xf32, #tpu.memory_space<vmem>> -> memref<32x128xf32, #tpu.memory_space<vmem>>
      %dma_wait3A_1028 = arith.constant 0 : i32
      %dma_wait3A_1029 = tpu.memref_slice %arg4[%dma_wait3A_1028, %multiple_of3A_775] : memref<32x1000000xf32, #tpu.memory_space<hbm>> -> memref<32x128xf32, #tpu.memory_space<hbm>>
      %dma_wait3A_1030 = arith.constant 0 : i32
      %dma_wait3A_1031 = arith.constant 0 : i32
      %dma_wait3A_1032 = tpu.memref_slice %arg9[%dma_wait3A_1023, %dma_wait3A_1030, %dma_wait3A_1031] : memref<8x32x128xf32, #tpu.memory_space<vmem>> -> memref<1x32x128xf32, #tpu.memory_space<vmem>>
      %dma_wait3A_1033 = tpu.memref_squeeze %dma_wait3A_1032 : memref<1x32x128xf32, #tpu.memory_space<vmem>> -> memref<32x128xf32, #tpu.memory_space<vmem>>
      %dma_wait3A_1034 = arith.constant 0 : i32
      %dma_wait3A_1035 = tpu.memref_slice %arg4[%dma_wait3A_1034, %multiple_of3A_775] : memref<32x1000000xf32, #tpu.memory_space<hbm>> -> memref<32x128xf32, #tpu.memory_space<hbm>>
      tpu.wait_dma2 semaphore(%arg13 : memref<!tpu.dma_semaphore, #tpu.memory_space<semaphore_mem>>) src(%dma_wait3A_1035 : memref<32x128xf32, #tpu.memory_space<hbm>>) dst(%dma_wait3A_1033 : memref<32x128xf32, #tpu.memory_space<vmem>>)
      %dma_wait3A_1036 = arith.constant 1 : i32
      %dma_wait3A_1037 = arith.constant 0 : i32
      %dma_wait3A_1038 = arith.constant 0 : i32
      %dma_wait3A_1039 = tpu.memref_slice %arg10[%dma_wait3A_1036, %dma_wait3A_1037, %dma_wait3A_1038] : memref<8x32x128xf32, #tpu.memory_space<vmem>> -> memref<1x32x128xf32, #tpu.memory_space<vmem>>
      %dma_wait3A_1040 = tpu.memref_squeeze %dma_wait3A_1039 : memref<1x32x128xf32, #tpu.memory_space<vmem>> -> memref<32x128xf32, #tpu.memory_space<vmem>>
      %dma_wait3A_1041 = arith.constant 0 : i32
      %dma_wait3A_1042 = tpu.memref_slice %arg5[%dma_wait3A_1041, %multiple_of3A_778] : memref<32x1000000xf32, #tpu.memory_space<hbm>> -> memref<32x128xf32, #tpu.memory_space<hbm>>
      %dma_wait3A_1043 = arith.constant 0 : i32
      %dma_wait3A_1044 = arith.constant 0 : i32
      %dma_wait3A_1045 = tpu.memref_slice %arg10[%dma_wait3A_1036, %dma_wait3A_1043, %dma_wait3A_1044] : memref<8x32x128xf32, #tpu.memory_space<vmem>> -> memref<1x32x128xf32, #tpu.memory_space<vmem>>
      %dma_wait3A_1046 = tpu.memref_squeeze %dma_wait3A_1045 : memref<1x32x128xf32, #tpu.memory_space<vmem>> -> memref<32x128xf32, #tpu.memory_space<vmem>>
      %dma_wait3A_1047 = arith.constant 0 : i32
      %dma_wait3A_1048 = tpu.memref_slice %arg5[%dma_wait3A_1047, %multiple_of3A_778] : memref<32x1000000xf32, #tpu.memory_space<hbm>> -> memref<32x128xf32, #tpu.memory_space<hbm>>
      tpu.wait_dma2 semaphore(%arg13 : memref<!tpu.dma_semaphore, #tpu.memory_space<semaphore_mem>>) src(%dma_wait3A_1048 : memref<32x128xf32, #tpu.memory_space<hbm>>) dst(%dma_wait3A_1046 : memref<32x128xf32, #tpu.memory_space<vmem>>)
      %dma_wait3A_1049 = arith.constant 2 : i32
      %dma_wait3A_1050 = arith.constant 0 : i32
      %dma_wait3A_1051 = arith.constant 0 : i32
      %dma_wait3A_1052 = tpu.memref_slice %arg9[%dma_wait3A_1049, %dma_wait3A_1050, %dma_wait3A_1051] : memref<8x32x128xf32, #tpu.memory_space<vmem>> -> memref<1x32x128xf32, #tpu.memory_space<vmem>>
      %dma_wait3A_1053 = tpu.memref_squeeze %dma_wait3A_1052 : memref<1x32x128xf32, #tpu.memory_space<vmem>> -> memref<32x128xf32, #tpu.memory_space<vmem>>
      %dma_wait3A_1054 = arith.constant 0 : i32
      %dma_wait3A_1055 = tpu.memref_slice %arg4[%dma_wait3A_1054, %multiple_of3A_807] : memref<32x1000000xf32, #tpu.memory_space<hbm>> -> memref<32x128xf32, #tpu.memory_space<hbm>>
      %dma_wait3A_1056 = arith.constant 0 : i32
      %dma_wait3A_1057 = arith.constant 0 : i32
      %dma_wait3A_1058 = tpu.memref_slice %arg9[%dma_wait3A_1049, %dma_wait3A_1056, %dma_wait3A_1057] : memref<8x32x128xf32, #tpu.memory_space<vmem>> -> memref<1x32x128xf32, #tpu.memory_space<vmem>>
      %dma_wait3A_1059 = tpu.memref_squeeze %dma_wait3A_1058 : memref<1x32x128xf32, #tpu.memory_space<vmem>> -> memref<32x128xf32, #tpu.memory_space<vmem>>
      %dma_wait3A_1060 = arith.constant 0 : i32
      %dma_wait3A_1061 = tpu.memref_slice %arg4[%dma_wait3A_1060, %multiple_of3A_807] : memref<32x1000000xf32, #tpu.memory_space<hbm>> -> memref<32x128xf32, #tpu.memory_space<hbm>>
      tpu.wait_dma2 semaphore(%arg13 : memref<!tpu.dma_semaphore, #tpu.memory_space<semaphore_mem>>) src(%dma_wait3A_1061 : memref<32x128xf32, #tpu.memory_space<hbm>>) dst(%dma_wait3A_1059 : memref<32x128xf32, #tpu.memory_space<vmem>>)
      %dma_wait3A_1062 = arith.constant 2 : i32
      %dma_wait3A_1063 = arith.constant 0 : i32
      %dma_wait3A_1064 = arith.constant 0 : i32
      %dma_wait3A_1065 = tpu.memref_slice %arg10[%dma_wait3A_1062, %dma_wait3A_1063, %dma_wait3A_1064] : memref<8x32x128xf32, #tpu.memory_space<vmem>> -> memref<1x32x128xf32, #tpu.memory_space<vmem>>
      %dma_wait3A_1066 = tpu.memref_squeeze %dma_wait3A_1065 : memref<1x32x128xf32, #tpu.memory_space<vmem>> -> memref<32x128xf32, #tpu.memory_space<vmem>>
      %dma_wait3A_1067 = arith.constant 0 : i32
      %dma_wait3A_1068 = tpu.memref_slice %arg5[%dma_wait3A_1067, %multiple_of3A_810] : memref<32x1000000xf32, #tpu.memory_space<hbm>> -> memref<32x128xf32, #tpu.memory_space<hbm>>
      %dma_wait3A_1069 = arith.constant 0 : i32
      %dma_wait3A_1070 = arith.constant 0 : i32
      %dma_wait3A_1071 = tpu.memref_slice %arg10[%dma_wait3A_1062, %dma_wait3A_1069, %dma_wait3A_1070] : memref<8x32x128xf32, #tpu.memory_space<vmem>> -> memref<1x32x128xf32, #tpu.memory_space<vmem>>
      %dma_wait3A_1072 = tpu.memref_squeeze %dma_wait3A_1071 : memref<1x32x128xf32, #tpu.memory_space<vmem>> -> memref<32x128xf32, #tpu.memory_space<vmem>>
      %dma_wait3A_1073 = arith.constant 0 : i32
      %dma_wait3A_1074 = tpu.memref_slice %arg5[%dma_wait3A_1073, %multiple_of3A_810] : memref<32x1000000xf32, #tpu.memory_space<hbm>> -> memref<32x128xf32, #tpu.memory_space<hbm>>
      tpu.wait_dma2 semaphore(%arg13 : memref<!tpu.dma_semaphore, #tpu.memory_space<semaphore_mem>>) src(%dma_wait3A_1074 : memref<32x128xf32, #tpu.memory_space<hbm>>) dst(%dma_wait3A_1072 : memref<32x128xf32, #tpu.memory_space<vmem>>)
      %dma_wait3A_1075 = arith.constant 3 : i32
      %dma_wait3A_1076 = arith.constant 0 : i32
      %dma_wait3A_1077 = arith.constant 0 : i32
      %dma_wait3A_1078 = tpu.memref_slice %arg9[%dma_wait3A_1075, %dma_wait3A_1076, %dma_wait3A_1077] : memref<8x32x128xf32, #tpu.memory_space<vmem>> -> memref<1x32x128xf32, #tpu.memory_space<vmem>>
      %dma_wait3A_1079 = tpu.memref_squeeze %dma_wait3A_1078 : memref<1x32x128xf32, #tpu.memory_space<vmem>> -> memref<32x128xf32, #tpu.memory_space<vmem>>
      %dma_wait3A_1080 = arith.constant 0 : i32
      %dma_wait3A_1081 = tpu.memref_slice %arg4[%dma_wait3A_1080, %multiple_of3A_839] : memref<32x1000000xf32, #tpu.memory_space<hbm>> -> memref<32x128xf32, #tpu.memory_space<hbm>>
      %dma_wait3A_1082 = arith.constant 0 : i32
      %dma_wait3A_1083 = arith.constant 0 : i32
      %dma_wait3A_1084 = tpu.memref_slice %arg9[%dma_wait3A_1075, %dma_wait3A_1082, %dma_wait3A_1083] : memref<8x32x128xf32, #tpu.memory_space<vmem>> -> memref<1x32x128xf32, #tpu.memory_space<vmem>>
      %dma_wait3A_1085 = tpu.memref_squeeze %dma_wait3A_1084 : memref<1x32x128xf32, #tpu.memory_space<vmem>> -> memref<32x128xf32, #tpu.memory_space<vmem>>
      %dma_wait3A_1086 = arith.constant 0 : i32
      %dma_wait3A_1087 = tpu.memref_slice %arg4[%dma_wait3A_1086, %multiple_of3A_839] : memref<32x1000000xf32, #tpu.memory_space<hbm>> -> memref<32x128xf32, #tpu.memory_space<hbm>>
      tpu.wait_dma2 semaphore(%arg13 : memref<!tpu.dma_semaphore, #tpu.memory_space<semaphore_mem>>) src(%dma_wait3A_1087 : memref<32x128xf32, #tpu.memory_space<hbm>>) dst(%dma_wait3A_1085 : memref<32x128xf32, #tpu.memory_space<vmem>>)
      %dma_wait3A_1088 = arith.constant 3 : i32
      %dma_wait3A_1089 = arith.constant 0 : i32
      %dma_wait3A_1090 = arith.constant 0 : i32
      %dma_wait3A_1091 = tpu.memref_slice %arg10[%dma_wait3A_1088, %dma_wait3A_1089, %dma_wait3A_1090] : memref<8x32x128xf32, #tpu.memory_space<vmem>> -> memref<1x32x128xf32, #tpu.memory_space<vmem>>
      %dma_wait3A_1092 = tpu.memref_squeeze %dma_wait3A_1091 : memref<1x32x128xf32, #tpu.memory_space<vmem>> -> memref<32x128xf32, #tpu.memory_space<vmem>>
      %dma_wait3A_1093 = arith.constant 0 : i32
      %dma_wait3A_1094 = tpu.memref_slice %arg5[%dma_wait3A_1093, %multiple_of3A_842] : memref<32x1000000xf32, #tpu.memory_space<hbm>> -> memref<32x128xf32, #tpu.memory_space<hbm>>
      %dma_wait3A_1095 = arith.constant 0 : i32
      %dma_wait3A_1096 = arith.constant 0 : i32
      %dma_wait3A_1097 = tpu.memref_slice %arg10[%dma_wait3A_1088, %dma_wait3A_1095, %dma_wait3A_1096] : memref<8x32x128xf32, #tpu.memory_space<vmem>> -> memref<1x32x128xf32, #tpu.memory_space<vmem>>
      %dma_wait3A_1098 = tpu.memref_squeeze %dma_wait3A_1097 : memref<1x32x128xf32, #tpu.memory_space<vmem>> -> memref<32x128xf32, #tpu.memory_space<vmem>>
      %dma_wait3A_1099 = arith.constant 0 : i32
      %dma_wait3A_1100 = tpu.memref_slice %arg5[%dma_wait3A_1099, %multiple_of3A_842] : memref<32x1000000xf32, #tpu.memory_space<hbm>> -> memref<32x128xf32, #tpu.memory_space<hbm>>
      tpu.wait_dma2 semaphore(%arg13 : memref<!tpu.dma_semaphore, #tpu.memory_space<semaphore_mem>>) src(%dma_wait3A_1100 : memref<32x128xf32, #tpu.memory_space<hbm>>) dst(%dma_wait3A_1098 : memref<32x128xf32, #tpu.memory_space<vmem>>)
      %dma_wait3A_1101 = arith.constant 4 : i32
      %dma_wait3A_1102 = arith.constant 0 : i32
      %dma_wait3A_1103 = arith.constant 0 : i32
      %dma_wait3A_1104 = tpu.memref_slice %arg9[%dma_wait3A_1101, %dma_wait3A_1102, %dma_wait3A_1103] : memref<8x32x128xf32, #tpu.memory_space<vmem>> -> memref<1x32x128xf32, #tpu.memory_space<vmem>>
      %dma_wait3A_1105 = tpu.memref_squeeze %dma_wait3A_1104 : memref<1x32x128xf32, #tpu.memory_space<vmem>> -> memref<32x128xf32, #tpu.memory_space<vmem>>
      %dma_wait3A_1106 = arith.constant 0 : i32
      %dma_wait3A_1107 = tpu.memref_slice %arg4[%dma_wait3A_1106, %multiple_of3A_871] : memref<32x1000000xf32, #tpu.memory_space<hbm>> -> memref<32x128xf32, #tpu.memory_space<hbm>>
      %dma_wait3A_1108 = arith.constant 0 : i32
      %dma_wait3A_1109 = arith.constant 0 : i32
      %dma_wait3A_1110 = tpu.memref_slice %arg9[%dma_wait3A_1101, %dma_wait3A_1108, %dma_wait3A_1109] : memref<8x32x128xf32, #tpu.memory_space<vmem>> -> memref<1x32x128xf32, #tpu.memory_space<vmem>>
      %dma_wait3A_1111 = tpu.memref_squeeze %dma_wait3A_1110 : memref<1x32x128xf32, #tpu.memory_space<vmem>> -> memref<32x128xf32, #tpu.memory_space<vmem>>
      %dma_wait3A_1112 = arith.constant 0 : i32
      %dma_wait3A_1113 = tpu.memref_slice %arg4[%dma_wait3A_1112, %multiple_of3A_871] : memref<32x1000000xf32, #tpu.memory_space<hbm>> -> memref<32x128xf32, #tpu.memory_space<hbm>>
      tpu.wait_dma2 semaphore(%arg13 : memref<!tpu.dma_semaphore, #tpu.memory_space<semaphore_mem>>) src(%dma_wait3A_1113 : memref<32x128xf32, #tpu.memory_space<hbm>>) dst(%dma_wait3A_1111 : memref<32x128xf32, #tpu.memory_space<vmem>>)
      %dma_wait3A_1114 = arith.constant 4 : i32
      %dma_wait3A_1115 = arith.constant 0 : i32
      %dma_wait3A_1116 = arith.constant 0 : i32
      %dma_wait3A_1117 = tpu.memref_slice %arg10[%dma_wait3A_1114, %dma_wait3A_1115, %dma_wait3A_1116] : memref<8x32x128xf32, #tpu.memory_space<vmem>> -> memref<1x32x128xf32, #tpu.memory_space<vmem>>
      %dma_wait3A_1118 = tpu.memref_squeeze %dma_wait3A_1117 : memref<1x32x128xf32, #tpu.memory_space<vmem>> -> memref<32x128xf32, #tpu.memory_space<vmem>>
      %dma_wait3A_1119 = arith.constant 0 : i32
      %dma_wait3A_1120 = tpu.memref_slice %arg5[%dma_wait3A_1119, %multiple_of3A_874] : memref<32x1000000xf32, #tpu.memory_space<hbm>> -> memref<32x128xf32, #tpu.memory_space<hbm>>
      %dma_wait3A_1121 = arith.constant 0 : i32
      %dma_wait3A_1122 = arith.constant 0 : i32
      %dma_wait3A_1123 = tpu.memref_slice %arg10[%dma_wait3A_1114, %dma_wait3A_1121, %dma_wait3A_1122] : memref<8x32x128xf32, #tpu.memory_space<vmem>> -> memref<1x32x128xf32, #tpu.memory_space<vmem>>
      %dma_wait3A_1124 = tpu.memref_squeeze %dma_wait3A_1123 : memref<1x32x128xf32, #tpu.memory_space<vmem>> -> memref<32x128xf32, #tpu.memory_space<vmem>>
      %dma_wait3A_1125 = arith.constant 0 : i32
      %dma_wait3A_1126 = tpu.memref_slice %arg5[%dma_wait3A_1125, %multiple_of3A_874] : memref<32x1000000xf32, #tpu.memory_space<hbm>> -> memref<32x128xf32, #tpu.memory_space<hbm>>
      tpu.wait_dma2 semaphore(%arg13 : memref<!tpu.dma_semaphore, #tpu.memory_space<semaphore_mem>>) src(%dma_wait3A_1126 : memref<32x128xf32, #tpu.memory_space<hbm>>) dst(%dma_wait3A_1124 : memref<32x128xf32, #tpu.memory_space<vmem>>)
      %dma_wait3A_1127 = arith.constant 5 : i32
      %dma_wait3A_1128 = arith.constant 0 : i32
      %dma_wait3A_1129 = arith.constant 0 : i32
      %dma_wait3A_1130 = tpu.memref_slice %arg9[%dma_wait3A_1127, %dma_wait3A_1128, %dma_wait3A_1129] : memref<8x32x128xf32, #tpu.memory_space<vmem>> -> memref<1x32x128xf32, #tpu.memory_space<vmem>>
      %dma_wait3A_1131 = tpu.memref_squeeze %dma_wait3A_1130 : memref<1x32x128xf32, #tpu.memory_space<vmem>> -> memref<32x128xf32, #tpu.memory_space<vmem>>
      %dma_wait3A_1132 = arith.constant 0 : i32
      %dma_wait3A_1133 = tpu.memref_slice %arg4[%dma_wait3A_1132, %multiple_of3A_903] : memref<32x1000000xf32, #tpu.memory_space<hbm>> -> memref<32x128xf32, #tpu.memory_space<hbm>>
      %dma_wait3A_1134 = arith.constant 0 : i32
      %dma_wait3A_1135 = arith.constant 0 : i32
      %dma_wait3A_1136 = tpu.memref_slice %arg9[%dma_wait3A_1127, %dma_wait3A_1134, %dma_wait3A_1135] : memref<8x32x128xf32, #tpu.memory_space<vmem>> -> memref<1x32x128xf32, #tpu.memory_space<vmem>>
      %dma_wait3A_1137 = tpu.memref_squeeze %dma_wait3A_1136 : memref<1x32x128xf32, #tpu.memory_space<vmem>> -> memref<32x128xf32, #tpu.memory_space<vmem>>
      %dma_wait3A_1138 = arith.constant 0 : i32
      %dma_wait3A_1139 = tpu.memref_slice %arg4[%dma_wait3A_1138, %multiple_of3A_903] : memref<32x1000000xf32, #tpu.memory_space<hbm>> -> memref<32x128xf32, #tpu.memory_space<hbm>>
      tpu.wait_dma2 semaphore(%arg13 : memref<!tpu.dma_semaphore, #tpu.memory_space<semaphore_mem>>) src(%dma_wait3A_1139 : memref<32x128xf32, #tpu.memory_space<hbm>>) dst(%dma_wait3A_1137 : memref<32x128xf32, #tpu.memory_space<vmem>>)
      %dma_wait3A_1140 = arith.constant 5 : i32
      %dma_wait3A_1141 = arith.constant 0 : i32
      %dma_wait3A_1142 = arith.constant 0 : i32
      %dma_wait3A_1143 = tpu.memref_slice %arg10[%dma_wait3A_1140, %dma_wait3A_1141, %dma_wait3A_1142] : memref<8x32x128xf32, #tpu.memory_space<vmem>> -> memref<1x32x128xf32, #tpu.memory_space<vmem>>
      %dma_wait3A_1144 = tpu.memref_squeeze %dma_wait3A_1143 : memref<1x32x128xf32, #tpu.memory_space<vmem>> -> memref<32x128xf32, #tpu.memory_space<vmem>>
      %dma_wait3A_1145 = arith.constant 0 : i32
      %dma_wait3A_1146 = tpu.memref_slice %arg5[%dma_wait3A_1145, %multiple_of3A_906] : memref<32x1000000xf32, #tpu.memory_space<hbm>> -> memref<32x128xf32, #tpu.memory_space<hbm>>
      %dma_wait3A_1147 = arith.constant 0 : i32
      %dma_wait3A_1148 = arith.constant 0 : i32
      %dma_wait3A_1149 = tpu.memref_slice %arg10[%dma_wait3A_1140, %dma_wait3A_1147, %dma_wait3A_1148] : memref<8x32x128xf32, #tpu.memory_space<vmem>> -> memref<1x32x128xf32, #tpu.memory_space<vmem>>
      %dma_wait3A_1150 = tpu.memref_squeeze %dma_wait3A_1149 : memref<1x32x128xf32, #tpu.memory_space<vmem>> -> memref<32x128xf32, #tpu.memory_space<vmem>>
      %dma_wait3A_1151 = arith.constant 0 : i32
      %dma_wait3A_1152 = tpu.memref_slice %arg5[%dma_wait3A_1151, %multiple_of3A_906] : memref<32x1000000xf32, #tpu.memory_space<hbm>> -> memref<32x128xf32, #tpu.memory_space<hbm>>
      tpu.wait_dma2 semaphore(%arg13 : memref<!tpu.dma_semaphore, #tpu.memory_space<semaphore_mem>>) src(%dma_wait3A_1152 : memref<32x128xf32, #tpu.memory_space<hbm>>) dst(%dma_wait3A_1150 : memref<32x128xf32, #tpu.memory_space<vmem>>)
      %dma_wait3A_1153 = arith.constant 6 : i32
      %dma_wait3A_1154 = arith.constant 0 : i32
      %dma_wait3A_1155 = arith.constant 0 : i32
      %dma_wait3A_1156 = tpu.memref_slice %arg9[%dma_wait3A_1153, %dma_wait3A_1154, %dma_wait3A_1155] : memref<8x32x128xf32, #tpu.memory_space<vmem>> -> memref<1x32x128xf32, #tpu.memory_space<vmem>>
      %dma_wait3A_1157 = tpu.memref_squeeze %dma_wait3A_1156 : memref<1x32x128xf32, #tpu.memory_space<vmem>> -> memref<32x128xf32, #tpu.memory_space<vmem>>
      %dma_wait3A_1158 = arith.constant 0 : i32
      %dma_wait3A_1159 = tpu.memref_slice %arg4[%dma_wait3A_1158, %multiple_of3A_935] : memref<32x1000000xf32, #tpu.memory_space<hbm>> -> memref<32x128xf32, #tpu.memory_space<hbm>>
      %dma_wait3A_1160 = arith.constant 0 : i32
      %dma_wait3A_1161 = arith.constant 0 : i32
      %dma_wait3A_1162 = tpu.memref_slice %arg9[%dma_wait3A_1153, %dma_wait3A_1160, %dma_wait3A_1161] : memref<8x32x128xf32, #tpu.memory_space<vmem>> -> memref<1x32x128xf32, #tpu.memory_space<vmem>>
      %dma_wait3A_1163 = tpu.memref_squeeze %dma_wait3A_1162 : memref<1x32x128xf32, #tpu.memory_space<vmem>> -> memref<32x128xf32, #tpu.memory_space<vmem>>
      %dma_wait3A_1164 = arith.constant 0 : i32
      %dma_wait3A_1165 = tpu.memref_slice %arg4[%dma_wait3A_1164, %multiple_of3A_935] : memref<32x1000000xf32, #tpu.memory_space<hbm>> -> memref<32x128xf32, #tpu.memory_space<hbm>>
      tpu.wait_dma2 semaphore(%arg13 : memref<!tpu.dma_semaphore, #tpu.memory_space<semaphore_mem>>) src(%dma_wait3A_1165 : memref<32x128xf32, #tpu.memory_space<hbm>>) dst(%dma_wait3A_1163 : memref<32x128xf32, #tpu.memory_space<vmem>>)
      %dma_wait3A_1166 = arith.constant 6 : i32
      %dma_wait3A_1167 = arith.constant 0 : i32
      %dma_wait3A_1168 = arith.constant 0 : i32
      %dma_wait3A_1169 = tpu.memref_slice %arg10[%dma_wait3A_1166, %dma_wait3A_1167, %dma_wait3A_1168] : memref<8x32x128xf32, #tpu.memory_space<vmem>> -> memref<1x32x128xf32, #tpu.memory_space<vmem>>
      %dma_wait3A_1170 = tpu.memref_squeeze %dma_wait3A_1169 : memref<1x32x128xf32, #tpu.memory_space<vmem>> -> memref<32x128xf32, #tpu.memory_space<vmem>>
      %dma_wait3A_1171 = arith.constant 0 : i32
      %dma_wait3A_1172 = tpu.memref_slice %arg5[%dma_wait3A_1171, %multiple_of3A_938] : memref<32x1000000xf32, #tpu.memory_space<hbm>> -> memref<32x128xf32, #tpu.memory_space<hbm>>
      %dma_wait3A_1173 = arith.constant 0 : i32
      %dma_wait3A_1174 = arith.constant 0 : i32
      %dma_wait3A_1175 = tpu.memref_slice %arg10[%dma_wait3A_1166, %dma_wait3A_1173, %dma_wait3A_1174] : memref<8x32x128xf32, #tpu.memory_space<vmem>> -> memref<1x32x128xf32, #tpu.memory_space<vmem>>
      %dma_wait3A_1176 = tpu.memref_squeeze %dma_wait3A_1175 : memref<1x32x128xf32, #tpu.memory_space<vmem>> -> memref<32x128xf32, #tpu.memory_space<vmem>>
      %dma_wait3A_1177 = arith.constant 0 : i32
      %dma_wait3A_1178 = tpu.memref_slice %arg5[%dma_wait3A_1177, %multiple_of3A_938] : memref<32x1000000xf32, #tpu.memory_space<hbm>> -> memref<32x128xf32, #tpu.memory_space<hbm>>
      tpu.wait_dma2 semaphore(%arg13 : memref<!tpu.dma_semaphore, #tpu.memory_space<semaphore_mem>>) src(%dma_wait3A_1178 : memref<32x128xf32, #tpu.memory_space<hbm>>) dst(%dma_wait3A_1176 : memref<32x128xf32, #tpu.memory_space<vmem>>)
      %dma_wait3A_1179 = arith.constant 7 : i32
      %dma_wait3A_1180 = arith.constant 0 : i32
      %dma_wait3A_1181 = arith.constant 0 : i32
      %dma_wait3A_1182 = tpu.memref_slice %arg9[%dma_wait3A_1179, %dma_wait3A_1180, %dma_wait3A_1181] : memref<8x32x128xf32, #tpu.memory_space<vmem>> -> memref<1x32x128xf32, #tpu.memory_space<vmem>>
      %dma_wait3A_1183 = tpu.memref_squeeze %dma_wait3A_1182 : memref<1x32x128xf32, #tpu.memory_space<vmem>> -> memref<32x128xf32, #tpu.memory_space<vmem>>
      %dma_wait3A_1184 = arith.constant 0 : i32
      %dma_wait3A_1185 = tpu.memref_slice %arg4[%dma_wait3A_1184, %multiple_of3A_967] : memref<32x1000000xf32, #tpu.memory_space<hbm>> -> memref<32x128xf32, #tpu.memory_space<hbm>>
      %dma_wait3A_1186 = arith.constant 0 : i32
      %dma_wait3A_1187 = arith.constant 0 : i32
      %dma_wait3A_1188 = tpu.memref_slice %arg9[%dma_wait3A_1179, %dma_wait3A_1186, %dma_wait3A_1187] : memref<8x32x128xf32, #tpu.memory_space<vmem>> -> memref<1x32x128xf32, #tpu.memory_space<vmem>>
      %dma_wait3A_1189 = tpu.memref_squeeze %dma_wait3A_1188 : memref<1x32x128xf32, #tpu.memory_space<vmem>> -> memref<32x128xf32, #tpu.memory_space<vmem>>
      %dma_wait3A_1190 = arith.constant 0 : i32
      %dma_wait3A_1191 = tpu.memref_slice %arg4[%dma_wait3A_1190, %multiple_of3A_967] : memref<32x1000000xf32, #tpu.memory_space<hbm>> -> memref<32x128xf32, #tpu.memory_space<hbm>>
      tpu.wait_dma2 semaphore(%arg13 : memref<!tpu.dma_semaphore, #tpu.memory_space<semaphore_mem>>) src(%dma_wait3A_1191 : memref<32x128xf32, #tpu.memory_space<hbm>>) dst(%dma_wait3A_1189 : memref<32x128xf32, #tpu.memory_space<vmem>>)
      %dma_wait3A_1192 = arith.constant 7 : i32
      %dma_wait3A_1193 = arith.constant 0 : i32
      %dma_wait3A_1194 = arith.constant 0 : i32
      %dma_wait3A_1195 = tpu.memref_slice %arg10[%dma_wait3A_1192, %dma_wait3A_1193, %dma_wait3A_1194] : memref<8x32x128xf32, #tpu.memory_space<vmem>> -> memref<1x32x128xf32, #tpu.memory_space<vmem>>
      %dma_wait3A_1196 = tpu.memref_squeeze %dma_wait3A_1195 : memref<1x32x128xf32, #tpu.memory_space<vmem>> -> memref<32x128xf32, #tpu.memory_space<vmem>>
      %dma_wait3A_1197 = arith.constant 0 : i32
      %dma_wait3A_1198 = tpu.memref_slice %arg5[%dma_wait3A_1197, %multiple_of3A_970] : memref<32x1000000xf32, #tpu.memory_space<hbm>> -> memref<32x128xf32, #tpu.memory_space<hbm>>
      %dma_wait3A_1199 = arith.constant 0 : i32
      %dma_wait3A_1200 = arith.constant 0 : i32
      %dma_wait3A_1201 = tpu.memref_slice %arg10[%dma_wait3A_1192, %dma_wait3A_1199, %dma_wait3A_1200] : memref<8x32x128xf32, #tpu.memory_space<vmem>> -> memref<1x32x128xf32, #tpu.memory_space<vmem>>
      %dma_wait3A_1202 = tpu.memref_squeeze %dma_wait3A_1201 : memref<1x32x128xf32, #tpu.memory_space<vmem>> -> memref<32x128xf32, #tpu.memory_space<vmem>>
      %dma_wait3A_1203 = arith.constant 0 : i32
      %dma_wait3A_1204 = tpu.memref_slice %arg5[%dma_wait3A_1203, %multiple_of3A_970] : memref<32x1000000xf32, #tpu.memory_space<hbm>> -> memref<32x128xf32, #tpu.memory_space<hbm>>
      tpu.wait_dma2 semaphore(%arg13 : memref<!tpu.dma_semaphore, #tpu.memory_space<semaphore_mem>>) src(%dma_wait3A_1204 : memref<32x128xf32, #tpu.memory_space<hbm>>) dst(%dma_wait3A_1202 : memref<32x128xf32, #tpu.memory_space<vmem>>)
      %broadcast_in_dim3A_1205 = arith.constant 0.000000e+00 : f32
      %broadcast_in_dim3A_1206 = vector.broadcast %broadcast_in_dim3A_1205 : f32 to vector<16xf32>
      %broadcast_in_dim3A_1207 = arith.constant 0 : i32
      %broadcast_in_dim3A_1208 = vector.broadcast %broadcast_in_dim3A_1207 : i32 to vector<16xi32>
      %gather3A_1209 = tpu.vector_load_idx %arg9[%and3A_10, %broadcast_in_dim3A_1208, %sub3A_86] : memref<8x32x128xf32, #tpu.memory_space<vmem>>[vector<16xi32>, vector<16xi32>, vector<16xi32>], vector<16xf32>,
      %gather3A_1210 = tpu.vector_load_idx %arg10[%and3A_10, %broadcast_in_dim3A_1208, %sub3A_87] : memref<8x32x128xf32, #tpu.memory_space<vmem>>[vector<16xi32>, vector<16xi32>, vector<16xi32>], vector<16xf32>,
      %mul3A_1211 = arith.mulf %gather3A_1209, %gather3A_1210 : vector<16xf32>
      %add3A_1212 = arith.addf %broadcast_in_dim3A_1206, %mul3A_1211 : vector<16xf32>
      %broadcast_in_dim3A_1213 = arith.constant 1 : i32
      %broadcast_in_dim3A_1214 = vector.broadcast %broadcast_in_dim3A_1213 : i32 to vector<16xi32>
      %gather3A_1215 = tpu.vector_load_idx %arg9[%and3A_10, %broadcast_in_dim3A_1214, %sub3A_86] : memref<8x32x128xf32, #tpu.memory_space<vmem>>[vector<16xi32>, vector<16xi32>, vector<16xi32>], vector<16xf32>,
      %gather3A_1216 = tpu.vector_load_idx %arg10[%and3A_10, %broadcast_in_dim3A_1214, %sub3A_87] : memref<8x32x128xf32, #tpu.memory_space<vmem>>[vector<16xi32>, vector<16xi32>, vector<16xi32>], vector<16xf32>,
      %mul3A_1217 = arith.mulf %gather3A_1215, %gather3A_1216 : vector<16xf32>
      %add3A_1218 = arith.addf %add3A_1212, %mul3A_1217 : vector<16xf32>
      %broadcast_in_dim3A_1219 = arith.constant 2 : i32
      %broadcast_in_dim3A_1220 = vector.broadcast %broadcast_in_dim3A_1219 : i32 to vector<16xi32>
      %gather3A_1221 = tpu.vector_load_idx %arg9[%and3A_10, %broadcast_in_dim3A_1220, %sub3A_86] : memref<8x32x128xf32, #tpu.memory_space<vmem>>[vector<16xi32>, vector<16xi32>, vector<16xi32>], vector<16xf32>,
      %gather3A_1222 = tpu.vector_load_idx %arg10[%and3A_10, %broadcast_in_dim3A_1220, %sub3A_87] : memref<8x32x128xf32, #tpu.memory_space<vmem>>[vector<16xi32>, vector<16xi32>, vector<16xi32>], vector<16xf32>,
      %mul3A_1223 = arith.mulf %gather3A_1221, %gather3A_1222 : vector<16xf32>
      %add3A_1224 = arith.addf %add3A_1218, %mul3A_1223 : vector<16xf32>
      %broadcast_in_dim3A_1225 = arith.constant 3 : i32
      %broadcast_in_dim3A_1226 = vector.broadcast %broadcast_in_dim3A_1225 : i32 to vector<16xi32>
      %gather3A_1227 = tpu.vector_load_idx %arg9[%and3A_10, %broadcast_in_dim3A_1226, %sub3A_86] : memref<8x32x128xf32, #tpu.memory_space<vmem>>[vector<16xi32>, vector<16xi32>, vector<16xi32>], vector<16xf32>,
      %gather3A_1228 = tpu.vector_load_idx %arg10[%and3A_10, %broadcast_in_dim3A_1226, %sub3A_87] : memref<8x32x128xf32, #tpu.memory_space<vmem>>[vector<16xi32>, vector<16xi32>, vector<16xi32>], vector<16xf32>,
      %mul3A_1229 = arith.mulf %gather3A_1227, %gather3A_1228 : vector<16xf32>
      %add3A_1230 = arith.addf %add3A_1224, %mul3A_1229 : vector<16xf32>
      %broadcast_in_dim3A_1231 = arith.constant 4 : i32
      %broadcast_in_dim3A_1232 = vector.broadcast %broadcast_in_dim3A_1231 : i32 to vector<16xi32>
      %gather3A_1233 = tpu.vector_load_idx %arg9[%and3A_10, %broadcast_in_dim3A_1232, %sub3A_86] : memref<8x32x128xf32, #tpu.memory_space<vmem>>[vector<16xi32>, vector<16xi32>, vector<16xi32>], vector<16xf32>,
      %gather3A_1234 = tpu.vector_load_idx %arg10[%and3A_10, %broadcast_in_dim3A_1232, %sub3A_87] : memref<8x32x128xf32, #tpu.memory_space<vmem>>[vector<16xi32>, vector<16xi32>, vector<16xi32>], vector<16xf32>,
      %mul3A_1235 = arith.mulf %gather3A_1233, %gather3A_1234 : vector<16xf32>
      %add3A_1236 = arith.addf %add3A_1230, %mul3A_1235 : vector<16xf32>
      %broadcast_in_dim3A_1237 = arith.constant 5 : i32
      %broadcast_in_dim3A_1238 = vector.broadcast %broadcast_in_dim3A_1237 : i32 to vector<16xi32>
      %gather3A_1239 = tpu.vector_load_idx %arg9[%and3A_10, %broadcast_in_dim3A_1238, %sub3A_86] : memref<8x32x128xf32, #tpu.memory_space<vmem>>[vector<16xi32>, vector<16xi32>, vector<16xi32>], vector<16xf32>,
      %gather3A_1240 = tpu.vector_load_idx %arg10[%and3A_10, %broadcast_in_dim3A_1238, %sub3A_87] : memref<8x32x128xf32, #tpu.memory_space<vmem>>[vector<16xi32>, vector<16xi32>, vector<16xi32>], vector<16xf32>,
      %mul3A_1241 = arith.mulf %gather3A_1239, %gather3A_1240 : vector<16xf32>
      %add3A_1242 = arith.addf %add3A_1236, %mul3A_1241 : vector<16xf32>
      %broadcast_in_dim3A_1243 = arith.constant 6 : i32
      %broadcast_in_dim3A_1244 = vector.broadcast %broadcast_in_dim3A_1243 : i32 to vector<16xi32>
      %gather3A_1245 = tpu.vector_load_idx %arg9[%and3A_10, %broadcast_in_dim3A_1244, %sub3A_86] : memref<8x32x128xf32, #tpu.memory_space<vmem>>[vector<16xi32>, vector<16xi32>, vector<16xi32>], vector<16xf32>,
      %gather3A_1246 = tpu.vector_load_idx %arg10[%and3A_10, %broadcast_in_dim3A_1244, %sub3A_87] : memref<8x32x128xf32, #tpu.memory_space<vmem>>[vector<16xi32>, vector<16xi32>, vector<16xi32>], vector<16xf32>,
      %mul3A_1247 = arith.mulf %gather3A_1245, %gather3A_1246 : vector<16xf32>
      %add3A_1248 = arith.addf %add3A_1242, %mul3A_1247 : vector<16xf32>
      %broadcast_in_dim3A_1249 = arith.constant 7 : i32
      %broadcast_in_dim3A_1250 = vector.broadcast %broadcast_in_dim3A_1249 : i32 to vector<16xi32>
      %gather3A_1251 = tpu.vector_load_idx %arg9[%and3A_10, %broadcast_in_dim3A_1250, %sub3A_86] : memref<8x32x128xf32, #tpu.memory_space<vmem>>[vector<16xi32>, vector<16xi32>, vector<16xi32>], vector<16xf32>,
      %gather3A_1252 = tpu.vector_load_idx %arg10[%and3A_10, %broadcast_in_dim3A_1250, %sub3A_87] : memref<8x32x128xf32, #tpu.memory_space<vmem>>[vector<16xi32>, vector<16xi32>, vector<16xi32>], vector<16xf32>,
      %mul3A_1253 = arith.mulf %gather3A_1251, %gather3A_1252 : vector<16xf32>
      %add3A_1254 = arith.addf %add3A_1248, %mul3A_1253 : vector<16xf32>
      %broadcast_in_dim3A_1255 = arith.constant 8 : i32
      %broadcast_in_dim3A_1256 = vector.broadcast %broadcast_in_dim3A_1255 : i32 to vector<16xi32>
      %gather3A_1257 = tpu.vector_load_idx %arg9[%and3A_10, %broadcast_in_dim3A_1256, %sub3A_86] : memref<8x32x128xf32, #tpu.memory_space<vmem>>[vector<16xi32>, vector<16xi32>, vector<16xi32>], vector<16xf32>,
      %gather3A_1258 = tpu.vector_load_idx %arg10[%and3A_10, %broadcast_in_dim3A_1256, %sub3A_87] : memref<8x32x128xf32, #tpu.memory_space<vmem>>[vector<16xi32>, vector<16xi32>, vector<16xi32>], vector<16xf32>,
      %mul3A_1259 = arith.mulf %gather3A_1257, %gather3A_1258 : vector<16xf32>
      %add3A_1260 = arith.addf %add3A_1254, %mul3A_1259 : vector<16xf32>
      %broadcast_in_dim3A_1261 = arith.constant 9 : i32
      %broadcast_in_dim3A_1262 = vector.broadcast %broadcast_in_dim3A_1261 : i32 to vector<16xi32>
      %gather3A_1263 = tpu.vector_load_idx %arg9[%and3A_10, %broadcast_in_dim3A_1262, %sub3A_86] : memref<8x32x128xf32, #tpu.memory_space<vmem>>[vector<16xi32>, vector<16xi32>, vector<16xi32>], vector<16xf32>,
      %gather3A_1264 = tpu.vector_load_idx %arg10[%and3A_10, %broadcast_in_dim3A_1262, %sub3A_87] : memref<8x32x128xf32, #tpu.memory_space<vmem>>[vector<16xi32>, vector<16xi32>, vector<16xi32>], vector<16xf32>,
      %mul3A_1265 = arith.mulf %gather3A_1263, %gather3A_1264 : vector<16xf32>
      %add3A_1266 = arith.addf %add3A_1260, %mul3A_1265 : vector<16xf32>
      %broadcast_in_dim3A_1267 = arith.constant 10 : i32
      %broadcast_in_dim3A_1268 = vector.broadcast %broadcast_in_dim3A_1267 : i32 to vector<16xi32>
      %gather3A_1269 = tpu.vector_load_idx %arg9[%and3A_10, %broadcast_in_dim3A_1268, %sub3A_86] : memref<8x32x128xf32, #tpu.memory_space<vmem>>[vector<16xi32>, vector<16xi32>, vector<16xi32>], vector<16xf32>,
      %gather3A_1270 = tpu.vector_load_idx %arg10[%and3A_10, %broadcast_in_dim3A_1268, %sub3A_87] : memref<8x32x128xf32, #tpu.memory_space<vmem>>[vector<16xi32>, vector<16xi32>, vector<16xi32>], vector<16xf32>,
      %mul3A_1271 = arith.mulf %gather3A_1269, %gather3A_1270 : vector<16xf32>
      %add3A_1272 = arith.addf %add3A_1266, %mul3A_1271 : vector<16xf32>
      %broadcast_in_dim3A_1273 = arith.constant 11 : i32
      %broadcast_in_dim3A_1274 = vector.broadcast %broadcast_in_dim3A_1273 : i32 to vector<16xi32>
      %gather3A_1275 = tpu.vector_load_idx %arg9[%and3A_10, %broadcast_in_dim3A_1274, %sub3A_86] : memref<8x32x128xf32, #tpu.memory_space<vmem>>[vector<16xi32>, vector<16xi32>, vector<16xi32>], vector<16xf32>,
      %gather3A_1276 = tpu.vector_load_idx %arg10[%and3A_10, %broadcast_in_dim3A_1274, %sub3A_87] : memref<8x32x128xf32, #tpu.memory_space<vmem>>[vector<16xi32>, vector<16xi32>, vector<16xi32>], vector<16xf32>,
      %mul3A_1277 = arith.mulf %gather3A_1275, %gather3A_1276 : vector<16xf32>
      %add3A_1278 = arith.addf %add3A_1272, %mul3A_1277 : vector<16xf32>
      %broadcast_in_dim3A_1279 = arith.constant 12 : i32
      %broadcast_in_dim3A_1280 = vector.broadcast %broadcast_in_dim3A_1279 : i32 to vector<16xi32>
      %gather3A_1281 = tpu.vector_load_idx %arg9[%and3A_10, %broadcast_in_dim3A_1280, %sub3A_86] : memref<8x32x128xf32, #tpu.memory_space<vmem>>[vector<16xi32>, vector<16xi32>, vector<16xi32>], vector<16xf32>,
      %gather3A_1282 = tpu.vector_load_idx %arg10[%and3A_10, %broadcast_in_dim3A_1280, %sub3A_87] : memref<8x32x128xf32, #tpu.memory_space<vmem>>[vector<16xi32>, vector<16xi32>, vector<16xi32>], vector<16xf32>,
      %mul3A_1283 = arith.mulf %gather3A_1281, %gather3A_1282 : vector<16xf32>
      %add3A_1284 = arith.addf %add3A_1278, %mul3A_1283 : vector<16xf32>
      %broadcast_in_dim3A_1285 = arith.constant 13 : i32
      %broadcast_in_dim3A_1286 = vector.broadcast %broadcast_in_dim3A_1285 : i32 to vector<16xi32>
      %gather3A_1287 = tpu.vector_load_idx %arg9[%and3A_10, %broadcast_in_dim3A_1286, %sub3A_86] : memref<8x32x128xf32, #tpu.memory_space<vmem>>[vector<16xi32>, vector<16xi32>, vector<16xi32>], vector<16xf32>,
      %gather3A_1288 = tpu.vector_load_idx %arg10[%and3A_10, %broadcast_in_dim3A_1286, %sub3A_87] : memref<8x32x128xf32, #tpu.memory_space<vmem>>[vector<16xi32>, vector<16xi32>, vector<16xi32>], vector<16xf32>,
      %mul3A_1289 = arith.mulf %gather3A_1287, %gather3A_1288 : vector<16xf32>
      %add3A_1290 = arith.addf %add3A_1284, %mul3A_1289 : vector<16xf32>
      %broadcast_in_dim3A_1291 = arith.constant 14 : i32
      %broadcast_in_dim3A_1292 = vector.broadcast %broadcast_in_dim3A_1291 : i32 to vector<16xi32>
      %gather3A_1293 = tpu.vector_load_idx %arg9[%and3A_10, %broadcast_in_dim3A_1292, %sub3A_86] : memref<8x32x128xf32, #tpu.memory_space<vmem>>[vector<16xi32>, vector<16xi32>, vector<16xi32>], vector<16xf32>,
      %gather3A_1294 = tpu.vector_load_idx %arg10[%and3A_10, %broadcast_in_dim3A_1292, %sub3A_87] : memref<8x32x128xf32, #tpu.memory_space<vmem>>[vector<16xi32>, vector<16xi32>, vector<16xi32>], vector<16xf32>,
      %mul3A_1295 = arith.mulf %gather3A_1293, %gather3A_1294 : vector<16xf32>
      %add3A_1296 = arith.addf %add3A_1290, %mul3A_1295 : vector<16xf32>
      %broadcast_in_dim3A_1297 = arith.constant 15 : i32
      %broadcast_in_dim3A_1298 = vector.broadcast %broadcast_in_dim3A_1297 : i32 to vector<16xi32>
      %gather3A_1299 = tpu.vector_load_idx %arg9[%and3A_10, %broadcast_in_dim3A_1298, %sub3A_86] : memref<8x32x128xf32, #tpu.memory_space<vmem>>[vector<16xi32>, vector<16xi32>, vector<16xi32>], vector<16xf32>,
      %gather3A_1300 = tpu.vector_load_idx %arg10[%and3A_10, %broadcast_in_dim3A_1298, %sub3A_87] : memref<8x32x128xf32, #tpu.memory_space<vmem>>[vector<16xi32>, vector<16xi32>, vector<16xi32>], vector<16xf32>,
      %mul3A_1301 = arith.mulf %gather3A_1299, %gather3A_1300 : vector<16xf32>
      %add3A_1302 = arith.addf %add3A_1296, %mul3A_1301 : vector<16xf32>
      %broadcast_in_dim3A_1303 = arith.constant 16 : i32
      %broadcast_in_dim3A_1304 = vector.broadcast %broadcast_in_dim3A_1303 : i32 to vector<16xi32>
      %gather3A_1305 = tpu.vector_load_idx %arg9[%and3A_10, %broadcast_in_dim3A_1304, %sub3A_86] : memref<8x32x128xf32, #tpu.memory_space<vmem>>[vector<16xi32>, vector<16xi32>, vector<16xi32>], vector<16xf32>,
      %gather3A_1306 = tpu.vector_load_idx %arg10[%and3A_10, %broadcast_in_dim3A_1304, %sub3A_87] : memref<8x32x128xf32, #tpu.memory_space<vmem>>[vector<16xi32>, vector<16xi32>, vector<16xi32>], vector<16xf32>,
      %mul3A_1307 = arith.mulf %gather3A_1305, %gather3A_1306 : vector<16xf32>
      %add3A_1308 = arith.addf %add3A_1302, %mul3A_1307 : vector<16xf32>
      %broadcast_in_dim3A_1309 = arith.constant 17 : i32
      %broadcast_in_dim3A_1310 = vector.broadcast %broadcast_in_dim3A_1309 : i32 to vector<16xi32>
      %gather3A_1311 = tpu.vector_load_idx %arg9[%and3A_10, %broadcast_in_dim3A_1310, %sub3A_86] : memref<8x32x128xf32, #tpu.memory_space<vmem>>[vector<16xi32>, vector<16xi32>, vector<16xi32>], vector<16xf32>,
      %gather3A_1312 = tpu.vector_load_idx %arg10[%and3A_10, %broadcast_in_dim3A_1310, %sub3A_87] : memref<8x32x128xf32, #tpu.memory_space<vmem>>[vector<16xi32>, vector<16xi32>, vector<16xi32>], vector<16xf32>,
      %mul3A_1313 = arith.mulf %gather3A_1311, %gather3A_1312 : vector<16xf32>
      %add3A_1314 = arith.addf %add3A_1308, %mul3A_1313 : vector<16xf32>
      %broadcast_in_dim3A_1315 = arith.constant 18 : i32
      %broadcast_in_dim3A_1316 = vector.broadcast %broadcast_in_dim3A_1315 : i32 to vector<16xi32>
      %gather3A_1317 = tpu.vector_load_idx %arg9[%and3A_10, %broadcast_in_dim3A_1316, %sub3A_86] : memref<8x32x128xf32, #tpu.memory_space<vmem>>[vector<16xi32>, vector<16xi32>, vector<16xi32>], vector<16xf32>,
      %gather3A_1318 = tpu.vector_load_idx %arg10[%and3A_10, %broadcast_in_dim3A_1316, %sub3A_87] : memref<8x32x128xf32, #tpu.memory_space<vmem>>[vector<16xi32>, vector<16xi32>, vector<16xi32>], vector<16xf32>,
      %mul3A_1319 = arith.mulf %gather3A_1317, %gather3A_1318 : vector<16xf32>
      %add3A_1320 = arith.addf %add3A_1314, %mul3A_1319 : vector<16xf32>
      %broadcast_in_dim3A_1321 = arith.constant 19 : i32
      %broadcast_in_dim3A_1322 = vector.broadcast %broadcast_in_dim3A_1321 : i32 to vector<16xi32>
      %gather3A_1323 = tpu.vector_load_idx %arg9[%and3A_10, %broadcast_in_dim3A_1322, %sub3A_86] : memref<8x32x128xf32, #tpu.memory_space<vmem>>[vector<16xi32>, vector<16xi32>, vector<16xi32>], vector<16xf32>,
      %gather3A_1324 = tpu.vector_load_idx %arg10[%and3A_10, %broadcast_in_dim3A_1322, %sub3A_87] : memref<8x32x128xf32, #tpu.memory_space<vmem>>[vector<16xi32>, vector<16xi32>, vector<16xi32>], vector<16xf32>,
      %mul3A_1325 = arith.mulf %gather3A_1323, %gather3A_1324 : vector<16xf32>
      %add3A_1326 = arith.addf %add3A_1320, %mul3A_1325 : vector<16xf32>
      %broadcast_in_dim3A_1327 = arith.constant 20 : i32
      %broadcast_in_dim3A_1328 = vector.broadcast %broadcast_in_dim3A_1327 : i32 to vector<16xi32>
      %gather3A_1329 = tpu.vector_load_idx %arg9[%and3A_10, %broadcast_in_dim3A_1328, %sub3A_86] : memref<8x32x128xf32, #tpu.memory_space<vmem>>[vector<16xi32>, vector<16xi32>, vector<16xi32>], vector<16xf32>,
      %gather3A_1330 = tpu.vector_load_idx %arg10[%and3A_10, %broadcast_in_dim3A_1328, %sub3A_87] : memref<8x32x128xf32, #tpu.memory_space<vmem>>[vector<16xi32>, vector<16xi32>, vector<16xi32>], vector<16xf32>,
      %mul3A_1331 = arith.mulf %gather3A_1329, %gather3A_1330 : vector<16xf32>
      %add3A_1332 = arith.addf %add3A_1326, %mul3A_1331 : vector<16xf32>
      %broadcast_in_dim3A_1333 = arith.constant 21 : i32
      %broadcast_in_dim3A_1334 = vector.broadcast %broadcast_in_dim3A_1333 : i32 to vector<16xi32>
      %gather3A_1335 = tpu.vector_load_idx %arg9[%and3A_10, %broadcast_in_dim3A_1334, %sub3A_86] : memref<8x32x128xf32, #tpu.memory_space<vmem>>[vector<16xi32>, vector<16xi32>, vector<16xi32>], vector<16xf32>,
      %gather3A_1336 = tpu.vector_load_idx %arg10[%and3A_10, %broadcast_in_dim3A_1334, %sub3A_87] : memref<8x32x128xf32, #tpu.memory_space<vmem>>[vector<16xi32>, vector<16xi32>, vector<16xi32>], vector<16xf32>,
      %mul3A_1337 = arith.mulf %gather3A_1335, %gather3A_1336 : vector<16xf32>
      %add3A_1338 = arith.addf %add3A_1332, %mul3A_1337 : vector<16xf32>
      %broadcast_in_dim3A_1339 = arith.constant 22 : i32
      %broadcast_in_dim3A_1340 = vector.broadcast %broadcast_in_dim3A_1339 : i32 to vector<16xi32>
      %gather3A_1341 = tpu.vector_load_idx %arg9[%and3A_10, %broadcast_in_dim3A_1340, %sub3A_86] : memref<8x32x128xf32, #tpu.memory_space<vmem>>[vector<16xi32>, vector<16xi32>, vector<16xi32>], vector<16xf32>,
      %gather3A_1342 = tpu.vector_load_idx %arg10[%and3A_10, %broadcast_in_dim3A_1340, %sub3A_87] : memref<8x32x128xf32, #tpu.memory_space<vmem>>[vector<16xi32>, vector<16xi32>, vector<16xi32>], vector<16xf32>,
      %mul3A_1343 = arith.mulf %gather3A_1341, %gather3A_1342 : vector<16xf32>
      %add3A_1344 = arith.addf %add3A_1338, %mul3A_1343 : vector<16xf32>
      %broadcast_in_dim3A_1345 = arith.constant 23 : i32
      %broadcast_in_dim3A_1346 = vector.broadcast %broadcast_in_dim3A_1345 : i32 to vector<16xi32>
      %gather3A_1347 = tpu.vector_load_idx %arg9[%and3A_10, %broadcast_in_dim3A_1346, %sub3A_86] : memref<8x32x128xf32, #tpu.memory_space<vmem>>[vector<16xi32>, vector<16xi32>, vector<16xi32>], vector<16xf32>,
      %gather3A_1348 = tpu.vector_load_idx %arg10[%and3A_10, %broadcast_in_dim3A_1346, %sub3A_87] : memref<8x32x128xf32, #tpu.memory_space<vmem>>[vector<16xi32>, vector<16xi32>, vector<16xi32>], vector<16xf32>,
      %mul3A_1349 = arith.mulf %gather3A_1347, %gather3A_1348 : vector<16xf32>
      %add3A_1350 = arith.addf %add3A_1344, %mul3A_1349 : vector<16xf32>
      %broadcast_in_dim3A_1351 = arith.constant 24 : i32
      %broadcast_in_dim3A_1352 = vector.broadcast %broadcast_in_dim3A_1351 : i32 to vector<16xi32>
      %gather3A_1353 = tpu.vector_load_idx %arg9[%and3A_10, %broadcast_in_dim3A_1352, %sub3A_86] : memref<8x32x128xf32, #tpu.memory_space<vmem>>[vector<16xi32>, vector<16xi32>, vector<16xi32>], vector<16xf32>,
      %gather3A_1354 = tpu.vector_load_idx %arg10[%and3A_10, %broadcast_in_dim3A_1352, %sub3A_87] : memref<8x32x128xf32, #tpu.memory_space<vmem>>[vector<16xi32>, vector<16xi32>, vector<16xi32>], vector<16xf32>,
      %mul3A_1355 = arith.mulf %gather3A_1353, %gather3A_1354 : vector<16xf32>
      %add3A_1356 = arith.addf %add3A_1350, %mul3A_1355 : vector<16xf32>
      %broadcast_in_dim3A_1357 = arith.constant 25 : i32
      %broadcast_in_dim3A_1358 = vector.broadcast %broadcast_in_dim3A_1357 : i32 to vector<16xi32>
      %gather3A_1359 = tpu.vector_load_idx %arg9[%and3A_10, %broadcast_in_dim3A_1358, %sub3A_86] : memref<8x32x128xf32, #tpu.memory_space<vmem>>[vector<16xi32>, vector<16xi32>, vector<16xi32>], vector<16xf32>,
      %gather3A_1360 = tpu.vector_load_idx %arg10[%and3A_10, %broadcast_in_dim3A_1358, %sub3A_87] : memref<8x32x128xf32, #tpu.memory_space<vmem>>[vector<16xi32>, vector<16xi32>, vector<16xi32>], vector<16xf32>,
      %mul3A_1361 = arith.mulf %gather3A_1359, %gather3A_1360 : vector<16xf32>
      %add3A_1362 = arith.addf %add3A_1356, %mul3A_1361 : vector<16xf32>
      %broadcast_in_dim3A_1363 = arith.constant 26 : i32
      %broadcast_in_dim3A_1364 = vector.broadcast %broadcast_in_dim3A_1363 : i32 to vector<16xi32>
      %gather3A_1365 = tpu.vector_load_idx %arg9[%and3A_10, %broadcast_in_dim3A_1364, %sub3A_86] : memref<8x32x128xf32, #tpu.memory_space<vmem>>[vector<16xi32>, vector<16xi32>, vector<16xi32>], vector<16xf32>,
      %gather3A_1366 = tpu.vector_load_idx %arg10[%and3A_10, %broadcast_in_dim3A_1364, %sub3A_87] : memref<8x32x128xf32, #tpu.memory_space<vmem>>[vector<16xi32>, vector<16xi32>, vector<16xi32>], vector<16xf32>,
      %mul3A_1367 = arith.mulf %gather3A_1365, %gather3A_1366 : vector<16xf32>
      %add3A_1368 = arith.addf %add3A_1362, %mul3A_1367 : vector<16xf32>
      %broadcast_in_dim3A_1369 = arith.constant 27 : i32
      %broadcast_in_dim3A_1370 = vector.broadcast %broadcast_in_dim3A_1369 : i32 to vector<16xi32>
      %gather3A_1371 = tpu.vector_load_idx %arg9[%and3A_10, %broadcast_in_dim3A_1370, %sub3A_86] : memref<8x32x128xf32, #tpu.memory_space<vmem>>[vector<16xi32>, vector<16xi32>, vector<16xi32>], vector<16xf32>,
      %gather3A_1372 = tpu.vector_load_idx %arg10[%and3A_10, %broadcast_in_dim3A_1370, %sub3A_87] : memref<8x32x128xf32, #tpu.memory_space<vmem>>[vector<16xi32>, vector<16xi32>, vector<16xi32>], vector<16xf32>,
      %mul3A_1373 = arith.mulf %gather3A_1371, %gather3A_1372 : vector<16xf32>
      %add3A_1374 = arith.addf %add3A_1368, %mul3A_1373 : vector<16xf32>
      %broadcast_in_dim3A_1375 = arith.constant 28 : i32
      %broadcast_in_dim3A_1376 = vector.broadcast %broadcast_in_dim3A_1375 : i32 to vector<16xi32>
      %gather3A_1377 = tpu.vector_load_idx %arg9[%and3A_10, %broadcast_in_dim3A_1376, %sub3A_86] : memref<8x32x128xf32, #tpu.memory_space<vmem>>[vector<16xi32>, vector<16xi32>, vector<16xi32>], vector<16xf32>,
      %gather3A_1378 = tpu.vector_load_idx %arg10[%and3A_10, %broadcast_in_dim3A_1376, %sub3A_87] : memref<8x32x128xf32, #tpu.memory_space<vmem>>[vector<16xi32>, vector<16xi32>, vector<16xi32>], vector<16xf32>,
      %mul3A_1379 = arith.mulf %gather3A_1377, %gather3A_1378 : vector<16xf32>
      %add3A_1380 = arith.addf %add3A_1374, %mul3A_1379 : vector<16xf32>
      %broadcast_in_dim3A_1381 = arith.constant 29 : i32
      %broadcast_in_dim3A_1382 = vector.broadcast %broadcast_in_dim3A_1381 : i32 to vector<16xi32>
      %gather3A_1383 = tpu.vector_load_idx %arg9[%and3A_10, %broadcast_in_dim3A_1382, %sub3A_86] : memref<8x32x128xf32, #tpu.memory_space<vmem>>[vector<16xi32>, vector<16xi32>, vector<16xi32>], vector<16xf32>,
      %gather3A_1384 = tpu.vector_load_idx %arg10[%and3A_10, %broadcast_in_dim3A_1382, %sub3A_87] : memref<8x32x128xf32, #tpu.memory_space<vmem>>[vector<16xi32>, vector<16xi32>, vector<16xi32>], vector<16xf32>,
      %mul3A_1385 = arith.mulf %gather3A_1383, %gather3A_1384 : vector<16xf32>
      %add3A_1386 = arith.addf %add3A_1380, %mul3A_1385 : vector<16xf32>
      %broadcast_in_dim3A_1387 = arith.constant 30 : i32
      %broadcast_in_dim3A_1388 = vector.broadcast %broadcast_in_dim3A_1387 : i32 to vector<16xi32>
      %gather3A_1389 = tpu.vector_load_idx %arg9[%and3A_10, %broadcast_in_dim3A_1388, %sub3A_86] : memref<8x32x128xf32, #tpu.memory_space<vmem>>[vector<16xi32>, vector<16xi32>, vector<16xi32>], vector<16xf32>,
      %gather3A_1390 = tpu.vector_load_idx %arg10[%and3A_10, %broadcast_in_dim3A_1388, %sub3A_87] : memref<8x32x128xf32, #tpu.memory_space<vmem>>[vector<16xi32>, vector<16xi32>, vector<16xi32>], vector<16xf32>,
      %mul3A_1391 = arith.mulf %gather3A_1389, %gather3A_1390 : vector<16xf32>
      %add3A_1392 = arith.addf %add3A_1386, %mul3A_1391 : vector<16xf32>
      %broadcast_in_dim3A_1393 = arith.constant 31 : i32
      %broadcast_in_dim3A_1394 = vector.broadcast %broadcast_in_dim3A_1393 : i32 to vector<16xi32>
      %gather3A_1395 = tpu.vector_load_idx %arg9[%and3A_10, %broadcast_in_dim3A_1394, %sub3A_86] : memref<8x32x128xf32, #tpu.memory_space<vmem>>[vector<16xi32>, vector<16xi32>, vector<16xi32>], vector<16xf32>,
      %gather3A_1396 = tpu.vector_load_idx %arg10[%and3A_10, %broadcast_in_dim3A_1394, %sub3A_87] : memref<8x32x128xf32, #tpu.memory_space<vmem>>[vector<16xi32>, vector<16xi32>, vector<16xi32>], vector<16xf32>,
      %mul3A_1397 = arith.mulf %gather3A_1395, %gather3A_1396 : vector<16xf32>
      %add3A_1398 = arith.addf %add3A_1392, %mul3A_1397 : vector<16xf32>
      %select_n3A_1399 = arith.select %lt3A_13, %add3A_740, %add3A_1398 : vector<16xi1>, vector<16xf32>
      %swap3A = arith.index_cast %mul3A_21 : i32 to index
      %swap3A_1400 = tpu.vector_load %arg11[%swap3A] {strides = array<i32>} : memref<512xf32, #tpu.memory_space<vmem>>, vector<16xf32>,
      tpu.vector_store %arg11[%swap3A], %select_n3A_1399 {strides = array<i32>} : memref<512xf32, #tpu.memory_space<vmem>>, vector<16xf32>,
    }
    %scan3A_18 = arith.constant 32 : i32
    "tpu.region"() ({
      %run_scoped3A = tpu.sem_alloc : memref<!tpu.dma_semaphore, #tpu.memory_space<semaphore_mem>>
      %dma_start3A_19 = tpu.memref_slice %arg6[%mul3A_2] : memref<16384xf32, #tpu.memory_space<hbm>> -> memref<512xf32, #tpu.memory_space<hbm>>
      %dma_start3A_20 = tpu.memref_slice %arg6[%mul3A_2] : memref<16384xf32, #tpu.memory_space<hbm>> -> memref<512xf32, #tpu.memory_space<hbm>>
      tpu.enqueue_dma source(%arg11 : memref<512xf32, #tpu.memory_space<vmem>>) target(%dma_start3A_20 : memref<512xf32, #tpu.memory_space<hbm>>) target_semaphore(%run_scoped3A : memref<!tpu.dma_semaphore, #tpu.memory_space<semaphore_mem>>)
      %dma_wait3A_21 = tpu.memref_slice %arg6[%mul3A_2] : memref<16384xf32, #tpu.memory_space<hbm>> -> memref<512xf32, #tpu.memory_space<hbm>>
      %dma_wait3A_22 = tpu.memref_slice %arg6[%mul3A_2] : memref<16384xf32, #tpu.memory_space<hbm>> -> memref<512xf32, #tpu.memory_space<hbm>>
      tpu.wait_dma2 semaphore(%run_scoped3A : memref<!tpu.dma_semaphore, #tpu.memory_space<semaphore_mem>>) src(%arg11 : memref<512xf32, #tpu.memory_space<vmem>>) dst(%dma_wait3A_22 : memref<512xf32, #tpu.memory_space<hbm>>)
      tpu.yield
    }) : () -> ()
    return
  }
}

</mosaic_0001>

<sc_bundles>
// kernel: kernel.4.cloned.1.call-start
scs
__scs_entry_jumppad:
0x0: {  	(pc) =	sbr.rel $0x88, $3  }
0x1: {  	(tag) =	ssettag $0x0;
	lr =	simm.s32 $0x1  }
0x2: {  	[smem:$0x3F9A] =	sst lr;
	_ =	strace $0xD0000000  }
0x3: {  	_ = 	snop  }
0x4: {  	_ = 	snop  }
0x5: {  	_ = 	snop  }
0x6: {  	_ = 	snop  }
0x7: {  	_ = 	snop  }
__scs_overlays_trampoline_lowered:
0x8: {  	[smem:$0x3FA9] =	sst s0  }
0x9: {  	[smem:$0x3FAA] =	sst s1  }
0xa: {  	[smem:$0x3FAB] =	sst s2  }
0xb: {  	[smem:$0x3FAC] =	sst s3  }
0xc: {  	[smem:$0x3FAD] =	sst s4  }
0xd: {  	[smem:$0x3FAE] =	sst s5  }
0xe: {  	[smem:$0x3FAF] =	sst s6  }
0xf: {  	[smem:$0x3FB0] =	sst s7  }
0x10: {  	[smem:$0x3FB1] =	sst s8  }
0x11: {  	[smem:$0x3FB2] =	sst s9;
	s0 =	simm.s32 @!p0 $0x0  }
0x12: {  	s1 =	sld [smem:$0x3F98];
	s0 =	simm.s32 @p0 $0x1  }
0x13: {  	[smem:$0x3FB3] =	sst s0;
	s0 =	simm.s32 @!p1 $0x0  }
0x14: {  	s2 =	sld [smem:$0x3F97];
	s0 =	simm.s32 @p1 $0x1  }
0x15: {  	[smem:$0x3FB4] =	sst s0;
	s0 =	simm.s32 @!p2 $0x0  }
0x16: {  	s3 =	sld [smem:$0x3FDB];
	s0 =	simm.s32 @p2 $0x1  }
0x17: {  	s4 =	simm.s32 $0x1BF5;
	[smem:$0x3FB6] =	sst s0  }
0x18: {  	s0 =	sld [smem:$0x3F99];
	_ =	swait.ge [sflag:s4], $0x0  }
0x19: {  	s7 =	sld [smem:$0x3F9A]  }
0x1a: {  	s8 =	sadd.s32 $0xFFFFE003, lr  }
0x1b: {  	s9 =	sadd.s32 $0xFFFFFEF7, lr;
	s5 =	simm.s32 $0xFFFFFFFF;
	p2 =	slt.u32 s8, $0xFFFFF086  }
0x1c: {  	p1 =	slt.u32 s9, $0xF7A;
	s5 =	simm.s32 @!p2 $0x0  }
0x1d: {  	s5 =	simm.s32 @p1 $0x1;
	p0 =	seq.s32 s7, s2  }
0x1e: {  	s7 =	smul.u32 @!p0 $0xF7A, s2;
	p2 =	seq.s32 @!p0 s5, $0x0  }
0x1f: {  	s9 =	smul.u32 $0xF7A, s1;
	s8 =	simm.s32 @!p0 $0x1BF5;
	p2 =	por !p2, p0  }
0x20: {  	[sflag:s8] =	ssyncset.s32 @!p0 $0xFFFFF086;
	s6 =	sadd.s32 @!p0 s3, s7;
	s7 =	simm.s32 @!p0 $0x108  }
0x21: {  	s3 =	sadd.s32 s3, s9;
	s6 =	sadd.s32 @!p0 $0x88, s6;
	s7 =	simm.s32 @p2 $0x1082  }
0x22: {  	[simem:s7], [sflag:s8] =	dma.local @!p0 [hbm:s6], $0xF7A  }
0x23: {  	s9 =	sor.u32 $0xD0000000, s2;
	s6 =	simm.s32 $0x108;
	_ =	swait.ge @!p0 [sflag:s8], $0x0  }
0x24: {  	s3 =	sadd.s32 $0x88, s3;
	s6 =	simm.s32 @!p1 $0x1082;
	[sflag:s4] =	ssyncset.s32 $0xFFFFF086  }
0x25: {  	[simem:s6], [sflag:s4] =	dma.local [hbm:s3], $0xF7A  }
0x26: {  	[smem:$0x3F9A] =	sst s1;
	(tag) =	ssettag s2;
	_ =	strace s9  }
0x27: {  	s1 =	sld [smem:$0x3FAA]  }
0x28: {  	s2 =	sld [smem:$0x3FAB]  }
0x29: {  	s4 =	sld [smem:$0x3FAD]  }
0x2a: {  	p0 =	seq.s32 s5, $0x0;
	s5 =	sld [smem:$0x3FAE]  }
0x2b: {  	s6 =	sld [smem:$0x3FAF]  }
0x2c: {  	s7 =	sld [smem:$0x3FB0]  }
0x2d: {  	s3 =	simm.s32 $0x108;
	s8 =	sld [smem:$0x3FB1]  }
0x2e: {  	s3 =	simm.s32 @!p0 $0x1082;
	s9 =	sld [smem:$0x3FB2]  }
0x2f: {  	lr =	sadd.s32 s0, s3;
	s0 =	sld [smem:$0x3FA9]  }
0x30: {  	s3 =	sld [smem:$0x3FAC]  }
0x31: {  	[smem:$0x3FB5] =	sst s10  }
0x32: {  	s10 =	sld [smem:$0x3FB3];
	_ =	sdelay $0x3  }
0x33: {  	p0 =	seq.s32 s10, $0x1;
	s10 =	sld [smem:$0x3FB5];
	_ =	sdelay $0x3  }
0x34: {  	[smem:$0x3FB5] =	sst s10  }
0x35: {  	s10 =	sld [smem:$0x3FB4];
	_ =	sdelay $0x3  }
0x36: {  	p1 =	seq.s32 s10, $0x1;
	s10 =	sld [smem:$0x3FB5];
	_ =	sdelay $0x3  }
0x37: {  	[smem:$0x3FB5] =	sst s10  }
0x38: {  	s10 =	sld [smem:$0x3FB6]  }
0x39: {  	_ = 	snop;
	(pc) =	sbr.ind lr, $3  }
0x3a: {  	_ = 	snop  }
0x3b: {  	_ = 	snop  }
0x3c: {  	p2 =	seq.s32 s10, $0x1;
	s10 =	sld [smem:$0x3FB5]  }
0x3d: {  	_ =	shalt  }
0x3e: {  	_ =	shalt  }
0x3f: {  	_ =	shalt  }
0x40: {  	_ =	shalt  }
0x41: {  	_ =	shalt  }
0x42: {  	_ =	shalt  }
0x43: {  	_ =	shalt  }
0x44: {  	_ =	shalt  }
0x45: {  	_ =	shalt  }
0x46: {  	_ =	shalt  }
0x47: {  	_ =	shalt  }
0x48: {  	_ =	shalt  }
0x49: {  	_ =	shalt  }
0x4a: {  	_ =	shalt  }
0x4b: {  	_ =	shalt  }
0x4c: {  	_ =	shalt  }
0x4d: {  	_ =	shalt  }
0x4e: {  	_ =	shalt  }
0x4f: {  	_ =	shalt  }
0x50: {  	_ =	shalt  }
0x51: {  	_ =	shalt  }
0x52: {  	_ =	shalt  }
0x53: {  	_ =	shalt  }
0x54: {  	_ =	shalt  }
0x55: {  	_ =	shalt  }
0x56: {  	_ =	shalt  }
0x57: {  	_ =	shalt  }
0x58: {  	_ =	shalt  }
0x59: {  	_ =	shalt  }
0x5a: {  	_ =	shalt  }
0x5b: {  	_ =	shalt  }
0x5c: {  	_ =	shalt  }
0x5d: {  	_ =	shalt  }
0x5e: {  	_ =	shalt  }
0x5f: {  	_ =	shalt  }
0x60: {  	_ =	shalt  }
0x61: {  	_ =	shalt  }
0x62: {  	_ =	shalt  }
0x63: {  	_ =	shalt  }
0x64: {  	_ =	shalt  }
0x65: {  	_ =	shalt  }
0x66: {  	_ =	shalt  }
0x67: {  	_ =	shalt  }
0x68: {  	_ =	shalt  }
0x69: {  	_ =	shalt  }
0x6a: {  	_ =	shalt  }
0x6b: {  	_ =	shalt  }
0x6c: {  	_ =	shalt  }
0x6d: {  	_ =	shalt  }
0x6e: {  	_ =	shalt  }
0x6f: {  	_ =	shalt  }
0x70: {  	_ =	shalt  }
0x71: {  	_ =	shalt  }
0x72: {  	_ =	shalt  }
0x73: {  	_ =	shalt  }
0x74: {  	_ =	shalt  }
0x75: {  	_ =	shalt  }
0x76: {  	_ =	shalt  }
0x77: {  	_ =	shalt  }
0x78: {  	_ =	shalt  }
0x79: {  	_ =	shalt  }
0x7a: {  	_ =	shalt  }
0x7b: {  	_ =	shalt  }
0x7c: {  	_ =	shalt  }
0x7d: {  	_ =	shalt  }
0x7e: {  	_ =	shalt  }
0x7f: {  	_ =	shalt  }
0x80: {  	_ =	shalt  }
0x81: {  	_ =	shalt  }
0x82: {  	_ =	shalt  }
0x83: {  	_ =	shalt  }
0x84: {  	_ =	shalt  }
0x85: {  	_ =	shalt  }
0x86: {  	_ =	shalt  }
0x87: {  	_ =	shalt  }
.Lfunc_end0:
.L_simem_size_0:
called_computation_lowered:
.L_overlay_start_0:
0x88: {  	s2 =	sld [smem:$0x3FD9]  }
0x89: {  	s3 =	sld [smem:$0x3FFE];
	_ =	sdelay $0x1  }
0x8a: {  	s1 =	srdreg.scid  }
0x8b: {  	s0 =	sand.u32 $0x1, s1  }
0x8c: {  	s18 =	sshll.u32 s0, $0xA;
	s2 =	sadd.s32 s3, s2  }
0x8d: {  	s2 =	sadd.s32 s2, s18  }
0x8e: {  	[smem:$0x3FC1] =	sst s2  }
0x8f: {  	_ = 	snop  }
0x90: {  	s19 =	sld [smem:$0x3FC9]  }
0x91: {  	s4 =	sld [smem:$0x3FC8]  }
0x92: {  	s5 =	sld [smem:$0x3FC7]  }
0x93: {  	s6 =	sld [smem:$0x3FC6]  }
0x94: {  	s7 =	sld [smem:$0x3FD0];
	(tm) =	ssettm $0x1  }
0x95: {  	s20 =	sld [smem:$0x3FFB];
	_ =	sdelay $0x3  }
0x96: {  	_ =	strace s20  }
0x97: {  	s2 =	sld [smem:$0x3FFC];
	_ =	sdelay $0x3  }
0x98: {  	_ =	strace s2  }
0x99: {  	s2 =	sld [smem:$0x3FFD];
	_ =	sdelay $0x3  }
0x9a: {  	_ =	strace s2  }
0x9b: {  	_ =	strace $0x8FFFFFFF  }
0x9c: {  	s21 =	sld [smem:$0x3FDB];
	_ =	sdelay $0x1  }
0x9d: {  	s8 =	simm.s32 $_scs_section_size  }
0x9e: {  	s9 =	simm.s32 $_size__tile_overlayer_lowered;
	s10 =	simm.s32 $_tile_overlayer_lowered  }
0x9f: {  	s11 =	simm.s32 $0x1BFF;
	s22 =	sshll.u32 s10, $0x1;
	s8 =	sadd.s32 s8, s21  }
0xa0: {  	s23 =	simm.s32 $0x0;
	s9 =	sshll.u32 s9, $0x1;
	s10 =	sadd.s32 s22, s8  }
0xa1: {  	[timem:s23], [sflag:s11] =	dma.local [hbm:s10], s9  }
0xa2: {  	_ =	swait.ge [sflag:s11], s9  }
0xa3: {  	s9 =	ssub.s32 $0x0, s9;
	[sflag:s11] =	ssyncset.done $0x0  }
0xa4: {  	[sflag:s11] =	ssyncadd.s32 s9;
	_ =	sdelay $0x1  }
0xa5: {  	s24 =	simm.s32 $0x1B8B  }
0xa6: {  	_ =	swait.ge [sflag:s24], $0x1  }
0xa7: {  	[sflag:s24] =	ssyncset.done $0x0  }
0xa8: {  	[sflag:s24] =	ssyncadd.s32 $0xFFFFFFFF  }
0xa9: {  	s9 =	sld [smem:$0x0]  }
0xaa: {  	s10 =	sand.u32 $0xFFFFFFFE, s1  }
0xab: {  	p0 =	sne.s32 s1, s10  }
0xac: {  	s10 =	sshll.u32 @p0 s10, $0xE  }
0xad: {  	s10 =	sadd.s32 @p0 $0x11B8D, s10;
	s11 =	sshll.u32 @p0 s9, $0x11  }
0xae: {  	s10 =	sor.u32 @p0 s11, s10  }
0xaf: {  	[sflag:s10] =	ssyncadd.remote.s32 @p0 $0x1;
	_ =	sdelay $0x1  }
0xb0: {  	s10 =	simm.s32 @p0 $0x1B8D  }
0xb1: {  	_ =	swait.eq @p0 [sflag:s10], $0x1  }
0xb2: {  	[sflag:s10] =	ssyncadd.s32 @p0 $0xFFFFFFFF  }
0xb3: {  	s11 =	sshll.u32 @!p0 s1, $0xE  }
0xb4: {  	s11 =	sor.u32 @!p0 $0x4000, s11;
	s10 =	simm.s32 @!p0 $0x1B8D  }
0xb5: {  	s9 =	sshll.u32 @!p0 s9, $0x11;
	s11 =	sadd.s32 @!p0 $0x11B8D, s11;
	_ =	swait.eq @!p0 [sflag:s10], $0x1  }
0xb6: {  	s9 =	sor.u32 @!p0 s9, s11;
	[sflag:s10] =	ssyncadd.s32 @!p0 $0xFFFFFFFF  }
0xb7: {  	s25 =	simm.s32 $0x1B8E;
	[sflag:s9] =	ssyncadd.remote.s32 @!p0 $0x1  }
0xb8: {  	s26 =	simm.s32 $execute0_lowered;
	[smem:$0x3FD2] =	sst s25  }
0xb9: {  	s9 =	sshll.u32 s26, $0x1;
	_ =	strace $0x80000049;
	[dreg:$0x1] =	wrdreg $0xFFFFFFFF  }
0xba: {  	s28 =	simm.s32 $_size_execute0_lowered;
	s8 =	sadd.s32 s8, s9;
	[dreg:$0x0] =	wrdreg $0x0  }
0xbb: {  	s9 =	sshll.u32 s28, $0x1;
	[dreg:$0x2] =	wrdreg s8  }
0xbc: {  	[dreg:$0x3] =	wrdreg s9  }
0xbd: {  	[dreg:$0x4] =	wrdreg $0xC0  }
0xbe: {  	_ =	task [dreg:s23], $0x5FFFF  }
0xbf: {  	[dreg:$0x1] =	wrdreg $0xFFFFFFFF  }
0xc0: {  	[dreg:$0x0] =	wrdreg $0x60  }
0xc1: {  	[dreg:$0x2] =	wrdreg s19  }
0xc2: {  	[dreg:$0x3] =	wrdreg s4  }
0xc3: {  	[dreg:$0x4] =	wrdreg s5  }
0xc4: {  	[dreg:$0x5] =	wrdreg s6  }
0xc5: {  	[dreg:$0x6] =	wrdreg s7  }
0xc6: {  	[dreg:$0x7] =	wrdreg $0x9  }
0xc7: {  	_ =	task.clear_ibuf [dreg:s23], $0x8FFFF;
	_ =	strace $0x90000049  }
0xc8: {  	s29 =	simm.s32 $0x9;
	_ =	strace $0x8000004B  }
0xc9: {  	_ =	swait.ge [sflag:s29], $0x1  }
0xca: {  	[sflag:s29] =	ssyncadd.s32 $0xFFFFFFFF  }
0xcb: {  	_ =	strace $0x9000004B  }
0xcc: {  	_ =	sfence  }
0xcd: {  	s30 =	sld [smem:$0x0];
	_ =	sdelay $0x2  }
0xce: {  	s31 =	sshll.u32 s1, $0xD;
	s1 =	sshrl.u32 s1, $0x2  }
0xcf: {  	s4 =	sand.u32 $0x4000, s31;
	s1 =	sadd.s32 s1, s30  }
0xd0: {  	s0 =	sor.u32 s4, s0;
	s1 =	sshll.u32 s1, $0x11  }
0xd1: {  	s0 =	sor.u32 s1, s0  }
0xd2: {  	s0 =	sadd.s32 $0x8F2B, s0  }
0xd3: {  	[sflag:s0] =	ssyncadd.remote.s32 $0x1  }
0xd4: {  	_ =	sfence.sel $0xFFFF  }
0xd5: {  	[dreg:$0x0] =	wrdreg $0xFFFFFFFF;
	(pc) =	sbr.abs _section_cstart, $3  }
0xd6: {  	[dreg:$0x1] =	wrdreg $0xFFFFFFFF  }
0xd7: {  	_ =	task.clear_ibuf [dreg:s23], $0x2FFFF;
	_ =	strace $0x9FFFFFFF  }
0xd8: {  	(tm) =	ssettm $0x7FFFFFFF  }
0xd9: {  	_ =	shalt  }
tec
execute0_lowered:
.L_overlay_start_1:
0x0: {  	(tag) =	ssettag $0x1  }
0x1: {  	s0 =	rddreg [dreg:$0x0]  }
0x2: {  	s4 =	rddreg [dreg:$0x1]  }
0x3: {  	s1 =	rddreg [dreg:$0x2]  }
0x4: {  	s24 =	rddreg [dreg:$0x3];
	v0 =	vlaneseq.u32  }
0x5: {  	[dreg:$0x6] =	wrdreg s1;
	v0 =	vand.u32 $0x7, v0  }
0x6: {  	s2 =	simm.s32 $0x0;
	[dreg:$0x7] =	wrdreg s24;
	v7 =	vmul.u32 $0x1000, v0  }
0x7: {  	[smem:$0x7FF] =	sst s2  }
0x8: {  	s5 =	rddreg [dreg:$0x4];
	_ =	strace $0x8000004A;
	v0 =	vor.u32 $0xB80, v7;
	[tilespmem:$0x1FF90] =	vst v7  }
0x9: {  	v51 =	vor.u32 $0xC00, v7;
	[tilespmem:$0x1FF00] =	vst v0  }
0xa: {  	v53 =	vor.u32 $0xC80, v7;
	[tilespmem:$0x1FF10] =	vst v51  }
0xb: {  	v54 =	vor.u32 $0xD00, v7;
	[tilespmem:$0x1FF20] =	vst v53  }
0xc: {  	s25 =	srdreg.scid;
	s26 =	stileid.u32;
	v56 =	vor.u32 $0xD80, v7;
	[tilespmem:$0x1FF30] =	vst v54  }
0xd: {  	s10 =	simm.s32 $0x400;
	s11 =	simm.s32 $0x8400;
	s12 =	simm.s32 $0x1400;
	v57 =	vor.u32 $0xE00, v7;
	[tilespmem:$0x1FF40] =	vst v56  }
0xe: {  	s13 =	simm.s32 $0x9400;
	s14 =	simm.s32 $0x2400;
	s15 =	simm.s32 $0xA400;
	v59 =	vor.u32 $0xE80, v7;
	[tilespmem:$0x1FF50] =	vst v57  }
0xf: {  	v8 =	vimm.s32 $0x0;
	s16 =	simm.s32 $0x3400;
	s17 =	simm.s32 $0xB400;
	s18 =	simm.s32 $0x4400;
	v60 =	vor.u32 $0xF00, v7;
	[tilespmem:$0x1FF60] =	vst v59  }
0x10: {  	s19 =	simm.s32 $0xC400;
	s20 =	simm.s32 $0x5400;
	s21 =	simm.s32 $0xD400;
	vm0 =	vmmov $0xff;
	v9 =	vor.u32 $0x80, v7;
	v62 =	vor.u32 $0xF80, v7;
	[tilespmem:$0x1FF70] =	vst v60  }
0x11: {  	s9 =	simm.s32 $0x1;
	s22 =	simm.s32 $0x6400;
	s23 =	simm.s32 $0xE400;
	v11 =	vor.u32 $0x100, v7;
	v14 =	vor.u32 $0x180, v7;
	v15 =	vor.u32 $0x200, v7;
	[tilespmem:$0x1FF80] =	vst v62  }
0x12: {  	s28 =	simm.s32 $0x10400;
	s29 =	simm.s32 $0x3;
	s30 =	simm.s32 $0x0;
	v17 =	vor.u32 $0x280, v7;
	v18 =	vor.u32 $0x300, v7;
	v19 =	vor.u32 $0x380, v7;
	[tilespmem:$0x1FFA0] =	vst v9  }
0x13: {  	s3 =	sand.u32 $0x1, s25;
	s8 =	sshll.u32 s26, $0x7;
	s24 =	simm.s32 $0x7400;
	v22 =	vor.u32 $0x400, v7;
	v25 =	vor.u32 $0x480, v7;
	v28 =	vor.u32 $0x500, v7;
	[tilespmem:$0x1FFB0] =	vst v11  }
0x14: {  	s25 =	simm.s32 $0xF400;
	s6 =	ssub.s32 $0x2, s3;
	s3 =	sshll.u32 s3, $0x6;
	v31 =	vor.u32 $0x580, v7;
	v34 =	vor.u32 $0x600, v7;
	v37 =	vor.u32 $0x680, v7;
	[tilespmem:$0x1FFC0] =	vst v14  }
0x15: {  	s26 =	simm.s32 $0x2;
	s7 =	sshrl.u32 s6, $0x1;
	s31 =	sor.u32 s3, s8;
	v40 =	vor.u32 $0x700, v7;
	v43 =	vor.u32 $0x780, v7;
	v46 =	vor.u32 $0x800, v7;
	[tilespmem:$0x1FFD0] =	vst v15  }
0x16: {  	s8 =	simm.s32 $0x7A1400;
	s6 =	ssub.s32 s6, s7;
	s3 =	sadd.s32 s0, s31;
	v49 =	vor.u32 $0x880, v7;
	v52 =	vor.u32 $0x900, v7;
	v55 =	vor.u32 $0x980, v7;
	[tilespmem:$0x1FFE0] =	vst v17  }
0x17: {  	s4 =	sadd.s32 s4, s31;
	s5 =	sadd.s32 s5, s31;
	v58 =	vor.u32 $0xA00, v7;
	v61 =	vor.u32 $0xA80, v7;
	v63 =	vor.u32 $0xB00, v7;
	s6 =	smax.u32 s6, $0x1;
	[tilespmem:$0x1FFF0] =	vst v18  }
.LBB2_1:
0x18: {  	[tilespmem:s2], [sflag:$0x1] =	stream.linear.gather [hbm4b:s3+s2], $0x200, $0x38;
	[tilespmem:$0x10600] =	vst v63  }
0x19: {  	s0 =	simm.s32 $0x200  }
0x1a: {  	[tilespmem:s0], [sflag:$0x1] =	stream.linear.gather [hbm4b:s4+s2], $0x200, $0x38;
	[tilespmem:$0x10600] =	vst v63  }
0x1b: {  	_ =	swait.ge [sflag:s9], $0x200  }
0x1c: {  	[sflag:s9] =	ssyncset.done $0x0  }
0x1d: {  	[sflag:s9] =	ssyncadd.s32 $0xFFFFFE00  }
0x1e: {  	_ =	swait.ge [sflag:s9], $0x200  }
0x1f: {  	[sflag:s9] =	ssyncset.done $0x0  }
0x20: {  	s31 =	simm.s32 $0x0;
	[sflag:s9] =	ssyncadd.s32 $0xFFFFFE00  }
.LBB2_2:
0x21: {  	s0 =	sshra.s32 s31, $0x2  }
0x22: {  	v0 =	vld [tilespmem:s0+$0x0]  }
0x23: {  	v1 =	vld [tilespmem:s0+$0x200];
	_ =	sdelay $0x3  }
0x24: {  	v2 =	vshra.s32 v0, $0x1F;
	v3 =	vand.u32 $0x7F, v0  }
0x25: {  	vm1 =	vlt.s32 v0, $0x1;
	v5 =	vshra.s32 v1, $0x1F;
	v6 =	vand.u32 $0x7F, v1  }
0x26: {  	v2 =	vshrl.u32 v2, $0x19;
	vm2 =	vne.s32 v3, $0x0;
	v5 =	vshrl.u32 v5, $0x19  }
0x27: {  	v2 =	vadd.s32 v2, v0;
	vm1 =	vmand vm1, vm2;
	vm2 =	vne.s32 v6, $0x0  }
0x28: {  	v2 =	vshrl.u32 v2, $0x7;
	v4 =	vsel vm1, $0xFFFFFFFF, v8;
	vm1 =	vlt.s32 v1, $0x1  }
0x29: {  	v2 =	vadd.s32 v4, v2;
	v4 =	vadd.s32 v5, v1;
	vm1 =	vmand vm1, vm2  }
0x2a: {  	s1 =	rddreg [dreg:$0x6];
	v2 =	vshll.u32 v2, $0x7;
	v4 =	vshrl.u32 v4, $0x7;
	v5 =	vsel vm1, $0xFFFFFFFF, v8  }
0x2b: {  	v12 =	vadd.s32 s1, v2;
	v4 =	vadd.s32 v5, v4  }
0x2c: {  	s7 =	rddreg [dreg:$0x7];
	v4 =	vshll.u32 v4, $0x7;
	(v2sf) =	vpush v12, $0x0  }
0x2d: {  	v16 =	vadd.s32 s7, v4  }
0x2e: {  	(v2sf) =	vpush v16, $0x0;
	_ =	sdelay $0x1  }
0x2f: {  	(v2sf) =	vpush v12, $0x1;
	_ =	sdelay $0x1  }
0x30: {  	(v2sf) =	vpush v16, $0x1;
	_ =	sdelay $0x1  }
0x31: {  	(v2sf) =	vpush v12, $0x2;
	_ =	sdelay $0x1  }
0x32: {  	(v2sf) =	vpush v16, $0x2;
	_ =	sdelay $0x1  }
0x33: {  	(v2sf) =	vpush v12, $0x3;
	_ =	sdelay $0x1  }
0x34: {  	(v2sf) =	vpush v16, $0x3  }
0x35: {  	s7 =	spop (v2sf)  }
0x36: {  	(v2sf) =	vpush v12, $0x4;
	[tilespmem:s10], [sflag:$0x2] =	stream.strided.gather [hbm4b:s7+s10], $0x1000, s8, s10, $0x38;
	[tilespmem:$0x10600] =	vst v63  }
0x37: {  	s7 =	spop (v2sf)  }
0x38: {  	(v2sf) =	vpush v16, $0x4;
	[tilespmem:s11], [sflag:$0x2] =	stream.strided.gather [hbm4b:s7+s10], $0x1000, s8, s10, $0x38;
	[tilespmem:$0x10600] =	vst v63  }
0x39: {  	s7 =	spop (v2sf)  }
0x3a: {  	(v2sf) =	vpush v12, $0x5;
	[tilespmem:s12], [sflag:$0x2] =	stream.strided.gather [hbm4b:s7+s10], $0x1000, s8, s10, $0x38;
	[tilespmem:$0x10600] =	vst v63  }
0x3b: {  	s7 =	spop (v2sf)  }
0x3c: {  	(v2sf) =	vpush v16, $0x5;
	[tilespmem:s13], [sflag:$0x2] =	stream.strided.gather [hbm4b:s7+s10], $0x1000, s8, s10, $0x38;
	[tilespmem:$0x10600] =	vst v63  }
0x3d: {  	s7 =	spop (v2sf)  }
0x3e: {  	(v2sf) =	vpush v12, $0x6;
	[tilespmem:s14], [sflag:$0x2] =	stream.strided.gather [hbm4b:s7+s10], $0x1000, s8, s10, $0x38;
	[tilespmem:$0x10600] =	vst v63  }
0x3f: {  	s7 =	spop (v2sf)  }
0x40: {  	(v2sf) =	vpush v16, $0x6;
	[tilespmem:s15], [sflag:$0x2] =	stream.strided.gather [hbm4b:s7+s10], $0x1000, s8, s10, $0x38;
	[tilespmem:$0x10600] =	vst v63  }
0x41: {  	s7 =	spop (v2sf)  }
0x42: {  	(v2sf) =	vpush v12, $0x7;
	[tilespmem:s16], [sflag:$0x2] =	stream.strided.gather [hbm4b:s7+s10], $0x1000, s8, s10, $0x38;
	[tilespmem:$0x10600] =	vst v63  }
0x43: {  	s7 =	spop (v2sf)  }
0x44: {  	(v2sf) =	vpush v16, $0x7;
	[tilespmem:s17], [sflag:$0x2] =	stream.strided.gather [hbm4b:s7+s10], $0x1000, s8, s10, $0x38;
	[tilespmem:$0x10600] =	vst v63  }
0x45: {  	s7 =	spop (v2sf)  }
0x46: {  	[tilespmem:s18], [sflag:$0x2] =	stream.strided.gather [hbm4b:s7+s10], $0x1000, s8, s10, $0x38;
	[tilespmem:$0x10600] =	vst v63  }
0x47: {  	s7 =	spop (v2sf)  }
0x48: {  	[tilespmem:s19], [sflag:$0x2] =	stream.strided.gather [hbm4b:s7+s10], $0x1000, s8, s10, $0x38;
	[tilespmem:$0x10600] =	vst v63  }
0x49: {  	s7 =	spop (v2sf)  }
0x4a: {  	[tilespmem:s20], [sflag:$0x2] =	stream.strided.gather [hbm4b:s7+s10], $0x1000, s8, s10, $0x38;
	[tilespmem:$0x10600] =	vst v63  }
0x4b: {  	s7 =	spop (v2sf)  }
0x4c: {  	[tilespmem:s21], [sflag:$0x2] =	stream.strided.gather [hbm4b:s7+s10], $0x1000, s8, s10, $0x38;
	[tilespmem:$0x10600] =	vst v63  }
0x4d: {  	s7 =	spop (v2sf)  }
0x4e: {  	[tilespmem:s22], [sflag:$0x2] =	stream.strided.gather [hbm4b:s7+s10], $0x1000, s8, s10, $0x38;
	[tilespmem:$0x10600] =	vst v63  }
0x4f: {  	s7 =	spop (v2sf)  }
0x50: {  	[tilespmem:s23], [sflag:$0x2] =	stream.strided.gather [hbm4b:s7+s10], $0x1000, s8, s10, $0x38;
	[tilespmem:$0x10600] =	vst v63  }
0x51: {  	s7 =	spop (v2sf)  }
0x52: {  	[tilespmem:s24], [sflag:$0x2] =	stream.strided.gather [hbm4b:s7+s10], $0x1000, s8, s10, $0x38;
	[tilespmem:$0x10600] =	vst v63  }
0x53: {  	s7 =	spop (v2sf)  }
0x54: {  	[tilespmem:s25], [sflag:$0x2] =	stream.strided.gather [hbm4b:s7+s10], $0x1000, s8, s10, $0x38;
	[tilespmem:$0x10600] =	vst v63  }
0x55: {  	_ =	swait.ge [sflag:s26], $0x1000  }
0x56: {  	[sflag:s26] =	ssyncset.done $0x0  }
0x57: {  	[sflag:s26] =	ssyncadd.s32 $0xFFFFF000  }
0x58: {  	_ =	swait.ge [sflag:s26], $0x1000  }
0x59: {  	[sflag:s26] =	ssyncset.done $0x0  }
0x5a: {  	[sflag:s26] =	ssyncadd.s32 $0xFFFFF000  }
0x5b: {  	_ =	swait.ge [sflag:s26], $0x1000  }
0x5c: {  	[sflag:s26] =	ssyncset.done $0x0  }
0x5d: {  	[sflag:s26] =	ssyncadd.s32 $0xFFFFF000  }
0x5e: {  	_ =	swait.ge [sflag:s26], $0x1000  }
0x5f: {  	[sflag:s26] =	ssyncset.done $0x0  }
0x60: {  	[sflag:s26] =	ssyncadd.s32 $0xFFFFF000  }
0x61: {  	_ =	swait.ge [sflag:s26], $0x1000  }
0x62: {  	[sflag:s26] =	ssyncset.done $0x0  }
0x63: {  	[sflag:s26] =	ssyncadd.s32 $0xFFFFF000  }
0x64: {  	_ =	swait.ge [sflag:s26], $0x1000  }
0x65: {  	[sflag:s26] =	ssyncset.done $0x0  }
0x66: {  	[sflag:s26] =	ssyncadd.s32 $0xFFFFF000  }
0x67: {  	_ =	swait.ge [sflag:s26], $0x1000  }
0x68: {  	[sflag:s26] =	ssyncset.done $0x0  }
0x69: {  	[sflag:s26] =	ssyncadd.s32 $0xFFFFF000  }
0x6a: {  	_ =	swait.ge [sflag:s26], $0x1000  }
0x6b: {  	[sflag:s26] =	ssyncset.done $0x0  }
0x6c: {  	[sflag:s26] =	ssyncadd.s32 $0xFFFFF000  }
0x6d: {  	_ =	swait.ge [sflag:s26], $0x1000  }
0x6e: {  	[sflag:s26] =	ssyncset.done $0x0  }
0x6f: {  	[sflag:s26] =	ssyncadd.s32 $0xFFFFF000  }
0x70: {  	_ =	swait.ge [sflag:s26], $0x1000  }
0x71: {  	[sflag:s26] =	ssyncset.done $0x0  }
0x72: {  	[sflag:s26] =	ssyncadd.s32 $0xFFFFF000  }
0x73: {  	_ =	swait.ge [sflag:s26], $0x1000  }
0x74: {  	[sflag:s26] =	ssyncset.done $0x0  }
0x75: {  	[sflag:s26] =	ssyncadd.s32 $0xFFFFF000  }
0x76: {  	_ =	swait.ge [sflag:s26], $0x1000  }
0x77: {  	[sflag:s26] =	ssyncset.done $0x0  }
0x78: {  	[sflag:s26] =	ssyncadd.s32 $0xFFFFF000  }
0x79: {  	_ =	swait.ge [sflag:s26], $0x1000  }
0x7a: {  	[sflag:s26] =	ssyncset.done $0x0  }
0x7b: {  	[sflag:s26] =	ssyncadd.s32 $0xFFFFF000  }
0x7c: {  	_ =	swait.ge [sflag:s26], $0x1000  }
0x7d: {  	v0 =	vsub.s32 v0, v2;
	v44 =	vsub.s32 v1, v4;
	[sflag:s26] =	ssyncset.done $0x0  }
0x7e: {  	v0 =	vand.u32 $0xFFFFFF80, v0;
	v45 =	vand.u32 $0xFFFFFF80, v44;
	[sflag:s26] =	ssyncadd.s32 $0xFFFFF000  }
0x7f: {  	v1 =	vor.u32 v3, v0;
	v0 =	vor.u32 v6, v45;
	_ =	swait.ge [sflag:s26], $0x1000  }
0x80: {  	v24 =	vadd.s32 v17, v1;
	v17 =	vadd.s32 v17, v0;
	[sflag:s26] =	ssyncset.done $0x0  }
0x81: {  	[sflag:s26] =	ssyncadd.s32 $0xFFFFF000  }
0x82: {  	_ =	swait.ge [sflag:s26], $0x1000  }
0x83: {  	[sflag:s26] =	ssyncset.done $0x0  }
0x84: {  	[sflag:s26] =	ssyncadd.s32 $0xFFFFF000  }
0x85: {  	v27 =	vadd.s32 v18, v1;
	v32 =	vld.idx.msk [tilespmem:v17+s11+$0x0], $0xffff;
	_ =	sdelay $0x3  }
0x86: {  	v18 =	vadd.s32 v18, v0  }
0x87: {  	v33 =	vld.idx.msk [tilespmem:v27+s10+$0x0], $0xffff;
	[tilespmem:$0x1FA00] =	vst v32;
	v32 =	vadd.s32 v22, v1;
	_ =	sdelay $0x2  }
0x88: {  	v26 =	vadd.s32 v7, v1  }
0x89: {  	v29 =	vadd.s32 v19, v1;
	v35 =	vld.idx.msk [tilespmem:v18+s11+$0x0], $0xffff  }
0x8a: {  	[tilespmem:$0x1FA10] =	vst v33;
	v33 =	vadd.s32 v22, v0;
	v39 =	vld.idx.msk [tilespmem:v32+s10+$0x0], $0xffff;
	_ =	sdelay $0x1  }
0x8b: {  	v23 =	vadd.s32 v7, v0  }
0x8c: {  	v30 =	vadd.s32 v19, v0;
	v47 =	vld.idx.msk [tilespmem:v26+s10+$0x0], $0xffff  }
0x8d: {  	v36 =	vld.idx.msk [tilespmem:v29+s10+$0x0], $0xffff;
	[tilespmem:$0x1FA20] =	vst v35;
	v35 =	vadd.s32 v25, v1  }
0x8e: {  	v41 =	vld.idx.msk [tilespmem:v33+s11+$0x0], $0xffff;
	[tilespmem:$0x1FA50] =	vst v39;
	v39 =	vadd.s32 v28, v0;
	_ =	sdelay $0x1  }
0x8f: {  	v21 =	vadd.s32 v9, v1;
	v48 =	vld.idx.msk [tilespmem:v23+s11+$0x0], $0xffff  }
0x90: {  	v20 =	vadd.s32 v9, v0;
	v9 =	vadd.s32 v11, v0;
	v38 =	vld.idx.msk [tilespmem:v30+s11+$0x0], $0xffff;
	[tilespmem:$0x1F950] =	vst v47  }
0x91: {  	[tilespmem:$0x1FA30] =	vst v36;
	v36 =	vadd.s32 v25, v0;
	v42 =	vld.idx.msk [tilespmem:v35+s10+$0x0], $0xffff  }
0x92: {  	[tilespmem:$0x1FA60] =	vst v41;
	v41 =	vadd.s32 v31, v1;
	v47 =	vld.idx.msk [tilespmem:v39+s11+$0x0], $0xffff;
	_ =	sdelay $0x1  }
0x93: {  	v10 =	vadd.s32 v11, v1;
	v11 =	vadd.s32 v14, v1;
	v50 =	vld.idx.msk [tilespmem:v21+s10+$0x0], $0xffff;
	[tilespmem:$0x1F960] =	vst v48  }
0x94: {  	v54 =	vld.idx.msk [tilespmem:v9+s11+$0x0], $0xffff;
	[tilespmem:$0x1FA40] =	vst v38;
	v38 =	vadd.s32 v28, v1  }
0x95: {  	v44 =	vld.idx.msk [tilespmem:v36+s11+$0x0], $0xffff;
	[tilespmem:$0x1FA70] =	vst v42;
	v42 =	vadd.s32 v31, v0  }
0x96: {  	v48 =	vld.idx.msk [tilespmem:v41+s10+$0x0], $0xffff;
	[tilespmem:$0x1FAA0] =	vst v47;
	v47 =	vadd.s32 v37, v1  }
0x97: {  	v51 =	vld.idx.msk [tilespmem:v20+s11+$0x0], $0xffff  }
0x98: {  	v13 =	vadd.s32 v14, v0;
	v56 =	vld.idx.msk [tilespmem:v11+s10+$0x0], $0xffff;
	[tilespmem:$0x1F970] =	vst v50  }
0x99: {  	[tilespmem:$0x1F9A0] =	vst v54;
	v45 =	vld.idx.msk [tilespmem:v38+s10+$0x0], $0xffff  }
0x9a: {  	[tilespmem:$0x1FA80] =	vst v44;
	v44 =	vadd.s32 v34, v1;
	v50 =	vld.idx.msk [tilespmem:v42+s11+$0x0], $0xffff  }
0x9b: {  	[tilespmem:$0x1FAB0] =	vst v48;
	v48 =	vadd.s32 v37, v0;
	v54 =	vld.idx.msk [tilespmem:v47+s10+$0x0], $0xffff  }
0x9c: {  	v53 =	vld.idx.msk [tilespmem:v10+s10+$0x0], $0xffff;
	[tilespmem:$0x1F980] =	vst v51  }
0x9d: {  	v14 =	vadd.s32 v15, v1;
	v57 =	vld.idx.msk [tilespmem:v13+s11+$0x0], $0xffff;
	[tilespmem:$0x1F9B0] =	vst v56  }
0x9e: {  	v62 =	vld.idx.msk [tilespmem:v24+s10+$0x0], $0xffff;
	[tilespmem:$0x1FA90] =	vst v45;
	v45 =	vadd.s32 v34, v0  }
0x9f: {  	v51 =	vld.idx.msk [tilespmem:v44+s10+$0x0], $0xffff;
	[tilespmem:$0x1FAC0] =	vst v50;
	v50 =	vadd.s32 v40, v1  }
0xa0: {  	v56 =	vld.idx.msk [tilespmem:v48+s11+$0x0], $0xffff;
	[tilespmem:$0x1FAF0] =	vst v54;
	v54 =	vadd.s32 v43, v0  }
0xa1: {  	[tilespmem:$0x1F990] =	vst v53  }
0xa2: {  	v59 =	vld.idx.msk [tilespmem:v14+s10+$0x0], $0xffff;
	[tilespmem:$0x1F9C0] =	vst v57  }
0xa3: {  	v15 =	vadd.s32 v15, v0;
	[tilespmem:$0x1F9F0] =	vst v62;
	v53 =	vld.idx.msk [tilespmem:v45+s11+$0x0], $0xffff  }
0xa4: {  	[tilespmem:$0x1FAD0] =	vst v51;
	v51 =	vadd.s32 v40, v0;
	v57 =	vld.idx.msk [tilespmem:v50+s10+$0x0], $0xffff  }
0xa5: {  	[tilespmem:$0x1FB00] =	vst v56;
	v56 =	vadd.s32 v46, v1;
	v62 =	vld.idx.msk [tilespmem:v54+s11+$0x0], $0xffff;
	_ =	sdelay $0x1  }
0xa6: {  	[tilespmem:$0x1F9D0] =	vst v59  }
0xa7: {  	v60 =	vld.idx.msk [tilespmem:v15+s11+$0x0], $0xffff;
	[tilespmem:$0x1FAE0] =	vst v53  }
0xa8: {  	v53 =	vadd.s32 v43, v1;
	v59 =	vld.idx.msk [tilespmem:v51+s11+$0x0], $0xffff;
	[tilespmem:$0x1FB10] =	vst v57  }
0xa9: {  	v57 =	vadd.s32 v46, v0;
	[tilespmem:$0x1FB40] =	vst v62;
	v62 =	vld.idx.msk [tilespmem:v56+s10+$0x0], $0xffff;
	_ =	sdelay $0x2  }
0xaa: {  	[tilespmem:$0x1F9E0] =	vst v60  }
0xab: {  	v60 =	vld.idx.msk [tilespmem:v53+s10+$0x0], $0xffff;
	[tilespmem:$0x1FB20] =	vst v59  }
0xac: {  	v59 =	vadd.s32 v49, v1;
	[tilespmem:$0x1FB60] =	vst v62;
	v62 =	vld.idx.msk [tilespmem:v57+s11+$0x0], $0xffff;
	_ =	sdelay $0x3  }
0xad: {  	[tilespmem:$0x1FB30] =	vst v60  }
0xae: {  	v60 =	vadd.s32 v49, v0;
	[tilespmem:$0x1FB70] =	vst v62;
	v62 =	vld.idx.msk [tilespmem:v59+s10+$0x0], $0xffff;
	_ =	sdelay $0x4  }
0xaf: {  	v3 =	vadd.s32 v52, v1;
	[tilespmem:$0x1FBA0] =	vst v62;
	v62 =	vld.idx.msk [tilespmem:v60+s11+$0x0], $0xffff;
	_ =	sdelay $0x4  }
0xb0: {  	v5 =	vadd.s32 v52, v0;
	[tilespmem:$0x1FBB0] =	vst v62;
	v62 =	vld.idx.msk [tilespmem:v3+s10+$0x0], $0xffff;
	_ =	sdelay $0x4  }
0xb1: {  	v7 =	vadd.s32 v55, v1;
	[tilespmem:$0x1FBE0] =	vst v62;
	v62 =	vld.idx.msk [tilespmem:v5+s11+$0x0], $0xffff;
	_ =	sdelay $0x4  }
0xb2: {  	v4 =	vadd.s32 v55, v0;
	[tilespmem:$0x1FBF0] =	vst v62;
	v62 =	vld.idx.msk [tilespmem:v7+s10+$0x0], $0xffff;
	_ =	sdelay $0x4  }
0xb3: {  	v6 =	vadd.s32 v58, v1;
	[tilespmem:$0x1FC20] =	vst v62;
	v62 =	vld.idx.msk [tilespmem:v4+s11+$0x0], $0xffff;
	_ =	sdelay $0x3  }
0xb4: {  	[tilespmem:$0x1FB50] =	vst v3  }
0xb5: {  	v3 =	vadd.s32 v58, v0;
	[tilespmem:$0x1FC30] =	vst v62;
	v62 =	vld.idx.msk [tilespmem:v6+s10+$0x0], $0xffff;
	_ =	sdelay $0x3  }
0xb6: {  	[tilespmem:$0x1FB80] =	vst v5  }
0xb7: {  	v5 =	vadd.s32 v61, v1;
	[tilespmem:$0x1FC60] =	vst v62;
	v62 =	vld.idx.msk [tilespmem:v3+s11+$0x0], $0xffff;
	_ =	sdelay $0x4  }
0xb8: {  	v8 =	vadd.s32 v61, v0;
	[tilespmem:$0x1FC70] =	vst v62;
	v62 =	vld.idx.msk [tilespmem:v5+s10+$0x0], $0xffff;
	_ =	sdelay $0x3  }
0xb9: {  	[tilespmem:$0x1FBC0] =	vst v4  }
0xba: {  	v4 =	vadd.s32 v63, v1;
	[tilespmem:$0x1FCA0] =	vst v62;
	v62 =	vld.idx.msk [tilespmem:v8+s11+$0x0], $0xffff;
	_ =	sdelay $0x3  }
0xbb: {  	[tilespmem:$0x1FB90] =	vst v7;
	v2 =	vld [tilespmem:$0x1FF00]  }
0xbc: {  	v7 =	vadd.s32 v63, v0;
	[tilespmem:$0x1FCB0] =	vst v62;
	v62 =	vld.idx.msk [tilespmem:v4+s10+$0x0], $0xffff;
	_ =	sdelay $0x3  }
0xbd: {  	[tilespmem:$0x1FBD0] =	vst v6  }
0xbe: {  	v6 =	vadd.s32 v2, v1;
	[tilespmem:$0x1FCE0] =	vst v62;
	v62 =	vld.idx.msk [tilespmem:v7+s11+$0x0], $0xffff;
	_ =	sdelay $0x3  }
0xbf: {  	[tilespmem:$0x1FC10] =	vst v5;
	v5 =	vadd.s32 v2, v0;
	v2 =	vld [tilespmem:$0x1FF10]  }
0xc0: {  	[tilespmem:$0x1FCF0] =	vst v62;
	v62 =	vld.idx.msk [tilespmem:v6+s10+$0x0], $0xffff;
	_ =	sdelay $0x3  }
0xc1: {  	[tilespmem:$0x1FC40] =	vst v8  }
0xc2: {  	v8 =	vadd.s32 v2, v1;
	[tilespmem:$0x1FD20] =	vst v62;
	v62 =	vld.idx.msk [tilespmem:v5+s11+$0x0], $0xffff;
	_ =	sdelay $0x3  }
0xc3: {  	[tilespmem:$0x1FC50] =	vst v4;
	v4 =	vadd.s32 v2, v0;
	v2 =	vld [tilespmem:$0x1FF20]  }
0xc4: {  	[tilespmem:$0x1FD30] =	vst v62;
	v62 =	vld.idx.msk [tilespmem:v8+s10+$0x0], $0xffff;
	_ =	sdelay $0x2  }
0xc5: {  	[tilespmem:$0x1FC80] =	vst v7  }
0xc6: {  	[tilespmem:$0x1FC90] =	vst v6;
	v7 =	vadd.s32 v2, v1;
	v6 =	vadd.s32 v2, v0;
	v2 =	vld [tilespmem:$0x1FF30]  }
0xc7: {  	[tilespmem:$0x1FD60] =	vst v62;
	v62 =	vld.idx.msk [tilespmem:v4+s11+$0x0], $0xffff;
	_ =	sdelay $0x2  }
0xc8: {  	[tilespmem:$0x1FCC0] =	vst v5  }
0xc9: {  	[tilespmem:$0x1FCD0] =	vst v8;
	v5 =	vadd.s32 v2, v1;
	v8 =	vadd.s32 v2, v0;
	v2 =	vld [tilespmem:$0x1FF40]  }
0xca: {  	[tilespmem:$0x1FD70] =	vst v62;
	v62 =	vld.idx.msk [tilespmem:v7+s10+$0x0], $0xffff;
	_ =	sdelay $0x3  }
0xcb: {  	[tilespmem:$0x1FD00] =	vst v4  }
0xcc: {  	v4 =	vadd.s32 v2, v1;
	[tilespmem:$0x1FDA0] =	vst v62;
	v62 =	vadd.s32 v2, v0;
	v2 =	vld.idx.msk [tilespmem:v6+s11+$0x0], $0xffff;
	_ =	sdelay $0x4  }
0xcd: {  	[tilespmem:$0x1FDB0] =	vst v2;
	v2 =	vld [tilespmem:$0x1FF50];
	_ =	sdelay $0x2  }
0xce: {  	[tilespmem:$0x1FC00] =	vst v3  }
0xcf: {  	[tilespmem:$0x1FD10] =	vst v7;
	v3 =	vld.idx.msk [tilespmem:v5+s10+$0x0], $0xffff  }
0xd0: {  	[tilespmem:$0x1FD40] =	vst v6;
	v6 =	vadd.s32 v2, v1;
	v7 =	vadd.s32 v2, v0;
	v2 =	vld.idx.msk [tilespmem:v8+s11+$0x0], $0xffff;
	_ =	sdelay $0x3  }
0xd1: {  	[tilespmem:$0x1FDE0] =	vst v3;
	v3 =	vld.idx.msk [tilespmem:v4+s10+$0x0], $0xffff  }
0xd2: {  	[tilespmem:$0x1FDF0] =	vst v2;
	v2 =	vld [tilespmem:$0x1FF60];
	_ =	sdelay $0x2  }
0xd3: {  	[tilespmem:$0x1FD50] =	vst v5  }
0xd4: {  	[tilespmem:$0x1FE10] =	vst v3;
	v3 =	vld.idx.msk [tilespmem:v6+s10+$0x0], $0xffff  }
0xd5: {  	[tilespmem:$0x1FD80] =	vst v8;
	v8 =	vadd.s32 v2, v1;
	v5 =	vadd.s32 v2, v0;
	v2 =	vld [tilespmem:$0x1FF70];
	_ =	sdelay $0x3  }
0xd6: {  	[tilespmem:$0x1FD90] =	vst v4  }
0xd7: {  	[tilespmem:$0x1FE50] =	vst v3;
	v4 =	vadd.s32 v2, v1;
	v3 =	vadd.s32 v2, v0;
	v2 =	vld [tilespmem:$0x1FF80];
	_ =	sdelay $0x4  }
0xd8: {  	v1 =	vadd.s32 v2, v1;
	v2 =	vadd.s32 v2, v0;
	v0 =	vld.idx.msk [tilespmem:v8+s10+$0x0], $0xffff;
	_ =	sdelay $0x4  }
0xd9: {  	[tilespmem:$0x1FE90] =	vst v0;
	v0 =	vld.idx.msk [tilespmem:v5+s11+$0x0], $0xffff;
	_ =	sdelay $0x3  }
0xda: {  	(v2sf) =	vpush v12, $0x8  }
0xdb: {  	[tilespmem:$0x1FEA0] =	vst v0;
	v0 =	vld.idx.msk [tilespmem:v4+s10+$0x0], $0xffff  }
0xdc: {  	(v2sf) =	vpush v16, $0x8;
	_ =	sdelay $0x1  }
0xdd: {  	(v2sf) =	vpush v12, $0x9;
	_ =	sdelay $0x1  }
0xde: {  	(v2sf) =	vpush v16, $0x9;
	[tilespmem:$0x1FEC0] =	vst v0;
	v0 =	vld.idx.msk [tilespmem:v3+s11+$0x0], $0xffff;
	_ =	sdelay $0x1  }
0xdf: {  	(v2sf) =	vpush v12, $0xA;
	_ =	sdelay $0x1  }
0xe0: {  	(v2sf) =	vpush v16, $0xA  }
0xe1: {  	[tilespmem:$0x1FED0] =	vst v0;
	v0 =	vld.idx.msk [tilespmem:v1+s10+$0x0], $0xffff  }
0xe2: {  	(v2sf) =	vpush v12, $0xB;
	_ =	sdelay $0x1  }
0xe3: {  	(v2sf) =	vpush v16, $0xB;
	[tilespmem:$0x1FDC0] =	vst v62;
	v62 =	vld.idx.msk [tilespmem:v62+s11+$0x0], $0xffff  }
0xe4: {  	s7 =	spop (v2sf);
	[tilespmem:$0x1FDD0] =	vst v6;
	v6 =	vld.idx.msk [tilespmem:v7+s11+$0x0], $0xffff  }
0xe5: {  	(v2sf) =	vpush v12, $0xC;
	[tilespmem:$0x1FEE0] =	vst v0;
	v0 =	vld.idx.msk [tilespmem:v2+s11+$0x0], $0xffff;
	[tilespmem:s10], [sflag:$0x2] =	stream.strided.gather [hbm4b:s7+s10], $0x1000, s8, s10, $0x38  }
0xe6: {  	s7 =	spop (v2sf)  }
0xe7: {  	(v2sf) =	vpush v16, $0xC;
	[tilespmem:s11], [sflag:$0x2] =	stream.strided.gather [hbm4b:s7+s10], $0x1000, s8, s10, $0x38;
	[tilespmem:$0x10600] =	vst v63  }
0xe8: {  	s7 =	spop (v2sf)  }
0xe9: {  	(v2sf) =	vpush v12, $0xD;
	[tilespmem:s12], [sflag:$0x2] =	stream.strided.gather [hbm4b:s7+s10], $0x1000, s8, s10, $0x38;
	[tilespmem:$0x10600] =	vst v63  }
0xea: {  	s7 =	spop (v2sf)  }
0xeb: {  	(v2sf) =	vpush v16, $0xD;
	[tilespmem:s13], [sflag:$0x2] =	stream.strided.gather [hbm4b:s7+s10], $0x1000, s8, s10, $0x38;
	[tilespmem:$0x10600] =	vst v63  }
0xec: {  	s7 =	spop (v2sf)  }
0xed: {  	(v2sf) =	vpush v12, $0xE;
	[tilespmem:s14], [sflag:$0x2] =	stream.strided.gather [hbm4b:s7+s10], $0x1000, s8, s10, $0x38;
	[tilespmem:$0x10600] =	vst v63  }
0xee: {  	s7 =	spop (v2sf)  }
0xef: {  	(v2sf) =	vpush v16, $0xE;
	[tilespmem:s15], [sflag:$0x2] =	stream.strided.gather [hbm4b:s7+s10], $0x1000, s8, s10, $0x38;
	[tilespmem:$0x10600] =	vst v63  }
0xf0: {  	s7 =	spop (v2sf)  }
0xf1: {  	(v2sf) =	vpush v12, $0xF;
	[tilespmem:s16], [sflag:$0x2] =	stream.strided.gather [hbm4b:s7+s10], $0x1000, s8, s10, $0x38;
	[tilespmem:$0x10600] =	vst v63  }
0xf2: {  	[tilespmem:$0x1FE20] =	vst v62;
	s7 =	spop (v2sf)  }
0xf3: {  	(v2sf) =	vpush v16, $0xF;
	[tilespmem:s17], [sflag:$0x2] =	stream.strided.gather [hbm4b:s7+s10], $0x1000, s8, s10, $0x38;
	[tilespmem:$0x10600] =	vst v63  }
0xf4: {  	[tilespmem:$0x1FE60] =	vst v6;
	s7 =	spop (v2sf)  }
0xf5: {  	[tilespmem:s18], [sflag:$0x2] =	stream.strided.gather [hbm4b:s7+s10], $0x1000, s8, s10, $0x38;
	[tilespmem:$0x10600] =	vst v63  }
0xf6: {  	[tilespmem:$0x1FE00] =	vst v8;
	s7 =	spop (v2sf)  }
0xf7: {  	[tilespmem:s19], [sflag:$0x2] =	stream.strided.gather [hbm4b:s7+s10], $0x1000, s8, s10, $0x38;
	[tilespmem:$0x10600] =	vst v63  }
0xf8: {  	[tilespmem:$0x1FE30] =	vst v5;
	s7 =	spop (v2sf)  }
0xf9: {  	[tilespmem:s20], [sflag:$0x2] =	stream.strided.gather [hbm4b:s7+s10], $0x1000, s8, s10, $0x38;
	[tilespmem:$0x10600] =	vst v63  }
0xfa: {  	[tilespmem:$0x1FE40] =	vst v4;
	s7 =	spop (v2sf)  }
0xfb: {  	[tilespmem:s21], [sflag:$0x2] =	stream.strided.gather [hbm4b:s7+s10], $0x1000, s8, s10, $0x38;
	[tilespmem:$0x10600] =	vst v63  }
0xfc: {  	[tilespmem:$0x1FE70] =	vst v3;
	s7 =	spop (v2sf)  }
0xfd: {  	[tilespmem:s22], [sflag:$0x2] =	stream.strided.gather [hbm4b:s7+s10], $0x1000, s8, s10, $0x38;
	[tilespmem:$0x10600] =	vst v63  }
0xfe: {  	[tilespmem:$0x1FE80] =	vst v1;
	s7 =	spop (v2sf)  }
0xff: {  	[tilespmem:s23], [sflag:$0x2] =	stream.strided.gather [hbm4b:s7+s10], $0x1000, s8, s10, $0x38;
	[tilespmem:$0x10600] =	vst v63  }
0x100: {  	[tilespmem:$0x1FEB0] =	vst v2;
	s7 =	spop (v2sf)  }
0x101: {  	[tilespmem:s24], [sflag:$0x2] =	stream.strided.gather [hbm4b:s7+s10], $0x1000, s8, s10, $0x38;
	[tilespmem:$0x10600] =	vst v63  }
0x102: {  	[tilespmem:$0x1FEF0] =	vst v0;
	s7 =	spop (v2sf)  }
0x103: {  	[tilespmem:s25], [sflag:$0x2] =	stream.strided.gather [hbm4b:s7+s10], $0x1000, s8, s10, $0x38;
	[tilespmem:$0x10600] =	vst v63  }
0x104: {  	_ =	swait.ge [sflag:s26], $0x1000  }
0x105: {  	[sflag:s26] =	ssyncset.done $0x0  }
0x106: {  	[sflag:s26] =	ssyncadd.s32 $0xFFFFF000  }
0x107: {  	_ =	swait.ge [sflag:s26], $0x1000  }
0x108: {  	[sflag:s26] =	ssyncset.done $0x0  }
0x109: {  	[sflag:s26] =	ssyncadd.s32 $0xFFFFF000  }
0x10a: {  	_ =	swait.ge [sflag:s26], $0x1000  }
0x10b: {  	[sflag:s26] =	ssyncset.done $0x0  }
0x10c: {  	[sflag:s26] =	ssyncadd.s32 $0xFFFFF000  }
0x10d: {  	_ =	swait.ge [sflag:s26], $0x1000  }
0x10e: {  	[sflag:s26] =	ssyncset.done $0x0  }
0x10f: {  	[sflag:s26] =	ssyncadd.s32 $0xFFFFF000  }
0x110: {  	_ =	swait.ge [sflag:s26], $0x1000  }
0x111: {  	[sflag:s26] =	ssyncset.done $0x0  }
0x112: {  	[sflag:s26] =	ssyncadd.s32 $0xFFFFF000  }
0x113: {  	_ =	swait.ge [sflag:s26], $0x1000  }
0x114: {  	[sflag:s26] =	ssyncset.done $0x0  }
0x115: {  	[sflag:s26] =	ssyncadd.s32 $0xFFFFF000  }
0x116: {  	_ =	swait.ge [sflag:s26], $0x1000  }
0x117: {  	[sflag:s26] =	ssyncset.done $0x0  }
0x118: {  	[sflag:s26] =	ssyncadd.s32 $0xFFFFF000  }
0x119: {  	_ =	swait.ge [sflag:s26], $0x1000  }
0x11a: {  	[sflag:s26] =	ssyncset.done $0x0  }
0x11b: {  	[sflag:s26] =	ssyncadd.s32 $0xFFFFF000  }
0x11c: {  	_ =	swait.ge [sflag:s26], $0x1000  }
0x11d: {  	[sflag:s26] =	ssyncset.done $0x0  }
0x11e: {  	[sflag:s26] =	ssyncadd.s32 $0xFFFFF000  }
0x11f: {  	_ =	swait.ge [sflag:s26], $0x1000  }
0x120: {  	[sflag:s26] =	ssyncset.done $0x0  }
0x121: {  	[sflag:s26] =	ssyncadd.s32 $0xFFFFF000  }
0x122: {  	_ =	swait.ge [sflag:s26], $0x1000  }
0x123: {  	[sflag:s26] =	ssyncset.done $0x0  }
0x124: {  	[sflag:s26] =	ssyncadd.s32 $0xFFFFF000  }
0x125: {  	_ =	swait.ge [sflag:s26], $0x1000  }
0x126: {  	[sflag:s26] =	ssyncset.done $0x0  }
0x127: {  	[sflag:s26] =	ssyncadd.s32 $0xFFFFF000  }
0x128: {  	_ =	swait.ge [sflag:s26], $0x1000  }
0x129: {  	[sflag:s26] =	ssyncset.done $0x0  }
0x12a: {  	[sflag:s26] =	ssyncadd.s32 $0xFFFFF000  }
0x12b: {  	_ =	swait.ge [sflag:s26], $0x1000  }
0x12c: {  	[sflag:s26] =	ssyncset.done $0x0  }
0x12d: {  	[sflag:s26] =	ssyncadd.s32 $0xFFFFF000  }
0x12e: {  	_ =	swait.ge [sflag:s26], $0x1000  }
0x12f: {  	[sflag:s26] =	ssyncset.done $0x0  }
0x130: {  	[sflag:s26] =	ssyncadd.s32 $0xFFFFF000  }
0x131: {  	_ =	swait.ge [sflag:s26], $0x1000  }
0x132: {  	v2 =	vld [tilespmem:$0x1F950]  }
0x133: {  	[sflag:s26] =	ssyncset.done $0x0;
	v4 =	vld [tilespmem:$0x1F960]  }
0x134: {  	v5 =	vld [tilespmem:$0x1F980];
	[sflag:s26] =	ssyncadd.s32 $0xFFFFF000  }
0x135: {  	v0 =	vld.idx.msk [tilespmem:v26+s10+$0x0], $0xffff  }
0x136: {  	v1 =	vld.idx.msk [tilespmem:v23+s11+$0x0], $0xffff  }
0x137: {  	v8 =	vld.idx.msk [tilespmem:v21+s10+$0x0], $0xffff  }
0x138: {  	v6 =	vld.idx.msk [tilespmem:v20+s11+$0x0], $0xffff  }
0x139: {  	v3 =	vld.idx.msk [tilespmem:v10+s10+$0x0], $0xffff  }
0x13a: {  	v10 =	vmul.f32 v4, v2;
	v4 =	vld.idx.msk [tilespmem:v9+s11+$0x0], $0xffff  }
0x13b: {  	v2 =	vld [tilespmem:$0x1F970]  }
0x13c: {  	v9 =	vld [tilespmem:$0x1F9A0]  }
0x13d: {  	v6 =	vmul.f32 v6, v8;
	v8 =	vld [tilespmem:$0x1F990];
	_ =	sdelay $0x1  }
0x13e: {  	v0 =	vmul.f32 v1, v0  }
0x13f: {  	v10 =	vadd.f32 $0.0e+00, v10;
	v2 =	vmul.f32 v5, v2  }
0x140: {  	v0 =	vadd.f32 $0.0e+00, v0  }
0x141: {  	v1 =	vld.idx.msk [tilespmem:v11+s10+$0x0], $0xffff;
	v2 =	vadd.f32 v2, v10;
	v8 =	vmul.f32 v9, v8  }
0x142: {  	v0 =	vadd.f32 v6, v0;
	v6 =	vld [tilespmem:$0x1F9B0]  }
0x143: {  	v2 =	vadd.f32 v8, v2;
	v8 =	vld [tilespmem:$0x1F9C0]  }
0x144: {  	v5 =	vld.idx.msk [tilespmem:v13+s11+$0x0], $0xffff;
	_ =	sdelay $0x3  }
0x145: {  	v62 =	vmov v7;
	v7 =	vld.idx.msk [tilespmem:v14+s10+$0x0], $0xffff;
	v6 =	vmul.f32 v8, v6  }
0x146: {  	v1 =	vmul.f32 v5, v1;
	v5 =	vld [tilespmem:$0x1F9D0]  }
0x147: {  	v2 =	vadd.f32 v6, v2;
	v6 =	vld [tilespmem:$0x1F9E0]  }
0x148: {  	v9 =	vld.idx.msk [tilespmem:v15+s11+$0x0], $0xffff  }
0x149: {  	v3 =	vmul.f32 v4, v3;
	_ =	sdelay $0x1  }
0x14a: {  	v0 =	vadd.f32 v3, v0  }
0x14b: {  	v4 =	vld.idx.msk [tilespmem:v24+s10+$0x0], $0xffff;
	v5 =	vmul.f32 v6, v5  }
0x14c: {  	v0 =	vadd.f32 v1, v0;
	v1 =	vmul.f32 v9, v7;
	v9 =	vld [tilespmem:$0x1FA00]  }
0x14d: {  	v2 =	vadd.f32 v5, v2;
	v5 =	vld [tilespmem:$0x1F9F0]  }
0x14e: {  	v8 =	vld.idx.msk [tilespmem:v17+s11+$0x0], $0xffff;
	_ =	sdelay $0x3  }
0x14f: {  	v3 =	vld.idx.msk [tilespmem:v27+s10+$0x0], $0xffff;
	v5 =	vmul.f32 v9, v5  }
0x150: {  	v0 =	vadd.f32 v1, v0;
	v1 =	vmul.f32 v8, v4;
	v8 =	vld [tilespmem:$0x1FA20]  }
0x151: {  	v2 =	vadd.f32 v5, v2;
	v5 =	vld [tilespmem:$0x1FA10]  }
0x152: {  	v6 =	vld.idx.msk [tilespmem:v18+s11+$0x0], $0xffff;
	_ =	sdelay $0x2  }
0x153: {  	v7 =	vld.idx.msk [tilespmem:v29+s10+$0x0], $0xffff  }
0x154: {  	v5 =	vmul.f32 v8, v5;
	v8 =	vld.idx.msk [tilespmem:v33+s11+$0x0], $0xffff  }
0x155: {  	v33 =	vmul.f32 v6, v3;
	v6 =	vld [tilespmem:$0x1FA40]  }
0x156: {  	v2 =	vadd.f32 v5, v2;
	v5 =	vld [tilespmem:$0x1FA30]  }
0x157: {  	v9 =	vld.idx.msk [tilespmem:v30+s11+$0x0], $0xffff;
	_ =	sdelay $0x3  }
0x158: {  	v5 =	vmul.f32 v6, v5;
	v6 =	vld.idx.msk [tilespmem:v36+s11+$0x0], $0xffff  }
0x159: {  	v36 =	vmul.f32 v9, v7;
	v9 =	vld [tilespmem:$0x1FA60]  }
0x15a: {  	v2 =	vadd.f32 v5, v2;
	v5 =	vld [tilespmem:$0x1FA50]  }
0x15b: {  	v4 =	vld.idx.msk [tilespmem:v32+s10+$0x0], $0xffff;
	_ =	sdelay $0x3  }
0x15c: {  	v5 =	vmul.f32 v9, v5;
	v9 =	vld.idx.msk [tilespmem:v39+s11+$0x0], $0xffff  }
0x15d: {  	v39 =	vmul.f32 v8, v4;
	v8 =	vld [tilespmem:$0x1FA80]  }
0x15e: {  	v2 =	vadd.f32 v5, v2;
	v5 =	vld [tilespmem:$0x1FA70]  }
0x15f: {  	v35 =	vld.idx.msk [tilespmem:v35+s10+$0x0], $0xffff;
	_ =	sdelay $0x3  }
0x160: {  	v5 =	vmul.f32 v8, v5;
	v8 =	vld.idx.msk [tilespmem:v42+s11+$0x0], $0xffff  }
0x161: {  	v42 =	vmul.f32 v6, v35;
	v6 =	vld [tilespmem:$0x1FAA0]  }
0x162: {  	v2 =	vadd.f32 v5, v2;
	v5 =	vld [tilespmem:$0x1FA90]  }
0x163: {  	v7 =	vld.idx.msk [tilespmem:v38+s10+$0x0], $0xffff;
	_ =	sdelay $0x3  }
0x164: {  	v5 =	vmul.f32 v6, v5;
	v6 =	vld.idx.msk [tilespmem:v45+s11+$0x0], $0xffff  }
0x165: {  	v45 =	vmul.f32 v9, v7;
	v9 =	vld [tilespmem:$0x1FAC0]  }
0x166: {  	v2 =	vadd.f32 v5, v2;
	v5 =	vld [tilespmem:$0x1FAB0]  }
0x167: {  	v4 =	vld.idx.msk [tilespmem:v41+s10+$0x0], $0xffff;
	_ =	sdelay $0x3  }
0x168: {  	v5 =	vmul.f32 v9, v5;
	v9 =	vld.idx.msk [tilespmem:v48+s11+$0x0], $0xffff  }
0x169: {  	v48 =	vmul.f32 v8, v4;
	v8 =	vld [tilespmem:$0x1FAE0]  }
0x16a: {  	v2 =	vadd.f32 v5, v2;
	v5 =	vld [tilespmem:$0x1FAD0]  }
0x16b: {  	v44 =	vld.idx.msk [tilespmem:v44+s10+$0x0], $0xffff;
	_ =	sdelay $0x3  }
0x16c: {  	v5 =	vmul.f32 v8, v5;
	v8 =	vld.idx.msk [tilespmem:v51+s11+$0x0], $0xffff  }
0x16d: {  	v51 =	vmul.f32 v6, v44;
	v6 =	vld [tilespmem:$0x1FB00]  }
0x16e: {  	v2 =	vadd.f32 v5, v2;
	v5 =	vld [tilespmem:$0x1FAF0]  }
0x16f: {  	v7 =	vld.idx.msk [tilespmem:v47+s10+$0x0], $0xffff;
	_ =	sdelay $0x3  }
0x170: {  	v5 =	vmul.f32 v6, v5;
	v6 =	vld.idx.msk [tilespmem:v54+s11+$0x0], $0xffff  }
0x171: {  	v54 =	vmul.f32 v9, v7;
	v9 =	vld [tilespmem:$0x1FB20]  }
0x172: {  	v2 =	vadd.f32 v5, v2;
	v5 =	vld [tilespmem:$0x1FB10]  }
0x173: {  	v4 =	vld.idx.msk [tilespmem:v50+s10+$0x0], $0xffff;
	_ =	sdelay $0x3  }
0x174: {  	v5 =	vmul.f32 v9, v5;
	v9 =	vld.idx.msk [tilespmem:v57+s11+$0x0], $0xffff  }
0x175: {  	v57 =	vmul.f32 v8, v4;
	v8 =	vld [tilespmem:$0x1FB40]  }
0x176: {  	v2 =	vadd.f32 v5, v2;
	v5 =	vld [tilespmem:$0x1FB30]  }
0x177: {  	v53 =	vld.idx.msk [tilespmem:v53+s10+$0x0], $0xffff;
	_ =	sdelay $0x3  }
0x178: {  	v4 =	vld.idx.msk [tilespmem:v59+s10+$0x0], $0xffff;
	v5 =	vmul.f32 v8, v5  }
0x179: {  	v59 =	vmul.f32 v6, v53;
	v6 =	vld [tilespmem:$0x1FB70]  }
0x17a: {  	v2 =	vadd.f32 v5, v2;
	v5 =	vld [tilespmem:$0x1FB60]  }
0x17b: {  	v7 =	vld.idx.msk [tilespmem:v56+s10+$0x0], $0xffff  }
0x17c: {  	v8 =	vld.idx.msk [tilespmem:v60+s11+$0x0], $0xffff  }
0x17d: {  	v60 =	vld [tilespmem:$0x1FB50];
	_ =	sdelay $0x1  }
0x17e: {  	v5 =	vmul.f32 v6, v5;
	v6 =	vld [tilespmem:$0x1FB80]  }
0x17f: {  	v32 =	vmul.f32 v9, v7;
	v9 =	vld [tilespmem:$0x1FBB0]  }
0x180: {  	v2 =	vadd.f32 v5, v2;
	v5 =	vld [tilespmem:$0x1FBA0]  }
0x181: {  	v0 =	vadd.f32 v1, v0  }
0x182: {  	v7 =	vld [tilespmem:$0x1FB90]  }
0x183: {  	v0 =	vadd.f32 v33, v0;
	v33 =	vmul.f32 v8, v4;
	v8 =	vld [tilespmem:$0x1FBF0]  }
0x184: {  	v3 =	vld.idx.msk [tilespmem:v60+s10+$0x0], $0xffff  }
0x185: {  	v5 =	vmul.f32 v9, v5;
	v9 =	vld [tilespmem:$0x1FBC0]  }
0x186: {  	v6 =	vld.idx.msk [tilespmem:v6+s11+$0x0], $0xffff  }
0x187: {  	v2 =	vadd.f32 v5, v2;
	v5 =	vld [tilespmem:$0x1FBE0];
	_ =	sdelay $0x1  }
0x188: {  	v4 =	vld [tilespmem:$0x1FBD0]  }
0x189: {  	v7 =	vld.idx.msk [tilespmem:v7+s10+$0x0], $0xffff  }
0x18a: {  	v35 =	vmul.f32 v6, v3;
	v6 =	vld [tilespmem:$0x1FC30]  }
0x18b: {  	v5 =	vmul.f32 v8, v5;
	v8 =	vld [tilespmem:$0x1FC00]  }
0x18c: {  	v9 =	vld.idx.msk [tilespmem:v9+s11+$0x0], $0xffff  }
0x18d: {  	v2 =	vadd.f32 v5, v2;
	v5 =	vld [tilespmem:$0x1FC20];
	_ =	sdelay $0x1  }
0x18e: {  	v0 =	vadd.f32 v36, v0;
	v36 =	vld [tilespmem:$0x1FC10]  }
0x18f: {  	v4 =	vld.idx.msk [tilespmem:v4+s10+$0x0], $0xffff  }
0x190: {  	v38 =	vmul.f32 v9, v7;
	v9 =	vld [tilespmem:$0x1FC70]  }
0x191: {  	v5 =	vmul.f32 v6, v5;
	v6 =	vld [tilespmem:$0x1FC40]  }
0x192: {  	v8 =	vld.idx.msk [tilespmem:v8+s11+$0x0], $0xffff  }
0x193: {  	v2 =	vadd.f32 v5, v2;
	v5 =	vld [tilespmem:$0x1FC60];
	_ =	sdelay $0x1  }
0x194: {  	v7 =	vld [tilespmem:$0x1FC50]  }
0x195: {  	v3 =	vld.idx.msk [tilespmem:v36+s10+$0x0], $0xffff  }
0x196: {  	v0 =	vadd.f32 v39, v0;
	v39 =	vmul.f32 v8, v4;
	v8 =	vld [tilespmem:$0x1FCB0]  }
0x197: {  	v5 =	vmul.f32 v9, v5;
	v9 =	vld [tilespmem:$0x1FC80]  }
0x198: {  	v6 =	vld.idx.msk [tilespmem:v6+s11+$0x0], $0xffff  }
0x199: {  	v2 =	vadd.f32 v5, v2;
	v5 =	vld [tilespmem:$0x1FCA0];
	_ =	sdelay $0x1  }
0x19a: {  	v4 =	vld [tilespmem:$0x1FC90]  }
0x19b: {  	v7 =	vld.idx.msk [tilespmem:v7+s10+$0x0], $0xffff  }
0x19c: {  	v41 =	vmul.f32 v6, v3;
	v6 =	vld [tilespmem:$0x1FCF0]  }
0x19d: {  	v5 =	vmul.f32 v8, v5;
	v8 =	vld [tilespmem:$0x1FCC0]  }
0x19e: {  	v9 =	vld.idx.msk [tilespmem:v9+s11+$0x0], $0xffff  }
0x19f: {  	v2 =	vadd.f32 v5, v2;
	v5 =	vld [tilespmem:$0x1FCE0];
	_ =	sdelay $0x1  }
0x1a0: {  	v0 =	vadd.f32 v42, v0;
	v42 =	vld [tilespmem:$0x1FCD0]  }
0x1a1: {  	v4 =	vld.idx.msk [tilespmem:v4+s10+$0x0], $0xffff  }
0x1a2: {  	v44 =	vmul.f32 v9, v7;
	v9 =	vld [tilespmem:$0x1FD30]  }
0x1a3: {  	v5 =	vmul.f32 v6, v5;
	v6 =	vld [tilespmem:$0x1FD00]  }
0x1a4: {  	v8 =	vld.idx.msk [tilespmem:v8+s11+$0x0], $0xffff  }
0x1a5: {  	v2 =	vadd.f32 v5, v2;
	v5 =	vld [tilespmem:$0x1FD20];
	_ =	sdelay $0x1  }
0x1a6: {  	v7 =	vld [tilespmem:$0x1FD10]  }
0x1a7: {  	v3 =	vld.idx.msk [tilespmem:v42+s10+$0x0], $0xffff  }
0x1a8: {  	v0 =	vadd.f32 v45, v0;
	v45 =	vmul.f32 v8, v4;
	v8 =	vld [tilespmem:$0x1FD70]  }
0x1a9: {  	v5 =	vmul.f32 v9, v5;
	v9 =	vld [tilespmem:$0x1FD40]  }
0x1aa: {  	v6 =	vld.idx.msk [tilespmem:v6+s11+$0x0], $0xffff  }
0x1ab: {  	v2 =	vadd.f32 v5, v2;
	v5 =	vld [tilespmem:$0x1FD60];
	_ =	sdelay $0x1  }
0x1ac: {  	v4 =	vld [tilespmem:$0x1FD50]  }
0x1ad: {  	v7 =	vld.idx.msk [tilespmem:v7+s10+$0x0], $0xffff  }
0x1ae: {  	v47 =	vmul.f32 v6, v3;
	v6 =	vld [tilespmem:$0x1FDB0]  }
0x1af: {  	v5 =	vmul.f32 v8, v5;
	v8 =	vld [tilespmem:$0x1FD80]  }
0x1b0: {  	v9 =	vld.idx.msk [tilespmem:v9+s11+$0x0], $0xffff  }
0x1b1: {  	v2 =	vadd.f32 v5, v2;
	v5 =	vld [tilespmem:$0x1FDA0];
	_ =	sdelay $0x1  }
0x1b2: {  	v0 =	vadd.f32 v48, v0;
	v48 =	vld [tilespmem:$0x1FD90]  }
0x1b3: {  	v4 =	vld.idx.msk [tilespmem:v4+s10+$0x0], $0xffff  }
0x1b4: {  	v50 =	vmul.f32 v9, v7;
	v9 =	vld [tilespmem:$0x1FDF0]  }
0x1b5: {  	v5 =	vmul.f32 v6, v5;
	v6 =	vld [tilespmem:$0x1FDC0]  }
0x1b6: {  	v8 =	vld.idx.msk [tilespmem:v8+s11+$0x0], $0xffff  }
0x1b7: {  	v2 =	vadd.f32 v5, v2;
	v5 =	vld [tilespmem:$0x1FDE0];
	_ =	sdelay $0x1  }
0x1b8: {  	v7 =	vld [tilespmem:$0x1FDD0];
	_ =	sdelay $0x1  }
0x1b9: {  	v0 =	vadd.f32 v51, v0;
	v3 =	vld.idx.msk [tilespmem:v48+s10+$0x0], $0xffff  }
0x1ba: {  	v51 =	vmul.f32 v8, v4;
	v8 =	vld [tilespmem:$0x1FE20];
	v5 =	vmul.f32 v9, v5  }
0x1bb: {  	v0 =	vadd.f32 v54, v0;
	v6 =	vld.idx.msk [tilespmem:v6+s11+$0x0], $0xffff  }
0x1bc: {  	v2 =	vadd.f32 v5, v2;
	v5 =	vld [tilespmem:$0x1FE10]  }
0x1bd: {  	v0 =	vadd.f32 v57, v0  }
0x1be: {  	v4 =	vld [tilespmem:$0x1FE00]  }
0x1bf: {  	v0 =	vadd.f32 v59, v0;
	v7 =	vld.idx.msk [tilespmem:v7+s10+$0x0], $0xffff  }
0x1c0: {  	v9 =	vld.idx.msk [tilespmem:v62+s11+$0x0], $0xffff  }
0x1c1: {  	v0 =	vadd.f32 v32, v0;
	v53 =	vmul.f32 v6, v3;
	v6 =	vld [tilespmem:$0x1FE60];
	v5 =	vmul.f32 v8, v5  }
0x1c2: {  	v8 =	vld [tilespmem:$0x1FE30]  }
0x1c3: {  	v0 =	vadd.f32 v33, v0;
	v2 =	vadd.f32 v5, v2;
	v5 =	vld [tilespmem:$0x1FE50];
	_ =	sdelay $0x1  }
0x1c4: {  	v0 =	vadd.f32 v35, v0;
	_ =	sdelay $0x1  }
0x1c5: {  	v0 =	vadd.f32 v38, v0  }
0x1c6: {  	v56 =	vmul.f32 v9, v7;
	v9 =	vld [tilespmem:$0x1FEA0];
	v5 =	vmul.f32 v6, v5  }
0x1c7: {  	v0 =	vadd.f32 v39, v0;
	v4 =	vld.idx.msk [tilespmem:v4+s10+$0x0], $0xffff  }
0x1c8: {  	v2 =	vadd.f32 v5, v2;
	v5 =	vld [tilespmem:$0x1FE90]  }
0x1c9: {  	v0 =	vadd.f32 v41, v0;
	v8 =	vld.idx.msk [tilespmem:v8+s11+$0x0], $0xffff  }
0x1ca: {  	v54 =	vld [tilespmem:$0x1FE40]  }
0x1cb: {  	v0 =	vadd.f32 v44, v0;
	v7 =	vld [tilespmem:$0x1FE80]  }
0x1cc: {  	v6 =	vld [tilespmem:$0x1FE70]  }
0x1cd: {  	v0 =	vadd.f32 v45, v0;
	v5 =	vmul.f32 v9, v5;
	v9 =	vld [tilespmem:$0x1FEB0]  }
0x1ce: {  	v57 =	vmul.f32 v8, v4;
	v4 =	vld [tilespmem:$0x1FEC0]  }
0x1cf: {  	v0 =	vadd.f32 v47, v0;
	v2 =	vadd.f32 v5, v2;
	v5 =	vld [tilespmem:$0x1FED0];
	_ =	sdelay $0x1  }
0x1d0: {  	v60 =	vld [tilespmem:$0x1FEE0];
	v0 =	vadd.f32 v50, v0  }
0x1d1: {  	v3 =	vld.idx.msk [tilespmem:v54+s10+$0x0], $0xffff  }
0x1d2: {  	v0 =	vadd.f32 v51, v0;
	v7 =	vld.idx.msk [tilespmem:v7+s10+$0x0], $0xffff  }
0x1d3: {  	v6 =	vld.idx.msk [tilespmem:v6+s11+$0x0], $0xffff;
	v4 =	vmul.f32 v5, v4  }
0x1d4: {  	v0 =	vadd.f32 v53, v0;
	v9 =	vld.idx.msk [tilespmem:v9+s11+$0x0], $0xffff  }
0x1d5: {  	v2 =	vadd.f32 v4, v2;
	v4 =	vld [tilespmem:$0x1FEF0]  }
0x1d6: {  	v0 =	vadd.f32 v56, v0;
	_ =	sdelay $0x1  }
0x1d7: {  	v0 =	vadd.f32 v57, v0;
	v59 =	vmul.f32 v6, v3  }
0x1d8: {  	v14 =	vld [tilespmem:$0x1FFC0]  }
0x1d9: {  	p0 =	sne.s32 s31, $0x7C0;
	v11 =	vld [tilespmem:$0x1FFB0];
	v0 =	vadd.f32 v59, v0;
	v62 =	vmul.f32 v9, v7;
	v3 =	vmul.f32 v4, v60  }
.Ltmp0:
0x1da: {  	v15 =	vld [tilespmem:$0x1FFD0];
	(pc) =	sbr.rel @p0 .LBB2_2-.Ltmp0, $4  }
0x1db: {  	v17 =	vld [tilespmem:$0x1FFE0];
	v0 =	vadd.f32 v62, v0;
	v2 =	vadd.f32 v3, v2  }
0x1dc: {  	v18 =	vld [tilespmem:$0x1FFF0]  }
0x1dd: {  	v9 =	vld [tilespmem:$0x1FFA0];
	v0 =	vsel vm0, v2, v0  }
0x1de: {  	s31 =	sadd.s32 $0x40, s31;
	v8 =	vimm.s32 $0x0;
	v7 =	vld [tilespmem:$0x1FF90];
	[tilespmem:s0+$0x10400] =	vst v0  }
0x1df: {  	s30 =	sadd.s32 $0x1, s30  }
0x1e0: {  	p0 =	sne.s32 s30, s6  }
.Ltmp1:
0x1e1: {  	_ = 	snop;
	(pc) =	sbr.rel @p0 .LBB2_1-.Ltmp1, $4  }
0x1e2: {  	[hbm4b:s5+s2] =	stream.linear.scatter [tilespmem:s28], [sflag:$0x3], $0x200, $0x38;
	[tilespmem:$0x10600] =	vst v63  }
0x1e3: {  	_ =	swait.ge [sflag:s29], $0x200  }
0x1e4: {  	[sflag:s29] =	ssyncset.done $0x0  }
0x1e5: {  	[sflag:s29] =	ssyncadd.s32 $0xFFFFFE00  }
0x1e6: {  	_ =	sfence.sel $0x180000  }
0x1e7: {  	[bflag:$0x0] =	sbarrier.arrive $0xFFFF  }
0x1e8: {  	_ =	strace $0x9000004A  }
0x1e9: {  	s0 =	stileid.u32;
	[bflag:$0x2] =	sbarrier.arrive $0xFFFF  }
0x1ea: {  	p0 =	sne.s32 s0, $0x0;
	s0 =	rddreg [dreg:$0x5]  }
0x1eb: {  	s0 =	sadd.s32 @!p0 $0x100000, s0  }
0x1ec: {  	[sflag:s0] =	ssyncadd.tile.s32 @!p0 $0x1;
	_ =	shalt  }
.Lfunc_end2:
_tile_overlayer_lowered:
.L_overlay_start_2:
0x1ed: {  	(tag) =	ssettag $0x2  }
0x1ee: {  	s0 =	rddreg [dreg:$0x0];
	s2 =	stileid.u32  }
0x1ef: {  	s1 =	rddreg [dreg:$0x1];
	p0 =	sne.s32 s2, $0x0  }
0x1f0: {  	s3 =	rddreg [dreg:$0x2];
	[bflag:$0x3] =	sbarrier.arrive $0xFFFF;
	s2 =	simm.s32 @!p0 $0x1C03  }
0x1f1: {  	[timem:s3], [sflag:s2] =	dma.local @!p0 [hbm:s0], s1  }
0x1f2: {  	s0 =	simm.s32 @!p0 $0x3  }
0x1f3: {  	_ =	swait.ge @!p0 [sflag:s0], s1  }
0x1f4: {  	s1 =	ssub.s32 @!p0 $0x0, s1;
	[sflag:s0] =	ssyncset.done @!p0 $0x0  }
0x1f5: {  	[sflag:s0] =	ssyncadd.s32 @!p0 s1  }
0x1f6: {  	[bflag:$0x3] =	sbarrier.arrive $0xFFFF  }
0x1f7: {  	_ =	shalt  }

// kernel: kernel.7.cloned.1.call-start
scs
__scs_entry_jumppad:
0x0: {  	(pc) =	sbr.rel $0x88, $3  }
0x1: {  	(tag) =	ssettag $0x0;
	lr =	simm.s32 $0x1  }
0x2: {  	[smem:$0x3F9A] =	sst lr;
	_ =	strace $0xD0000000  }
0x3: {  	_ = 	snop  }
0x4: {  	_ = 	snop  }
0x5: {  	_ = 	snop  }
0x6: {  	_ = 	snop  }
0x7: {  	_ = 	snop  }
__scs_overlays_trampoline_lowered:
0x8: {  	[smem:$0x3FA9] =	sst s0  }
0x9: {  	[smem:$0x3FAA] =	sst s1  }
0xa: {  	[smem:$0x3FAB] =	sst s2  }
0xb: {  	[smem:$0x3FAC] =	sst s3  }
0xc: {  	[smem:$0x3FAD] =	sst s4  }
0xd: {  	[smem:$0x3FAE] =	sst s5  }
0xe: {  	[smem:$0x3FAF] =	sst s6  }
0xf: {  	[smem:$0x3FB0] =	sst s7  }
0x10: {  	[smem:$0x3FB1] =	sst s8  }
0x11: {  	[smem:$0x3FB2] =	sst s9;
	s0 =	simm.s32 @!p0 $0x0  }
0x12: {  	s1 =	sld [smem:$0x3F98];
	s0 =	simm.s32 @p0 $0x1  }
0x13: {  	[smem:$0x3FB3] =	sst s0;
	s0 =	simm.s32 @!p1 $0x0  }
0x14: {  	s2 =	sld [smem:$0x3F97];
	s0 =	simm.s32 @p1 $0x1  }
0x15: {  	[smem:$0x3FB4] =	sst s0;
	s0 =	simm.s32 @!p2 $0x0  }
0x16: {  	s3 =	sld [smem:$0x3FDB];
	s0 =	simm.s32 @p2 $0x1  }
0x17: {  	s4 =	simm.s32 $0x1BF5;
	[smem:$0x3FB6] =	sst s0  }
0x18: {  	s0 =	sld [smem:$0x3F99];
	_ =	swait.ge [sflag:s4], $0x0  }
0x19: {  	s7 =	sld [smem:$0x3F9A]  }
0x1a: {  	s8 =	sadd.s32 $0xFFFFE003, lr  }
0x1b: {  	s9 =	sadd.s32 $0xFFFFFEF7, lr;
	s5 =	simm.s32 $0xFFFFFFFF;
	p2 =	slt.u32 s8, $0xFFFFF086  }
0x1c: {  	p1 =	slt.u32 s9, $0xF7A;
	s5 =	simm.s32 @!p2 $0x0  }
0x1d: {  	s5 =	simm.s32 @p1 $0x1;
	p0 =	seq.s32 s7, s2  }
0x1e: {  	s7 =	smul.u32 @!p0 $0xF7A, s2;
	p2 =	seq.s32 @!p0 s5, $0x0  }
0x1f: {  	s9 =	smul.u32 $0xF7A, s1;
	s8 =	simm.s32 @!p0 $0x1BF5;
	p2 =	por !p2, p0  }
0x20: {  	[sflag:s8] =	ssyncset.s32 @!p0 $0xFFFFF086;
	s6 =	sadd.s32 @!p0 s3, s7;
	s7 =	simm.s32 @!p0 $0x108  }
0x21: {  	s3 =	sadd.s32 s3, s9;
	s6 =	sadd.s32 @!p0 $0x88, s6;
	s7 =	simm.s32 @p2 $0x1082  }
0x22: {  	[simem:s7], [sflag:s8] =	dma.local @!p0 [hbm:s6], $0xF7A  }
0x23: {  	s9 =	sor.u32 $0xD0000000, s2;
	s6 =	simm.s32 $0x108;
	_ =	swait.ge @!p0 [sflag:s8], $0x0  }
0x24: {  	s3 =	sadd.s32 $0x88, s3;
	s6 =	simm.s32 @!p1 $0x1082;
	[sflag:s4] =	ssyncset.s32 $0xFFFFF086  }
0x25: {  	[simem:s6], [sflag:s4] =	dma.local [hbm:s3], $0xF7A  }
0x26: {  	[smem:$0x3F9A] =	sst s1;
	(tag) =	ssettag s2;
	_ =	strace s9  }
0x27: {  	s1 =	sld [smem:$0x3FAA]  }
0x28: {  	s2 =	sld [smem:$0x3FAB]  }
0x29: {  	s4 =	sld [smem:$0x3FAD]  }
0x2a: {  	p0 =	seq.s32 s5, $0x0;
	s5 =	sld [smem:$0x3FAE]  }
0x2b: {  	s6 =	sld [smem:$0x3FAF]  }
0x2c: {  	s7 =	sld [smem:$0x3FB0]  }
0x2d: {  	s3 =	simm.s32 $0x108;
	s8 =	sld [smem:$0x3FB1]  }
0x2e: {  	s3 =	simm.s32 @!p0 $0x1082;
	s9 =	sld [smem:$0x3FB2]  }
0x2f: {  	lr =	sadd.s32 s0, s3;
	s0 =	sld [smem:$0x3FA9]  }
0x30: {  	s3 =	sld [smem:$0x3FAC]  }
0x31: {  	[smem:$0x3FB5] =	sst s10  }
0x32: {  	s10 =	sld [smem:$0x3FB3];
	_ =	sdelay $0x3  }
0x33: {  	p0 =	seq.s32 s10, $0x1;
	s10 =	sld [smem:$0x3FB5];
	_ =	sdelay $0x3  }
0x34: {  	[smem:$0x3FB5] =	sst s10  }
0x35: {  	s10 =	sld [smem:$0x3FB4];
	_ =	sdelay $0x3  }
0x36: {  	p1 =	seq.s32 s10, $0x1;
	s10 =	sld [smem:$0x3FB5];
	_ =	sdelay $0x3  }
0x37: {  	[smem:$0x3FB5] =	sst s10  }
0x38: {  	s10 =	sld [smem:$0x3FB6]  }
0x39: {  	_ = 	snop;
	(pc) =	sbr.ind lr, $3  }
0x3a: {  	_ = 	snop  }
0x3b: {  	_ = 	snop  }
0x3c: {  	p2 =	seq.s32 s10, $0x1;
	s10 =	sld [smem:$0x3FB5]  }
0x3d: {  	_ =	shalt  }
0x3e: {  	_ =	shalt  }
0x3f: {  	_ =	shalt  }
0x40: {  	_ =	shalt  }
0x41: {  	_ =	shalt  }
0x42: {  	_ =	shalt  }
0x43: {  	_ =	shalt  }
0x44: {  	_ =	shalt  }
0x45: {  	_ =	shalt  }
0x46: {  	_ =	shalt  }
0x47: {  	_ =	shalt  }
0x48: {  	_ =	shalt  }
0x49: {  	_ =	shalt  }
0x4a: {  	_ =	shalt  }
0x4b: {  	_ =	shalt  }
0x4c: {  	_ =	shalt  }
0x4d: {  	_ =	shalt  }
0x4e: {  	_ =	shalt  }
0x4f: {  	_ =	shalt  }
0x50: {  	_ =	shalt  }
0x51: {  	_ =	shalt  }
0x52: {  	_ =	shalt  }
0x53: {  	_ =	shalt  }
0x54: {  	_ =	shalt  }
0x55: {  	_ =	shalt  }
0x56: {  	_ =	shalt  }
0x57: {  	_ =	shalt  }
0x58: {  	_ =	shalt  }
0x59: {  	_ =	shalt  }
0x5a: {  	_ =	shalt  }
0x5b: {  	_ =	shalt  }
0x5c: {  	_ =	shalt  }
0x5d: {  	_ =	shalt  }
0x5e: {  	_ =	shalt  }
0x5f: {  	_ =	shalt  }
0x60: {  	_ =	shalt  }
0x61: {  	_ =	shalt  }
0x62: {  	_ =	shalt  }
0x63: {  	_ =	shalt  }
0x64: {  	_ =	shalt  }
0x65: {  	_ =	shalt  }
0x66: {  	_ =	shalt  }
0x67: {  	_ =	shalt  }
0x68: {  	_ =	shalt  }
0x69: {  	_ =	shalt  }
0x6a: {  	_ =	shalt  }
0x6b: {  	_ =	shalt  }
0x6c: {  	_ =	shalt  }
0x6d: {  	_ =	shalt  }
0x6e: {  	_ =	shalt  }
0x6f: {  	_ =	shalt  }
0x70: {  	_ =	shalt  }
0x71: {  	_ =	shalt  }
0x72: {  	_ =	shalt  }
0x73: {  	_ =	shalt  }
0x74: {  	_ =	shalt  }
0x75: {  	_ =	shalt  }
0x76: {  	_ =	shalt  }
0x77: {  	_ =	shalt  }
0x78: {  	_ =	shalt  }
0x79: {  	_ =	shalt  }
0x7a: {  	_ =	shalt  }
0x7b: {  	_ =	shalt  }
0x7c: {  	_ =	shalt  }
0x7d: {  	_ =	shalt  }
0x7e: {  	_ =	shalt  }
0x7f: {  	_ =	shalt  }
0x80: {  	_ =	shalt  }
0x81: {  	_ =	shalt  }
0x82: {  	_ =	shalt  }
0x83: {  	_ =	shalt  }
0x84: {  	_ =	shalt  }
0x85: {  	_ =	shalt  }
0x86: {  	_ =	shalt  }
0x87: {  	_ =	shalt  }
.Lfunc_end0:
.L_simem_size_0:
called_computation.1_lowered:
.L_overlay_start_0:
0x88: {  	s2 =	sld [smem:$0x3FD9]  }
0x89: {  	s3 =	sld [smem:$0x3FFE];
	_ =	sdelay $0x1  }
0x8a: {  	s1 =	srdreg.scid  }
0x8b: {  	s0 =	sand.u32 $0x1, s1  }
0x8c: {  	s17 =	sshll.u32 s0, $0xA;
	s2 =	sadd.s32 s3, s2  }
0x8d: {  	s2 =	sadd.s32 s2, s17  }
0x8e: {  	[smem:$0x3FC1] =	sst s2  }
0x8f: {  	_ = 	snop  }
0x90: {  	s2 =	sld [smem:$0x3FC9]  }
0x91: {  	s18 =	sld [smem:$0x3FC8];
	(tm) =	ssettm $0x1  }
0x92: {  	s4 =	sld [smem:$0x3FFB];
	_ =	sdelay $0x3  }
0x93: {  	_ =	strace s4  }
0x94: {  	s4 =	sld [smem:$0x3FFC];
	_ =	sdelay $0x3  }
0x95: {  	_ =	strace s4  }
0x96: {  	s4 =	sld [smem:$0x3FFD];
	_ =	sdelay $0x3  }
0x97: {  	_ =	strace s4  }
0x98: {  	_ =	strace $0x8FFFFFFF  }
0x99: {  	s19 =	sld [smem:$0x3FDB];
	_ =	sdelay $0x1  }
0x9a: {  	s5 =	simm.s32 $_scs_section_size  }
0x9b: {  	s6 =	simm.s32 $_size__tile_overlayer_lowered;
	s7 =	simm.s32 $_tile_overlayer_lowered  }
0x9c: {  	s22 =	simm.s32 $0x1BFF;
	s21 =	sshll.u32 s7, $0x1;
	s4 =	sadd.s32 s5, s19  }
0x9d: {  	s8 =	simm.s32 $0x0;
	s20 =	sshll.u32 s6, $0x1;
	s6 =	sadd.s32 s21, s4  }
0x9e: {  	[timem:s8], [sflag:s22] =	dma.local [hbm:s6], s20  }
0x9f: {  	_ =	swait.ge [sflag:s22], s20  }
0xa0: {  	s5 =	ssub.s32 $0x0, s20;
	[sflag:s22] =	ssyncset.done $0x0  }
0xa1: {  	[sflag:s22] =	ssyncadd.s32 s5;
	_ =	sdelay $0x1  }
0xa2: {  	s23 =	simm.s32 $0x1B8B  }
0xa3: {  	_ =	swait.ge [sflag:s23], $0x1  }
0xa4: {  	[sflag:s23] =	ssyncset.done $0x0  }
0xa5: {  	s25 =	simm.s32 $0x1B8E;
	s24 =	sld [smem:$0x3FFE];
	[sflag:s23] =	ssyncadd.s32 $0xFFFFFFFF  }
0xa6: {  	s26 =	simm.s32 $execute0_lowered;
	[smem:$0x3FD2] =	sst s25  }
0xa7: {  	s6 =	sshll.u32 s26, $0x1;
	_ =	strace $0x80000046;
	[dreg:$0x1] =	wrdreg $0xFFFFFFFF  }
0xa8: {  	s28 =	simm.s32 $_size_execute0_lowered;
	s4 =	sadd.s32 s4, s6;
	[dreg:$0x0] =	wrdreg $0x0  }
0xa9: {  	s6 =	sshll.u32 s28, $0x1;
	[dreg:$0x2] =	wrdreg s4  }
0xaa: {  	[dreg:$0x3] =	wrdreg s6  }
0xab: {  	[dreg:$0x4] =	wrdreg $0xC0  }
0xac: {  	_ =	task [dreg:s8], $0x5FFFF  }
0xad: {  	[dreg:$0x1] =	wrdreg $0xFFFFFFFF  }
0xae: {  	[dreg:$0x0] =	wrdreg $0x60  }
0xaf: {  	[dreg:$0x2] =	wrdreg s2  }
0xb0: {  	[dreg:$0x3] =	wrdreg s18  }
0xb1: {  	[dreg:$0x4] =	wrdreg s24  }
0xb2: {  	[dreg:$0x5] =	wrdreg $0xA  }
0xb3: {  	_ =	task.clear_ibuf [dreg:s8], $0x6FFFF;
	_ =	strace $0x90000046  }
0xb4: {  	s29 =	simm.s32 $0xA;
	_ =	strace $0x80000048  }
0xb5: {  	_ =	swait.ge [sflag:s29], $0x1  }
0xb6: {  	[sflag:s29] =	ssyncadd.s32 $0xFFFFFFFF  }
0xb7: {  	_ =	strace $0x90000048  }
0xb8: {  	_ =	sfence  }
0xb9: {  	s30 =	sld [smem:$0x0];
	_ =	sdelay $0x2  }
0xba: {  	s31 =	sshll.u32 s1, $0xD;
	s1 =	sshrl.u32 s1, $0x2  }
0xbb: {  	s3 =	sand.u32 $0x4000, s31;
	s1 =	sadd.s32 s1, s30  }
0xbc: {  	s0 =	sor.u32 s3, s0;
	s1 =	sshll.u32 s1, $0x11  }
0xbd: {  	s0 =	sor.u32 s1, s0  }
0xbe: {  	s0 =	sadd.s32 $0x8F2B, s0  }
0xbf: {  	[sflag:s0] =	ssyncadd.remote.s32 $0x1  }
0xc0: {  	_ =	sfence.sel $0xFFFF  }
0xc1: {  	[dreg:$0x0] =	wrdreg $0xFFFFFFFF;
	(pc) =	sbr.abs _section_cstart, $3  }
0xc2: {  	[dreg:$0x1] =	wrdreg $0xFFFFFFFF  }
0xc3: {  	_ =	task.clear_ibuf [dreg:s8], $0x2FFFF;
	_ =	strace $0x9FFFFFFF  }
0xc4: {  	(tm) =	ssettm $0x7FFFFFFF  }
0xc5: {  	_ =	shalt  }
tec
execute0_lowered:
.L_overlay_start_1:
0x0: {  	(tag) =	ssettag $0x1  }
0x1: {  	s5 =	rddreg [dreg:$0x0]  }
0x2: {  	s6 =	rddreg [dreg:$0x1]  }
0x3: {  	s2 =	rddreg [dreg:$0x2]  }
0x4: {  	s0 =	rddreg [dreg:$0x3];
	s4 =	srdreg.scid  }
0x5: {  	s3 =	simm.s32 $0x0;
	s1 =	stileid.u32;
	s11 =	simm.s32 $0x80  }
0x6: {  	s12 =	simm.s32 $0x400;
	s13 =	simm.s32 $0x600;
	s14 =	simm.s32 $0x480  }
0x7: {  	s15 =	simm.s32 $0x280;
	s16 =	simm.s32 $0x680;
	s17 =	simm.s32 $0x100  }
0x8: {  	s18 =	simm.s32 $0x500;
	s19 =	simm.s32 $0x300;
	s20 =	simm.s32 $0x700  }
0x9: {  	s21 =	simm.s32 $0x180;
	s22 =	simm.s32 $0x580;
	s23 =	simm.s32 $0x380  }
0xa: {  	s24 =	simm.s32 $0x780;
	s25 =	simm.s32 $0x800;
	s26 =	simm.s32 $0x2  }
0xb: {  	s28 =	simm.s32 $0x0;
	s4 =	sand.u32 $0x1, s4;
	[smem:$0x7FF] =	sst s3  }
0xc: {  	s7 =	sshll.u32 s1, $0x7;
	s8 =	sshll.u32 s4, $0x6;
	s31 =	ssub.s32 $0x2, s4  }
0xd: {  	_ =	strace $0x80000047;
	s7 =	sor.u32 s8, s7;
	s10 =	sshrl.u32 s31, $0x1  }
0xe: {  	s4 =	sadd.s32 $0x1EA00, s2;
	s9 =	sadd.s32 s7, s2;
	s8 =	ssub.s32 s31, s10  }
0xf: {  	s5 =	sadd.s32 s5, s7;
	s6 =	sadd.s32 s6, s7;
	s10 =	simm.s32 $0x1  }
0x10: {  	s7 =	sadd.s32 $0x3D400, s9;
	s8 =	smax.u32 s8, $0x1;
	s9 =	simm.s32 $0x200  }
.LBB2_1:
0x11: {  	[tilespmem:s3], [sflag:$0x1] =	stream.linear.gather [hbm4b:s5+s3], $0x200, $0x38;
	[tilespmem:$0xA00] =	vst v63  }
0x12: {  	_ = 	snop  }
0x13: {  	[tilespmem:s9], [sflag:$0x1] =	stream.linear.gather [hbm4b:s6+s3], $0x200, $0x38;
	[tilespmem:$0xA00] =	vst v63  }
0x14: {  	_ =	swait.ge [sflag:s10], $0x200  }
0x15: {  	[sflag:s10] =	ssyncset.done $0x0  }
0x16: {  	[sflag:s10] =	ssyncadd.s32 $0xFFFFFE00  }
0x17: {  	_ =	swait.ge [sflag:s10], $0x200  }
0x18: {  	[sflag:s10] =	ssyncset.done $0x0  }
0x19: {  	[sflag:s10] =	ssyncadd.s32 $0xFFFFFE00  }
0x1a: {  	[tilespmem:s12], [sflag:$0x1] =	stream.indirect.gather [hbm4b:s2+s11], $0x1, s3, s11, $0xb8;
	[tilespmem:$0xA00] =	vst v63  }
0x1b: {  	_ = 	snop  }
0x1c: {  	[tilespmem:s13], [sflag:$0x1] =	stream.indirect.gather [hbm4b:s4+s11], $0x1, s9, s11, $0xb8;
	[tilespmem:$0xA00] =	vst v63  }
0x1d: {  	_ = 	snop  }
0x1e: {  	[tilespmem:s14], [sflag:$0x1] =	stream.indirect.gather [hbm4b:s2+s11], $0x1, s11, s11, $0xb8;
	[tilespmem:$0xA00] =	vst v63  }
0x1f: {  	_ = 	snop  }
0x20: {  	[tilespmem:s16], [sflag:$0x1] =	stream.indirect.gather [hbm4b:s4+s11], $0x1, s15, s11, $0xb8;
	[tilespmem:$0xA00] =	vst v63  }
0x21: {  	_ = 	snop  }
0x22: {  	[tilespmem:s18], [sflag:$0x1] =	stream.indirect.gather [hbm4b:s2+s11], $0x1, s17, s11, $0xb8;
	[tilespmem:$0xA00] =	vst v63  }
0x23: {  	_ = 	snop  }
0x24: {  	[tilespmem:s20], [sflag:$0x1] =	stream.indirect.gather [hbm4b:s4+s11], $0x1, s19, s11, $0xb8;
	[tilespmem:$0xA00] =	vst v63  }
0x25: {  	_ = 	snop  }
0x26: {  	[tilespmem:s22], [sflag:$0x1] =	stream.indirect.gather [hbm4b:s2+s11], $0x1, s21, s11, $0xb8;
	[tilespmem:$0xA00] =	vst v63  }
0x27: {  	_ = 	snop  }
0x28: {  	[tilespmem:s24], [sflag:$0x1] =	stream.indirect.gather [hbm4b:s4+s11], $0x1, s23, s11, $0xb8;
	[tilespmem:$0xA00] =	vst v63  }
0x29: {  	_ =	swait.ge [sflag:s10], $0x80  }
0x2a: {  	[sflag:s10] =	ssyncset.done $0x0  }
0x2b: {  	[sflag:s10] =	ssyncadd.s32 $0xFFFFFF80  }
0x2c: {  	_ =	swait.ge [sflag:s10], $0x80  }
0x2d: {  	[sflag:s10] =	ssyncset.done $0x0  }
0x2e: {  	[sflag:s10] =	ssyncadd.s32 $0xFFFFFF80  }
0x2f: {  	_ =	swait.ge [sflag:s10], $0x80  }
0x30: {  	[sflag:s10] =	ssyncset.done $0x0  }
0x31: {  	[sflag:s10] =	ssyncadd.s32 $0xFFFFFF80  }
0x32: {  	_ =	swait.ge [sflag:s10], $0x80  }
0x33: {  	[sflag:s10] =	ssyncset.done $0x0  }
0x34: {  	[sflag:s10] =	ssyncadd.s32 $0xFFFFFF80  }
0x35: {  	_ =	swait.ge [sflag:s10], $0x80  }
0x36: {  	[sflag:s10] =	ssyncset.done $0x0  }
0x37: {  	[sflag:s10] =	ssyncadd.s32 $0xFFFFFF80  }
0x38: {  	_ =	swait.ge [sflag:s10], $0x80  }
0x39: {  	[sflag:s10] =	ssyncset.done $0x0  }
0x3a: {  	[sflag:s10] =	ssyncadd.s32 $0xFFFFFF80  }
0x3b: {  	_ =	swait.ge [sflag:s10], $0x80  }
0x3c: {  	[sflag:s10] =	ssyncset.done $0x0  }
0x3d: {  	[sflag:s10] =	ssyncadd.s32 $0xFFFFFF80  }
0x3e: {  	_ =	swait.ge [sflag:s10], $0x80  }
0x3f: {  	[sflag:s10] =	ssyncset.done $0x0  }
0x40: {  	s29 =	simm.s32 $0x0;
	[sflag:s10] =	ssyncadd.s32 $0xFFFFFF80  }
0x41: {  	v0 =	vld [tilespmem:s29+$0x400]  }
0x42: {  	s30 =	simm.s32 $0x40;
	v1 =	vld [tilespmem:s29+$0x600]  }
.LBB2_2:
0x43: {  	_ = 	snop  }
0x44: {  	p0 =	sne.s32 s30, $0x7C0  }
.Ltmp0:
0x45: {  	_ = 	snop;
	(pc) =	sbr.rel @p0 .LBB2_2-.Ltmp0, $4  }
0x46: {  	_ = 	snop  }
0x47: {  	s31 =	sshra.s32 s30, $0x2;
	v2 =	vadd.f32 v1, v0  }
0x48: {  	v0 =	vld [tilespmem:s31+$0x400]  }
0x49: {  	s30 =	sadd.s32 $0x40, s30;
	v1 =	vld [tilespmem:s31+$0x600];
	[tilespmem:s29+$0x800] =	vst v2;
	s29 =	smov.u32 s31  }
0x4a: {  	_ =	sdelay $0x3  }
0x4b: {  	s28 =	sadd.s32 $0x1, s28;
	v0 =	vadd.f32 v1, v0  }
0x4c: {  	p0 =	sne.s32 s28, s8  }
.Ltmp1:
0x4d: {  	[tilespmem:s29+$0x800] =	vst v0;
	(pc) =	sbr.rel @p0 .LBB2_1-.Ltmp1, $4  }
0x4e: {  	[hbm4b:s7+s3] =	stream.linear.scatter [tilespmem:s25], [sflag:$0x2], $0x200, $0x38;
	[tilespmem:$0xA00] =	vst v63  }
0x4f: {  	_ =	swait.ge [sflag:s26], $0x200  }
0x50: {  	[sflag:s26] =	ssyncset.done $0x0  }
0x51: {  	[sflag:s26] =	ssyncadd.s32 $0xFFFFFE00  }
0x52: {  	_ =	sfence.sel $0x180000  }
0x53: {  	[bflag:$0x0] =	sbarrier.arrive $0xFFFF  }
0x54: {  	p0 =	sne.s32 s1, $0x0;
	_ =	strace $0x90000047  }
0x55: {  	s0 =	sadd.s32 @!p0 $0x100000, s0;
	[bflag:$0x2] =	sbarrier.arrive $0xFFFF  }
0x56: {  	[sflag:s0] =	ssyncadd.tile.s32 @!p0 $0x1;
	_ =	shalt  }
.Lfunc_end2:
_tile_overlayer_lowered:
.L_overlay_start_2:
0x57: {  	(tag) =	ssettag $0x2  }
0x58: {  	s0 =	rddreg [dreg:$0x0];
	s2 =	stileid.u32  }
0x59: {  	s1 =	rddreg [dreg:$0x1];
	p0 =	sne.s32 s2, $0x0  }
0x5a: {  	s3 =	rddreg [dreg:$0x2];
	[bflag:$0x3] =	sbarrier.arrive $0xFFFF;
	s2 =	simm.s32 @!p0 $0x1C02  }
0x5b: {  	[timem:s3], [sflag:s2] =	dma.local @!p0 [hbm:s0], s1  }
0x5c: {  	s0 =	simm.s32 @!p0 $0x2  }
0x5d: {  	_ =	swait.ge @!p0 [sflag:s0], s1  }
0x5e: {  	s1 =	ssub.s32 @!p0 $0x0, s1;
	[sflag:s0] =	ssyncset.done @!p0 $0x0  }
0x5f: {  	[sflag:s0] =	ssyncadd.s32 @!p0 s1  }
0x60: {  	[bflag:$0x3] =	sbarrier.arrive $0xFFFF  }
0x61: {  	_ =	shalt  }

</sc_bundles>
